<compile_context>
chip_gen: v7x
topology: tpu7x:2x2x1
jax: 0.10.2.dev20260603
libtpu: 0.0.44.dev20260713+nightly
codegen_flags: <defaults>
</compile_context>

<pallas_src>
import functools

import jax
import jax.numpy as jnp
from jax import lax
from jax.experimental import pallas as pl
from jax.experimental.pallas import tpu as pltpu
from jax.experimental.pallas import tpu_sc as plsc

N = 10000
E = 320000
IN_DIM = 128
NUM_CONFS = 16
CONF_EMB = 4
HIDDEN = 64
OUT = 32

NPAD = 10240
NCORES = 2
NSUB = 16
NW = NCORES * NSUB
CHUNK = 128
EPW = E // NW
FULL = EPW // CHUNK
TAIL = EPW - FULL * CHUNK
SIDX = 10016
ROWS_PER_TILE = NPAD // NSUB

_mesh = lambda: plsc.VectorSubcoreMesh(core_axis_name="c", subcore_axis_name="s")
_SC_PARAMS = pltpu.CompilerParams(use_tc_tiling_on_sc=False)


@functools.partial(
    pl.kernel,
    out_type=jax.ShapeDtypeStruct((NCORES, NPAD, 1), jnp.float32),
    mesh=_mesh(),
    compiler_params=_SC_PARAMS,
    scratch_types=(
        [pltpu.VMEM_SHARED((NPAD, 1), jnp.float32),
         pltpu.VMEM((TAIL,), jnp.int32),
         pltpu.VMEM((CHUNK, 1), jnp.float32),
         pltpu.VMEM((TAIL, 1), jnp.float32)]
        + [pltpu.VMEM((CHUNK,), jnp.int32)] * 4
        + [pltpu.SemaphoreType.DMA] * 8
    ),
)
def _sc_deg(ei_hbm, ones_hbm, out_hbm, deg_s, dT, ones_v, ones_t, *bufs):
    dbufs = bufs[0:4]
    semd = bufs[4:8]
    sems = bufs[8:12]
    c = lax.axis_index("c")
    s = lax.axis_index("s")
    w = c * NSUB + s
    r0 = s * ROWS_PER_TILE
    base = w * EPW

    pltpu.sync_copy(ones_hbm, ones_v)
    pltpu.sync_copy(ones_hbm.at[pl.ds(0, TAIL)], ones_t)
    for i in range(ROWS_PER_TILE // CHUNK):
        pltpu.sync_copy(ones_v, deg_s.at[pl.ds(r0 + i * CHUNK, CHUNK)])

    plsc.subcore_barrier()

    def deg_group(j, nbuf):
        dds = [pltpu.async_copy(
                   ei_hbm.at[pl.ds(E + base + (j * 4 + k) * CHUNK, CHUNK)],
                   dbufs[k], semd[k])
               for k in range(nbuf)]
        sds = []
        for k in range(nbuf):
            dds[k].wait()
            sds.append(pltpu.async_copy(ones_v, deg_s.at[dbufs[k]], sems[k],
                                        add=True))
        for d in sds:
            d.wait()

    @pl.loop(0, FULL // 4)
    def _(j):
        deg_group(j, 4)

    deg_group(FULL // 4, FULL - (FULL // 4) * 4)

    pltpu.sync_copy(ei_hbm.at[pl.ds(E + base + FULL * CHUNK, TAIL)], dT)
    pltpu.sync_copy(ones_t, deg_s.at[dT], add=True)

    plsc.subcore_barrier()
    pltpu.sync_copy(deg_s.at[pl.ds(r0, ROWS_PER_TILE)],
                    out_hbm.at[c, pl.ds(r0, ROWS_PER_TILE)])


NBUF = 4
NGROUPS = FULL // NBUF
REM = FULL - NGROUPS * NBUF


def _make_sc_agg(D):
    @functools.partial(
        pl.kernel,
        out_type=jax.ShapeDtypeStruct((NCORES, NPAD, D), jnp.float32),
        mesh=_mesh(),
        compiler_params=_SC_PARAMS,
        scratch_types=(
            [pltpu.VMEM_SHARED((NPAD, D), jnp.float32),
             pltpu.VMEM_SHARED((NPAD, D), jnp.float32),
             pltpu.VMEM((SIDX,), jnp.int32),
             pltpu.VMEM((TAIL,), jnp.int32),
             pltpu.VMEM((TAIL, D), jnp.float32)]
            + [pltpu.VMEM((CHUNK,), jnp.int32)] * NBUF
            + [pltpu.VMEM((CHUNK, D), jnp.float32)] * NBUF
            + [pltpu.SemaphoreType.DMA] * (3 * NBUF)
        ),
    )
    def sc_agg(g_hbm, ei_hbm, out_hbm, agg_s, gtab_s, sidx, dtail, rtail,
               *bufs):
        dbufs = bufs[0:NBUF]
        rows = bufs[NBUF:2 * NBUF]
        semd = bufs[2 * NBUF:3 * NBUF]
        semg = bufs[3 * NBUF:4 * NBUF]
        sems = bufs[4 * NBUF:5 * NBUF]
        c = lax.axis_index("c")
        s = lax.axis_index("s")
        w = c * NSUB + s
        r0 = s * ROWS_PER_TILE
        base = w * EPW

        pltpu.sync_copy(ei_hbm.at[pl.ds(base, EPW)],
                        sidx.at[pl.ds(0, EPW)])
        pltpu.sync_copy(g_hbm.at[pl.ds(r0, ROWS_PER_TILE)],
                        gtab_s.at[pl.ds(r0, ROWS_PER_TILE)])
        pltpu.sync_copy(g_hbm.at[pl.ds(r0, ROWS_PER_TILE)],
                        agg_s.at[pl.ds(r0, ROWS_PER_TILE)])

        plsc.subcore_barrier()

        def do_group(j, nbuf):
            gds = []
            dds = []
            for k in range(nbuf):
                o = base + (j * NBUF + k) * CHUNK
                dds.append(pltpu.async_copy(ei_hbm.at[pl.ds(E + o, CHUNK)],
                                            dbufs[k], semd[k]))
                gds.append(pltpu.async_copy(
                    gtab_s.at[sidx.at[pl.ds((j * NBUF + k) * CHUNK, CHUNK)]],
                    rows[k], semg[k]))
            sds = []
            for k in range(nbuf):
                dds[k].wait()
                gds[k].wait()
                sds.append(pltpu.async_copy(rows[k], agg_s.at[dbufs[k]],
                                            sems[k], add=True))
            for d in sds:
                d.wait()

        @pl.loop(0, NGROUPS)
        def _(j):
            do_group(j, NBUF)

        do_group(NGROUPS, REM)

        pltpu.sync_copy(ei_hbm.at[pl.ds(E + base + FULL * CHUNK, TAIL)], dtail)
        pltpu.sync_copy(gtab_s.at[sidx.at[pl.ds(FULL * CHUNK, TAIL)]], rtail)
        pltpu.sync_copy(rtail, agg_s.at[dtail], add=True)

        plsc.subcore_barrier()
        pltpu.sync_copy(agg_s.at[pl.ds(r0, ROWS_PER_TILE)],
                        out_hbm.at[c, pl.ds(r0, ROWS_PER_TILE)])

    return sc_agg


_sc_agg64 = _make_sc_agg(HIDDEN)
_sc_agg32 = _make_sc_agg(OUT)


RBP = 2048
GRIDP = NPAD // RBP


def _tc1a_body(x_ref, cid_ref, ct_ref, w1a_ref, w1b_ref, hw_ref):
    xb = x_ref[...]
    ids = cid_ref[...]
    ctw = jnp.dot(ct_ref[...], w1b_ref[...],
                  preferred_element_type=jnp.float32)
    onehot = (ids == lax.broadcasted_iota(jnp.int32, (RBP, NUM_CONFS), 1)
              ).astype(jnp.float32)
    hw_ref[...] = (
        jnp.dot(xb, w1a_ref[...], preferred_element_type=jnp.float32)
        + jnp.dot(onehot, ctw, preferred_element_type=jnp.float32))


def _tc1a(x, cid2, ct, w1a, w1b):
    return pl.pallas_call(
        _tc1a_body,
        grid=(GRIDP,),
        in_specs=[
            pl.BlockSpec((RBP, IN_DIM), lambda i: (i, 0)),
            pl.BlockSpec((RBP, 1), lambda i: (i, 0)),
            pl.BlockSpec((NUM_CONFS, CONF_EMB), lambda i: (0, 0)),
            pl.BlockSpec((IN_DIM, HIDDEN), lambda i: (0, 0)),
            pl.BlockSpec((CONF_EMB, HIDDEN), lambda i: (0, 0)),
        ],
        out_specs=pl.BlockSpec((RBP, HIDDEN), lambda i: (i, 0)),
        out_shape=jax.ShapeDtypeStruct((NPAD, HIDDEN), jnp.float32),
    )(x, cid2, ct, w1a, w1b)


def _tc1b_body(hw_ref, degp_ref, g1_ref, dinv_ref):
    deg = degp_ref[0] + degp_ref[1] - 1.0
    dinv = lax.rsqrt(deg)
    g1_ref[...] = hw_ref[...] * dinv
    dinv_ref[...] = dinv


def _tc1b(hw, degp):
    return pl.pallas_call(
        _tc1b_body,
        grid=(GRIDP,),
        in_specs=[
            pl.BlockSpec((RBP, HIDDEN), lambda i: (i, 0)),
            pl.BlockSpec((NCORES, RBP, 1), lambda i: (0, i, 0)),
        ],
        out_specs=[
            pl.BlockSpec((RBP, HIDDEN), lambda i: (i, 0)),
            pl.BlockSpec((RBP, 1), lambda i: (i, 0)),
        ],
        out_shape=[
            jax.ShapeDtypeStruct((NPAD, HIDDEN), jnp.float32),
            jax.ShapeDtypeStruct((NPAD, 1), jnp.float32),
        ],
    )(hw, degp)


def _tc2_body(p_ref, g1_ref, dinv_ref, b1_ref, w2_ref, g2_ref):
    agg = p_ref[0] + p_ref[1] - g1_ref[...]
    dinv = dinv_ref[...]
    h2 = jnp.maximum(agg * dinv + b1_ref[...], 0.0)
    hw2 = jnp.dot(h2, w2_ref[...], preferred_element_type=jnp.float32)
    g2_ref[...] = hw2 * dinv


def _tc2(p1, g1, dinv, b1r, w2):
    return pl.pallas_call(
        _tc2_body,
        grid=(GRIDP,),
        in_specs=[
            pl.BlockSpec((NCORES, RBP, HIDDEN), lambda i: (0, i, 0)),
            pl.BlockSpec((RBP, HIDDEN), lambda i: (i, 0)),
            pl.BlockSpec((RBP, 1), lambda i: (i, 0)),
            pl.BlockSpec((1, HIDDEN), lambda i: (0, 0)),
            pl.BlockSpec((HIDDEN, OUT), lambda i: (0, 0)),
        ],
        out_specs=pl.BlockSpec((RBP, OUT), lambda i: (i, 0)),
        out_shape=jax.ShapeDtypeStruct((NPAD, OUT), jnp.float32),
    )(p1, g1, dinv, b1r, w2)


RB3 = 2000
GRID3 = N // RB3


def _tc3_body(q_ref, g2_ref, dinv_ref, b2_ref, out_ref):
    agg = q_ref[0] + q_ref[1] - g2_ref[...]
    out_ref[...] = agg * dinv_ref[...] + b2_ref[...]


def _tc3(p2, g2, dinv, b2r):
    return pl.pallas_call(
        _tc3_body,
        grid=(GRID3,),
        in_specs=[
            pl.BlockSpec((NCORES, RB3, OUT), lambda i: (0, i, 0)),
            pl.BlockSpec((RB3, OUT), lambda i: (i, 0)),
            pl.BlockSpec((RB3, 1), lambda i: (i, 0)),
            pl.BlockSpec((1, OUT), lambda i: (0, 0)),
        ],
        out_specs=pl.BlockSpec((RB3, OUT), lambda i: (i, 0)),
        out_shape=jax.ShapeDtypeStruct((N, OUT), jnp.float32),
    )(p2, g2, dinv, b2r)


@jax.jit
def _impl(x, conf_ids, edge_index, conf_table, W1, b1, W2, b2):
    ei = edge_index.astype(jnp.int32).reshape(2 * E)
    cid2 = conf_ids.reshape(N, 1).astype(jnp.int32)
    ones128 = jnp.ones((CHUNK, 1), jnp.float32)

    degp = _sc_deg(ei, ones128)
    hw = _tc1a(x, cid2, conf_table, W1[:IN_DIM], W1[IN_DIM:])
    g1, dinv = _tc1b(hw, degp)
    p1 = _sc_agg64(g1, ei)
    g2 = _tc2(p1, g1, dinv, b1.reshape(1, HIDDEN), W2)
    p2 = _sc_agg32(g2, ei)
    return _tc3(p2, g2, dinv, b2.reshape(1, OUT))


def kernel(x, conf_ids, edge_index, conf_table, W1, b1, W2, b2):
    return _impl(x, conf_ids, edge_index, conf_table, W1, b1, W2, b2)

# --- scband reference (transcript-rebuilt; emitter-appended) ---
"""Pipeline reference for scband-gcnencoder-45346264711627 (READ-ONLY COPY).

The authoritative reference and input builder live on the scoring server;
editing this copy changes nothing except your own understanding.
"""

import jax, jax.numpy as jnp
import numpy as np

N = 10000
E = 320000
IN_DIM = 128
NUM_CONFS = 16
CONF_EMB = 4
HIDDEN = 64
OUT = 32


def setup_inputs(seed: int = 0) -> dict:
    key = jax.random.key(seed)
    ks = jax.random.split(key, 9)
    x = jax.random.normal(ks[0], (N, IN_DIM), dtype=jnp.float32)
    conf_ids = jax.random.randint(ks[1], (N,), 0, NUM_CONFS, dtype=jnp.int64 if jax.config.jax_enable_x64 else jnp.int32)
    edge_index = jax.random.randint(ks[2], (2, E), 0, N, dtype=jnp.int64 if jax.config.jax_enable_x64 else jnp.int32)
    conf_table = jax.random.normal(ks[3], (NUM_CONFS, CONF_EMB), dtype=jnp.float32) * 0.1
    W1 = jax.random.normal(ks[4], (IN_DIM + CONF_EMB, HIDDEN), dtype=jnp.float32) * 0.05
    b1 = jnp.zeros((HIDDEN,), dtype=jnp.float32)
    W2 = jax.random.normal(ks[5], (HIDDEN, OUT), dtype=jnp.float32) * 0.05
    b2 = jnp.zeros((OUT,), dtype=jnp.float32)
    return {"x": x, "conf_ids": conf_ids, "edge_index": edge_index,
            "conf_table": conf_table, "W1": W1, "b1": b1, "W2": W2, "b2": b2}


def _gcn_conv(h, edge_index, W, b, n_nodes):
    # PyG GCNConv with add_self_loops=True, normalize=True, edge_weight=None
    src = edge_index[0]
    dst = edge_index[1]
    loop = jnp.arange(n_nodes, dtype=src.dtype)
    src = jnp.concatenate([src, loop])
    dst = jnp.concatenate([dst, loop])
    ew = jnp.ones(src.shape[0], dtype=h.dtype)
    deg = jnp.zeros((n_nodes,), dtype=h.dtype).at[dst].add(ew)
    deg_inv_sqrt = jnp.where(deg > 0, deg ** -0.5, 0.0)
    norm = deg_inv_sqrt[src] * ew * deg_inv_sqrt[dst]
    hw = h @ W  # lin has bias=False in GCNConv
    msg = hw[src] * norm[:, None]
    out = jnp.zeros((n_nodes, W.shape[1]), dtype=h.dtype).at[dst].add(msg)
    return out + b


def reference(x, conf_ids, edge_index, conf_table, W1, b1, W2, b2):
    conf_emb = jnp.take(conf_table, conf_ids, axis=0)
    h = jnp.concatenate([x, conf_emb], axis=-1)
    h = _gcn_conv(h, edge_index, W1, b1, N)
    h = jax.nn.relu(h)
    out = _gcn_conv(h, edge_index, W2, b2, N)
    return out

if __name__ == "__main__":
    import jax
    _d = setup_inputs()
    print(jax.jit(kernel)(*tuple(_d.values())))

</pallas_src>

<mosaic_0001>
#map = affine_map<(d0, d1) -> (0, 0)>
#map1 = affine_map<(d0, d1) -> (0)>
#map2 = affine_map<(d0, d1) -> (0, 0, 0)>
module attributes {stable_mosaic.version = 14 : i64} {
  func.func @sc_agg(%arg0: i32, %arg1: i32, %arg2: memref<10240x32xf32, #tpu.memory_space<hbm>>, %arg3: memref<640000xi32, #tpu.memory_space<hbm>>, %arg4: memref<2x10240x32xf32, #tpu.memory_space<hbm>>, %arg5: memref<10240x32xf32, #tpu.memory_space<vmem_shared>>, %arg6: memref<10240x32xf32, #tpu.memory_space<vmem_shared>>, %arg7: memref<10016xi32, #tpu.memory_space<vmem>>, %arg8: memref<16xi32, #tpu.memory_space<vmem>>, %arg9: memref<16x32xf32, #tpu.memory_space<vmem>>, %arg10: memref<128xi32, #tpu.memory_space<vmem>>, %arg11: memref<128xi32, #tpu.memory_space<vmem>>, %arg12: memref<128xi32, #tpu.memory_space<vmem>>, %arg13: memref<128xi32, #tpu.memory_space<vmem>>, %arg14: memref<128x32xf32, #tpu.memory_space<vmem>>, %arg15: memref<128x32xf32, #tpu.memory_space<vmem>>, %arg16: memref<128x32xf32, #tpu.memory_space<vmem>>, %arg17: memref<128x32xf32, #tpu.memory_space<vmem>>, %arg18: memref<!tpu.dma_semaphore, #tpu.memory_space<semaphore_mem>>, %arg19: memref<!tpu.dma_semaphore, #tpu.memory_space<semaphore_mem>>, %arg20: memref<!tpu.dma_semaphore, #tpu.memory_space<semaphore_mem>>, %arg21: memref<!tpu.dma_semaphore, #tpu.memory_space<semaphore_mem>>, %arg22: memref<!tpu.dma_semaphore, #tpu.memory_space<semaphore_mem>>, %arg23: memref<!tpu.dma_semaphore, #tpu.memory_space<semaphore_mem>>, %arg24: memref<!tpu.dma_semaphore, #tpu.memory_space<semaphore_mem>>, %arg25: memref<!tpu.dma_semaphore, #tpu.memory_space<semaphore_mem>>, %arg26: memref<!tpu.dma_semaphore, #tpu.memory_space<semaphore_mem>>, %arg27: memref<!tpu.dma_semaphore, #tpu.memory_space<semaphore_mem>>, %arg28: memref<!tpu.dma_semaphore, #tpu.memory_space<semaphore_mem>>, %arg29: memref<!tpu.dma_semaphore, #tpu.memory_space<semaphore_mem>>) attributes {dimension_semantics = [#tpu.dimension_semantics<core_parallel>, #tpu.dimension_semantics<subcore_parallel>], iteration_bounds = array<i64: 2, 16>, scalar_prefetch = 0 : i64, scratch_operands = 25 : i64, tpu.core_type = #tpu.core_type<sc_vector_subcore>, window_params = [{transform_indices = #map}, {transform_indices = #map1}, {transform_indices = #map2}]} {
    %mul3A = arith.constant 16 : i32
    %mul3A_0 = arith.muli %arg0, %mul3A : i32
    %add3A = arith.addi %mul3A_0, %arg1 : i32
    %mul3A_1 = arith.constant 640 : i32
    %mul3A_2 = arith.muli %arg1, %mul3A_1 : i32
    %mul3A_3 = arith.constant 10000 : i32
    %mul3A_4 = arith.muli %add3A, %mul3A_3 : i32
    "tpu.region"() ({
      %run_scoped3A = tpu.sem_alloc : memref<!tpu.dma_semaphore, #tpu.memory_space<semaphore_mem>>
      %dma_start3A_60 = arith.constant 0 : i32
      %dma_start3A_61 = tpu.memref_slice %arg7[%dma_start3A_60] : memref<10016xi32, #tpu.memory_space<vmem>> -> memref<10000xi32, #tpu.memory_space<vmem>>
      %dma_start3A_62 = tpu.memref_slice %arg3[%mul3A_4] : memref<640000xi32, #tpu.memory_space<hbm>> -> memref<10000xi32, #tpu.memory_space<hbm>>
      %dma_start3A_63 = arith.constant 0 : i32
      %dma_start3A_64 = tpu.memref_slice %arg7[%dma_start3A_63] : memref<10016xi32, #tpu.memory_space<vmem>> -> memref<10000xi32, #tpu.memory_space<vmem>>
      %dma_start3A_65 = tpu.memref_slice %arg3[%mul3A_4] : memref<640000xi32, #tpu.memory_space<hbm>> -> memref<10000xi32, #tpu.memory_space<hbm>>
      tpu.enqueue_dma source(%dma_start3A_65 : memref<10000xi32, #tpu.memory_space<hbm>>) target(%dma_start3A_64 : memref<10000xi32, #tpu.memory_space<vmem>>) target_semaphore(%run_scoped3A : memref<!tpu.dma_semaphore, #tpu.memory_space<semaphore_mem>>)
      %dma_wait3A_66 = arith.constant 0 : i32
      %dma_wait3A_67 = tpu.memref_slice %arg7[%dma_wait3A_66] : memref<10016xi32, #tpu.memory_space<vmem>> -> memref<10000xi32, #tpu.memory_space<vmem>>
      %dma_wait3A_68 = tpu.memref_slice %arg3[%mul3A_4] : memref<640000xi32, #tpu.memory_space<hbm>> -> memref<10000xi32, #tpu.memory_space<hbm>>
      %dma_wait3A_69 = arith.constant 0 : i32
      %dma_wait3A_70 = tpu.memref_slice %arg7[%dma_wait3A_69] : memref<10016xi32, #tpu.memory_space<vmem>> -> memref<10000xi32, #tpu.memory_space<vmem>>
      %dma_wait3A_71 = tpu.memref_slice %arg3[%mul3A_4] : memref<640000xi32, #tpu.memory_space<hbm>> -> memref<10000xi32, #tpu.memory_space<hbm>>
      tpu.wait_dma2 semaphore(%run_scoped3A : memref<!tpu.dma_semaphore, #tpu.memory_space<semaphore_mem>>) src(%dma_wait3A_71 : memref<10000xi32, #tpu.memory_space<hbm>>) dst(%dma_wait3A_70 : memref<10000xi32, #tpu.memory_space<vmem>>)
      tpu.yield
    }) : () -> ()
    "tpu.region"() ({
      %run_scoped3A = tpu.sem_alloc : memref<!tpu.dma_semaphore, #tpu.memory_space<semaphore_mem>>
      %dma_start3A_60 = arith.constant 0 : i32
      %dma_start3A_61 = tpu.memref_slice %arg6[%mul3A_2, %dma_start3A_60] : memref<10240x32xf32, #tpu.memory_space<vmem_shared>> -> memref<640x32xf32, #tpu.memory_space<vmem_shared>>
      %dma_start3A_62 = arith.constant 0 : i32
      %dma_start3A_63 = tpu.memref_slice %arg2[%mul3A_2, %dma_start3A_62] : memref<10240x32xf32, #tpu.memory_space<hbm>> -> memref<640x32xf32, #tpu.memory_space<hbm>>
      tpu.enqueue_dma source(%dma_start3A_63 : memref<640x32xf32, #tpu.memory_space<hbm>>) target(%dma_start3A_61 : memref<640x32xf32, #tpu.memory_space<vmem_shared>>) target_semaphore(%run_scoped3A : memref<!tpu.dma_semaphore, #tpu.memory_space<semaphore_mem>>)
      %dma_wait3A_64 = arith.constant 0 : i32
      %dma_wait3A_65 = tpu.memref_slice %arg6[%mul3A_2, %dma_wait3A_64] : memref<10240x32xf32, #tpu.memory_space<vmem_shared>> -> memref<640x32xf32, #tpu.memory_space<vmem_shared>>
      %dma_wait3A_66 = arith.constant 0 : i32
      %dma_wait3A_67 = tpu.memref_slice %arg2[%mul3A_2, %dma_wait3A_66] : memref<10240x32xf32, #tpu.memory_space<hbm>> -> memref<640x32xf32, #tpu.memory_space<hbm>>
      tpu.wait_dma2 semaphore(%run_scoped3A : memref<!tpu.dma_semaphore, #tpu.memory_space<semaphore_mem>>) src(%dma_wait3A_67 : memref<640x32xf32, #tpu.memory_space<hbm>>) dst(%dma_wait3A_65 : memref<640x32xf32, #tpu.memory_space<vmem_shared>>)
      tpu.yield
    }) : () -> ()
    "tpu.region"() ({
      %run_scoped3A = tpu.sem_alloc : memref<!tpu.dma_semaphore, #tpu.memory_space<semaphore_mem>>
      %dma_start3A_60 = arith.constant 0 : i32
      %dma_start3A_61 = tpu.memref_slice %arg5[%mul3A_2, %dma_start3A_60] : memref<10240x32xf32, #tpu.memory_space<vmem_shared>> -> memref<640x32xf32, #tpu.memory_space<vmem_shared>>
      %dma_start3A_62 = arith.constant 0 : i32
      %dma_start3A_63 = tpu.memref_slice %arg2[%mul3A_2, %dma_start3A_62] : memref<10240x32xf32, #tpu.memory_space<hbm>> -> memref<640x32xf32, #tpu.memory_space<hbm>>
      tpu.enqueue_dma source(%dma_start3A_63 : memref<640x32xf32, #tpu.memory_space<hbm>>) target(%dma_start3A_61 : memref<640x32xf32, #tpu.memory_space<vmem_shared>>) target_semaphore(%run_scoped3A : memref<!tpu.dma_semaphore, #tpu.memory_space<semaphore_mem>>)
      %dma_wait3A_64 = arith.constant 0 : i32
      %dma_wait3A_65 = tpu.memref_slice %arg5[%mul3A_2, %dma_wait3A_64] : memref<10240x32xf32, #tpu.memory_space<vmem_shared>> -> memref<640x32xf32, #tpu.memory_space<vmem_shared>>
      %dma_wait3A_66 = arith.constant 0 : i32
      %dma_wait3A_67 = tpu.memref_slice %arg2[%mul3A_2, %dma_wait3A_66] : memref<10240x32xf32, #tpu.memory_space<hbm>> -> memref<640x32xf32, #tpu.memory_space<hbm>>
      tpu.wait_dma2 semaphore(%run_scoped3A : memref<!tpu.dma_semaphore, #tpu.memory_space<semaphore_mem>>) src(%dma_wait3A_67 : memref<640x32xf32, #tpu.memory_space<hbm>>) dst(%dma_wait3A_65 : memref<640x32xf32, #tpu.memory_space<vmem_shared>>)
      tpu.yield
    }) : () -> ()
    %barrier3A = arith.constant 0 : index
    tpu.barrier barrier_id(%barrier3A)
    %scan3A = arith.constant 0 : i32
    %scan3A_5 = arith.constant 19 : i32
    %scan3A_6 = arith.addi %scan3A, %scan3A_5 : i32
    %scan3A_7 = arith.constant 1 : i32
    scf.for %scan3A_60 = %scan3A to %scan3A_6 step %scan3A_7  : i32 {
      %mul3A_61 = arith.constant 1 : i32
      %mul3A_62 = arith.muli %scan3A_60, %mul3A_61 : i32
      %add3A_63 = arith.constant 0 : i32
      %add3A_64 = arith.addi %add3A_63, %mul3A_62 : i32
      %mul3A_65 = arith.constant 4 : i32
      %mul3A_66 = arith.muli %add3A_64, %mul3A_65 : i32
      %add3A_67 = arith.constant 0 : i32
      %add3A_68 = arith.addi %mul3A_66, %add3A_67 : i32
      %mul3A_69 = arith.constant 128 : i32
      %mul3A_70 = arith.muli %add3A_68, %mul3A_69 : i32
      %add3A_71 = arith.addi %mul3A_4, %mul3A_70 : i32
      %add3A_72 = arith.constant 320000 : i32
      %add3A_73 = arith.addi %add3A_72, %add3A_71 : i32
      %dma_start3A_74 = tpu.memref_slice %arg3[%add3A_73] : memref<640000xi32, #tpu.memory_space<hbm>> -> memref<128xi32, #tpu.memory_space<hbm>>
      %dma_start3A_75 = tpu.memref_slice %arg3[%add3A_73] : memref<640000xi32, #tpu.memory_space<hbm>> -> memref<128xi32, #tpu.memory_space<hbm>>
      tpu.enqueue_dma source(%dma_start3A_75 : memref<128xi32, #tpu.memory_space<hbm>>) target(%arg10 : memref<128xi32, #tpu.memory_space<vmem>>) target_semaphore(%arg18 : memref<!tpu.dma_semaphore, #tpu.memory_space<semaphore_mem>>)
      %mul3A_76 = arith.constant 4 : i32
      %mul3A_77 = arith.muli %add3A_64, %mul3A_76 : i32
      %add3A_78 = arith.constant 0 : i32
      %add3A_79 = arith.addi %mul3A_77, %add3A_78 : i32
      %mul3A_80 = arith.constant 128 : i32
      %mul3A_81 = arith.muli %add3A_79, %mul3A_80 : i32
      %dma_start3A_82 = tpu.memref_slice %arg7[%mul3A_81] : memref<10016xi32, #tpu.memory_space<vmem>> -> memref<128xi32, #tpu.memory_space<vmem>>
      %dma_start3A_83 = arith.constant 0 : i32
      %dma_start3A_84 = arith.constant 0 : i32
      %dma_start3A_85 = tpu.memref_slice %arg6[%dma_start3A_83, %dma_start3A_84] : memref<10240x32xf32, #tpu.memory_space<vmem_shared>> -> memref<10240x32xf32, #tpu.memory_space<vmem_shared>>
      tpu.enqueue_indirect_dma source(%dma_start3A_85 : memref<10240x32xf32, #tpu.memory_space<vmem_shared>>) target(%arg14 : memref<128x32xf32, #tpu.memory_space<vmem>>) offsets(%dma_start3A_82 : memref<128xi32, #tpu.memory_space<vmem>>) semaphore(%arg22 : memref<!tpu.dma_semaphore, #tpu.memory_space<semaphore_mem>>)
      %mul3A_86 = arith.constant 4 : i32
      %mul3A_87 = arith.muli %add3A_64, %mul3A_86 : i32
      %add3A_88 = arith.constant 1 : i32
      %add3A_89 = arith.addi %mul3A_87, %add3A_88 : i32
      %mul3A_90 = arith.constant 128 : i32
      %mul3A_91 = arith.muli %add3A_89, %mul3A_90 : i32
      %add3A_92 = arith.addi %mul3A_4, %mul3A_91 : i32
      %add3A_93 = arith.constant 320000 : i32
      %add3A_94 = arith.addi %add3A_93, %add3A_92 : i32
      %dma_start3A_95 = tpu.memref_slice %arg3[%add3A_94] : memref<640000xi32, #tpu.memory_space<hbm>> -> memref<128xi32, #tpu.memory_space<hbm>>
      %dma_start3A_96 = tpu.memref_slice %arg3[%add3A_94] : memref<640000xi32, #tpu.memory_space<hbm>> -> memref<128xi32, #tpu.memory_space<hbm>>
      tpu.enqueue_dma source(%dma_start3A_96 : memref<128xi32, #tpu.memory_space<hbm>>) target(%arg11 : memref<128xi32, #tpu.memory_space<vmem>>) target_semaphore(%arg19 : memref<!tpu.dma_semaphore, #tpu.memory_space<semaphore_mem>>)
      %mul3A_97 = arith.constant 4 : i32
      %mul3A_98 = arith.muli %add3A_64, %mul3A_97 : i32
      %add3A_99 = arith.constant 1 : i32
      %add3A_100 = arith.addi %mul3A_98, %add3A_99 : i32
      %mul3A_101 = arith.constant 128 : i32
      %mul3A_102 = arith.muli %add3A_100, %mul3A_101 : i32
      %dma_start3A_103 = tpu.memref_slice %arg7[%mul3A_102] : memref<10016xi32, #tpu.memory_space<vmem>> -> memref<128xi32, #tpu.memory_space<vmem>>
      %dma_start3A_104 = arith.constant 0 : i32
      %dma_start3A_105 = arith.constant 0 : i32
      %dma_start3A_106 = tpu.memref_slice %arg6[%dma_start3A_104, %dma_start3A_105] : memref<10240x32xf32, #tpu.memory_space<vmem_shared>> -> memref<10240x32xf32, #tpu.memory_space<vmem_shared>>
      tpu.enqueue_indirect_dma source(%dma_start3A_106 : memref<10240x32xf32, #tpu.memory_space<vmem_shared>>) target(%arg15 : memref<128x32xf32, #tpu.memory_space<vmem>>) offsets(%dma_start3A_103 : memref<128xi32, #tpu.memory_space<vmem>>) semaphore(%arg23 : memref<!tpu.dma_semaphore, #tpu.memory_space<semaphore_mem>>)
      %mul3A_107 = arith.constant 4 : i32
      %mul3A_108 = arith.muli %add3A_64, %mul3A_107 : i32
      %add3A_109 = arith.constant 2 : i32
      %add3A_110 = arith.addi %mul3A_108, %add3A_109 : i32
      %mul3A_111 = arith.constant 128 : i32
      %mul3A_112 = arith.muli %add3A_110, %mul3A_111 : i32
      %add3A_113 = arith.addi %mul3A_4, %mul3A_112 : i32
      %add3A_114 = arith.constant 320000 : i32
      %add3A_115 = arith.addi %add3A_114, %add3A_113 : i32
      %dma_start3A_116 = tpu.memref_slice %arg3[%add3A_115] : memref<640000xi32, #tpu.memory_space<hbm>> -> memref<128xi32, #tpu.memory_space<hbm>>
      %dma_start3A_117 = tpu.memref_slice %arg3[%add3A_115] : memref<640000xi32, #tpu.memory_space<hbm>> -> memref<128xi32, #tpu.memory_space<hbm>>
      tpu.enqueue_dma source(%dma_start3A_117 : memref<128xi32, #tpu.memory_space<hbm>>) target(%arg12 : memref<128xi32, #tpu.memory_space<vmem>>) target_semaphore(%arg20 : memref<!tpu.dma_semaphore, #tpu.memory_space<semaphore_mem>>)
      %mul3A_118 = arith.constant 4 : i32
      %mul3A_119 = arith.muli %add3A_64, %mul3A_118 : i32
      %add3A_120 = arith.constant 2 : i32
      %add3A_121 = arith.addi %mul3A_119, %add3A_120 : i32
      %mul3A_122 = arith.constant 128 : i32
      %mul3A_123 = arith.muli %add3A_121, %mul3A_122 : i32
      %dma_start3A_124 = tpu.memref_slice %arg7[%mul3A_123] : memref<10016xi32, #tpu.memory_space<vmem>> -> memref<128xi32, #tpu.memory_space<vmem>>
      %dma_start3A_125 = arith.constant 0 : i32
      %dma_start3A_126 = arith.constant 0 : i32
      %dma_start3A_127 = tpu.memref_slice %arg6[%dma_start3A_125, %dma_start3A_126] : memref<10240x32xf32, #tpu.memory_space<vmem_shared>> -> memref<10240x32xf32, #tpu.memory_space<vmem_shared>>
      tpu.enqueue_indirect_dma source(%dma_start3A_127 : memref<10240x32xf32, #tpu.memory_space<vmem_shared>>) target(%arg16 : memref<128x32xf32, #tpu.memory_space<vmem>>) offsets(%dma_start3A_124 : memref<128xi32, #tpu.memory_space<vmem>>) semaphore(%arg24 : memref<!tpu.dma_semaphore, #tpu.memory_space<semaphore_mem>>)
      %mul3A_128 = arith.constant 4 : i32
      %mul3A_129 = arith.muli %add3A_64, %mul3A_128 : i32
      %add3A_130 = arith.constant 3 : i32
      %add3A_131 = arith.addi %mul3A_129, %add3A_130 : i32
      %mul3A_132 = arith.constant 128 : i32
      %mul3A_133 = arith.muli %add3A_131, %mul3A_132 : i32
      %add3A_134 = arith.addi %mul3A_4, %mul3A_133 : i32
      %add3A_135 = arith.constant 320000 : i32
      %add3A_136 = arith.addi %add3A_135, %add3A_134 : i32
      %dma_start3A_137 = tpu.memref_slice %arg3[%add3A_136] : memref<640000xi32, #tpu.memory_space<hbm>> -> memref<128xi32, #tpu.memory_space<hbm>>
      %dma_start3A_138 = tpu.memref_slice %arg3[%add3A_136] : memref<640000xi32, #tpu.memory_space<hbm>> -> memref<128xi32, #tpu.memory_space<hbm>>
      tpu.enqueue_dma source(%dma_start3A_138 : memref<128xi32, #tpu.memory_space<hbm>>) target(%arg13 : memref<128xi32, #tpu.memory_space<vmem>>) target_semaphore(%arg21 : memref<!tpu.dma_semaphore, #tpu.memory_space<semaphore_mem>>)
      %mul3A_139 = arith.constant 4 : i32
      %mul3A_140 = arith.muli %add3A_64, %mul3A_139 : i32
      %add3A_141 = arith.constant 3 : i32
      %add3A_142 = arith.addi %mul3A_140, %add3A_141 : i32
      %mul3A_143 = arith.constant 128 : i32
      %mul3A_144 = arith.muli %add3A_142, %mul3A_143 : i32
      %dma_start3A_145 = tpu.memref_slice %arg7[%mul3A_144] : memref<10016xi32, #tpu.memory_space<vmem>> -> memref<128xi32, #tpu.memory_space<vmem>>
      %dma_start3A_146 = arith.constant 0 : i32
      %dma_start3A_147 = arith.constant 0 : i32
      %dma_start3A_148 = tpu.memref_slice %arg6[%dma_start3A_146, %dma_start3A_147] : memref<10240x32xf32, #tpu.memory_space<vmem_shared>> -> memref<10240x32xf32, #tpu.memory_space<vmem_shared>>
      tpu.enqueue_indirect_dma source(%dma_start3A_148 : memref<10240x32xf32, #tpu.memory_space<vmem_shared>>) target(%arg17 : memref<128x32xf32, #tpu.memory_space<vmem>>) offsets(%dma_start3A_145 : memref<128xi32, #tpu.memory_space<vmem>>) semaphore(%arg25 : memref<!tpu.dma_semaphore, #tpu.memory_space<semaphore_mem>>)
      %dma_wait3A_149 = tpu.memref_slice %arg3[%add3A_73] : memref<640000xi32, #tpu.memory_space<hbm>> -> memref<128xi32, #tpu.memory_space<hbm>>
      %dma_wait3A_150 = tpu.memref_slice %arg3[%add3A_73] : memref<640000xi32, #tpu.memory_space<hbm>> -> memref<128xi32, #tpu.memory_space<hbm>>
      tpu.wait_dma2 semaphore(%arg18 : memref<!tpu.dma_semaphore, #tpu.memory_space<semaphore_mem>>) src(%dma_wait3A_150 : memref<128xi32, #tpu.memory_space<hbm>>) dst(%arg10 : memref<128xi32, #tpu.memory_space<vmem>>)
      %dma_wait3A_151 = tpu.memref_slice %arg7[%mul3A_81] : memref<10016xi32, #tpu.memory_space<vmem>> -> memref<128xi32, #tpu.memory_space<vmem>>
      %dma_wait3A_152 = arith.constant 0 : i32
      %dma_wait3A_153 = arith.constant 0 : i32
      %dma_wait3A_154 = tpu.memref_slice %arg6[%dma_wait3A_152, %dma_wait3A_153] : memref<10240x32xf32, #tpu.memory_space<vmem_shared>> -> memref<10240x32xf32, #tpu.memory_space<vmem_shared>>
      tpu.wait_indirect_dma semaphore(%arg22 : memref<!tpu.dma_semaphore, #tpu.memory_space<semaphore_mem>>) src(%dma_wait3A_154 : memref<10240x32xf32, #tpu.memory_space<vmem_shared>>) dst(%arg14 : memref<128x32xf32, #tpu.memory_space<vmem>>)
      %dma_start3A_155 = arith.constant 0 : i32
      %dma_start3A_156 = arith.constant 0 : i32
      %dma_start3A_157 = tpu.memref_slice %arg5[%dma_start3A_155, %dma_start3A_156] : memref<10240x32xf32, #tpu.memory_space<vmem_shared>> -> memref<10240x32xf32, #tpu.memory_space<vmem_shared>>
      tpu.enqueue_indirect_dma source(%arg14 : memref<128x32xf32, #tpu.memory_space<vmem>>) target(%dma_start3A_157 : memref<10240x32xf32, #tpu.memory_space<vmem_shared>>) offsets(%arg10 : memref<128xi32, #tpu.memory_space<vmem>>) semaphore(%arg26 : memref<!tpu.dma_semaphore, #tpu.memory_space<semaphore_mem>>) {add = true}
      %dma_wait3A_158 = tpu.memref_slice %arg3[%add3A_94] : memref<640000xi32, #tpu.memory_space<hbm>> -> memref<128xi32, #tpu.memory_space<hbm>>
      %dma_wait3A_159 = tpu.memref_slice %arg3[%add3A_94] : memref<640000xi32, #tpu.memory_space<hbm>> -> memref<128xi32, #tpu.memory_space<hbm>>
      tpu.wait_dma2 semaphore(%arg19 : memref<!tpu.dma_semaphore, #tpu.memory_space<semaphore_mem>>) src(%dma_wait3A_159 : memref<128xi32, #tpu.memory_space<hbm>>) dst(%arg11 : memref<128xi32, #tpu.memory_space<vmem>>)
      %dma_wait3A_160 = tpu.memref_slice %arg7[%mul3A_102] : memref<10016xi32, #tpu.memory_space<vmem>> -> memref<128xi32, #tpu.memory_space<vmem>>
      %dma_wait3A_161 = arith.constant 0 : i32
      %dma_wait3A_162 = arith.constant 0 : i32
      %dma_wait3A_163 = tpu.memref_slice %arg6[%dma_wait3A_161, %dma_wait3A_162] : memref<10240x32xf32, #tpu.memory_space<vmem_shared>> -> memref<10240x32xf32, #tpu.memory_space<vmem_shared>>
      tpu.wait_indirect_dma semaphore(%arg23 : memref<!tpu.dma_semaphore, #tpu.memory_space<semaphore_mem>>) src(%dma_wait3A_163 : memref<10240x32xf32, #tpu.memory_space<vmem_shared>>) dst(%arg15 : memref<128x32xf32, #tpu.memory_space<vmem>>)
      %dma_start3A_164 = arith.constant 0 : i32
      %dma_start3A_165 = arith.constant 0 : i32
      %dma_start3A_166 = tpu.memref_slice %arg5[%dma_start3A_164, %dma_start3A_165] : memref<10240x32xf32, #tpu.memory_space<vmem_shared>> -> memref<10240x32xf32, #tpu.memory_space<vmem_shared>>
      tpu.enqueue_indirect_dma source(%arg15 : memref<128x32xf32, #tpu.memory_space<vmem>>) target(%dma_start3A_166 : memref<10240x32xf32, #tpu.memory_space<vmem_shared>>) offsets(%arg11 : memref<128xi32, #tpu.memory_space<vmem>>) semaphore(%arg27 : memref<!tpu.dma_semaphore, #tpu.memory_space<semaphore_mem>>) {add = true}
      %dma_wait3A_167 = tpu.memref_slice %arg3[%add3A_115] : memref<640000xi32, #tpu.memory_space<hbm>> -> memref<128xi32, #tpu.memory_space<hbm>>
      %dma_wait3A_168 = tpu.memref_slice %arg3[%add3A_115] : memref<640000xi32, #tpu.memory_space<hbm>> -> memref<128xi32, #tpu.memory_space<hbm>>
      tpu.wait_dma2 semaphore(%arg20 : memref<!tpu.dma_semaphore, #tpu.memory_space<semaphore_mem>>) src(%dma_wait3A_168 : memref<128xi32, #tpu.memory_space<hbm>>) dst(%arg12 : memref<128xi32, #tpu.memory_space<vmem>>)
      %dma_wait3A_169 = tpu.memref_slice %arg7[%mul3A_123] : memref<10016xi32, #tpu.memory_space<vmem>> -> memref<128xi32, #tpu.memory_space<vmem>>
      %dma_wait3A_170 = arith.constant 0 : i32
      %dma_wait3A_171 = arith.constant 0 : i32
      %dma_wait3A_172 = tpu.memref_slice %arg6[%dma_wait3A_170, %dma_wait3A_171] : memref<10240x32xf32, #tpu.memory_space<vmem_shared>> -> memref<10240x32xf32, #tpu.memory_space<vmem_shared>>
      tpu.wait_indirect_dma semaphore(%arg24 : memref<!tpu.dma_semaphore, #tpu.memory_space<semaphore_mem>>) src(%dma_wait3A_172 : memref<10240x32xf32, #tpu.memory_space<vmem_shared>>) dst(%arg16 : memref<128x32xf32, #tpu.memory_space<vmem>>)
      %dma_start3A_173 = arith.constant 0 : i32
      %dma_start3A_174 = arith.constant 0 : i32
      %dma_start3A_175 = tpu.memref_slice %arg5[%dma_start3A_173, %dma_start3A_174] : memref<10240x32xf32, #tpu.memory_space<vmem_shared>> -> memref<10240x32xf32, #tpu.memory_space<vmem_shared>>
      tpu.enqueue_indirect_dma source(%arg16 : memref<128x32xf32, #tpu.memory_space<vmem>>) target(%dma_start3A_175 : memref<10240x32xf32, #tpu.memory_space<vmem_shared>>) offsets(%arg12 : memref<128xi32, #tpu.memory_space<vmem>>) semaphore(%arg28 : memref<!tpu.dma_semaphore, #tpu.memory_space<semaphore_mem>>) {add = true}
      %dma_wait3A_176 = tpu.memref_slice %arg3[%add3A_136] : memref<640000xi32, #tpu.memory_space<hbm>> -> memref<128xi32, #tpu.memory_space<hbm>>
      %dma_wait3A_177 = tpu.memref_slice %arg3[%add3A_136] : memref<640000xi32, #tpu.memory_space<hbm>> -> memref<128xi32, #tpu.memory_space<hbm>>
      tpu.wait_dma2 semaphore(%arg21 : memref<!tpu.dma_semaphore, #tpu.memory_space<semaphore_mem>>) src(%dma_wait3A_177 : memref<128xi32, #tpu.memory_space<hbm>>) dst(%arg13 : memref<128xi32, #tpu.memory_space<vmem>>)
      %dma_wait3A_178 = tpu.memref_slice %arg7[%mul3A_144] : memref<10016xi32, #tpu.memory_space<vmem>> -> memref<128xi32, #tpu.memory_space<vmem>>
      %dma_wait3A_179 = arith.constant 0 : i32
      %dma_wait3A_180 = arith.constant 0 : i32
      %dma_wait3A_181 = tpu.memref_slice %arg6[%dma_wait3A_179, %dma_wait3A_180] : memref<10240x32xf32, #tpu.memory_space<vmem_shared>> -> memref<10240x32xf32, #tpu.memory_space<vmem_shared>>
      tpu.wait_indirect_dma semaphore(%arg25 : memref<!tpu.dma_semaphore, #tpu.memory_space<semaphore_mem>>) src(%dma_wait3A_181 : memref<10240x32xf32, #tpu.memory_space<vmem_shared>>) dst(%arg17 : memref<128x32xf32, #tpu.memory_space<vmem>>)
      %dma_start3A_182 = arith.constant 0 : i32
      %dma_start3A_183 = arith.constant 0 : i32
      %dma_start3A_184 = tpu.memref_slice %arg5[%dma_start3A_182, %dma_start3A_183] : memref<10240x32xf32, #tpu.memory_space<vmem_shared>> -> memref<10240x32xf32, #tpu.memory_space<vmem_shared>>
      tpu.enqueue_indirect_dma source(%arg17 : memref<128x32xf32, #tpu.memory_space<vmem>>) target(%dma_start3A_184 : memref<10240x32xf32, #tpu.memory_space<vmem_shared>>) offsets(%arg13 : memref<128xi32, #tpu.memory_space<vmem>>) semaphore(%arg29 : memref<!tpu.dma_semaphore, #tpu.memory_space<semaphore_mem>>) {add = true}
      %dma_wait3A_185 = arith.constant 0 : i32
      %dma_wait3A_186 = arith.constant 0 : i32
      %dma_wait3A_187 = tpu.memref_slice %arg5[%dma_wait3A_185, %dma_wait3A_186] : memref<10240x32xf32, #tpu.memory_space<vmem_shared>> -> memref<10240x32xf32, #tpu.memory_space<vmem_shared>>
      tpu.wait_indirect_dma semaphore(%arg26 : memref<!tpu.dma_semaphore, #tpu.memory_space<semaphore_mem>>) src(%arg14 : memref<128x32xf32, #tpu.memory_space<vmem>>) dst(%dma_wait3A_187 : memref<10240x32xf32, #tpu.memory_space<vmem_shared>>)
      %dma_wait3A_188 = arith.constant 0 : i32
      %dma_wait3A_189 = arith.constant 0 : i32
      %dma_wait3A_190 = tpu.memref_slice %arg5[%dma_wait3A_188, %dma_wait3A_189] : memref<10240x32xf32, #tpu.memory_space<vmem_shared>> -> memref<10240x32xf32, #tpu.memory_space<vmem_shared>>
      tpu.wait_indirect_dma semaphore(%arg27 : memref<!tpu.dma_semaphore, #tpu.memory_space<semaphore_mem>>) src(%arg15 : memref<128x32xf32, #tpu.memory_space<vmem>>) dst(%dma_wait3A_190 : memref<10240x32xf32, #tpu.memory_space<vmem_shared>>)
      %dma_wait3A_191 = arith.constant 0 : i32
      %dma_wait3A_192 = arith.constant 0 : i32
      %dma_wait3A_193 = tpu.memref_slice %arg5[%dma_wait3A_191, %dma_wait3A_192] : memref<10240x32xf32, #tpu.memory_space<vmem_shared>> -> memref<10240x32xf32, #tpu.memory_space<vmem_shared>>
      tpu.wait_indirect_dma semaphore(%arg28 : memref<!tpu.dma_semaphore, #tpu.memory_space<semaphore_mem>>) src(%arg16 : memref<128x32xf32, #tpu.memory_space<vmem>>) dst(%dma_wait3A_193 : memref<10240x32xf32, #tpu.memory_space<vmem_shared>>)
      %dma_wait3A_194 = arith.constant 0 : i32
      %dma_wait3A_195 = arith.constant 0 : i32
      %dma_wait3A_196 = tpu.memref_slice %arg5[%dma_wait3A_194, %dma_wait3A_195] : memref<10240x32xf32, #tpu.memory_space<vmem_shared>> -> memref<10240x32xf32, #tpu.memory_space<vmem_shared>>
      tpu.wait_indirect_dma semaphore(%arg29 : memref<!tpu.dma_semaphore, #tpu.memory_space<semaphore_mem>>) src(%arg17 : memref<128x32xf32, #tpu.memory_space<vmem>>) dst(%dma_wait3A_196 : memref<10240x32xf32, #tpu.memory_space<vmem_shared>>)
    }
    %scan3A_8 = arith.constant 19 : i32
    %add3A_9 = arith.constant 9728 : i32
    %add3A_10 = arith.addi %mul3A_4, %add3A_9 : i32
    %add3A_11 = arith.constant 320000 : i32
    %add3A_12 = arith.addi %add3A_11, %add3A_10 : i32
    %dma_start3A = tpu.memref_slice %arg3[%add3A_12] : memref<640000xi32, #tpu.memory_space<hbm>> -> memref<128xi32, #tpu.memory_space<hbm>>
    %dma_start3A_13 = tpu.memref_slice %arg3[%add3A_12] : memref<640000xi32, #tpu.memory_space<hbm>> -> memref<128xi32, #tpu.memory_space<hbm>>
    tpu.enqueue_dma source(%dma_start3A_13 : memref<128xi32, #tpu.memory_space<hbm>>) target(%arg10 : memref<128xi32, #tpu.memory_space<vmem>>) target_semaphore(%arg18 : memref<!tpu.dma_semaphore, #tpu.memory_space<semaphore_mem>>)
    %dma_start3A_14 = arith.constant 9728 : i32
    %dma_start3A_15 = tpu.memref_slice %arg7[%dma_start3A_14] : memref<10016xi32, #tpu.memory_space<vmem>> -> memref<128xi32, #tpu.memory_space<vmem>>
    %dma_start3A_16 = arith.constant 0 : i32
    %dma_start3A_17 = arith.constant 0 : i32
    %dma_start3A_18 = tpu.memref_slice %arg6[%dma_start3A_16, %dma_start3A_17] : memref<10240x32xf32, #tpu.memory_space<vmem_shared>> -> memref<10240x32xf32, #tpu.memory_space<vmem_shared>>
    tpu.enqueue_indirect_dma source(%dma_start3A_18 : memref<10240x32xf32, #tpu.memory_space<vmem_shared>>) target(%arg14 : memref<128x32xf32, #tpu.memory_space<vmem>>) offsets(%dma_start3A_15 : memref<128xi32, #tpu.memory_space<vmem>>) semaphore(%arg22 : memref<!tpu.dma_semaphore, #tpu.memory_space<semaphore_mem>>)
    %add3A_19 = arith.constant 9856 : i32
    %add3A_20 = arith.addi %mul3A_4, %add3A_19 : i32
    %add3A_21 = arith.constant 320000 : i32
    %add3A_22 = arith.addi %add3A_21, %add3A_20 : i32
    %dma_start3A_23 = tpu.memref_slice %arg3[%add3A_22] : memref<640000xi32, #tpu.memory_space<hbm>> -> memref<128xi32, #tpu.memory_space<hbm>>
    %dma_start3A_24 = tpu.memref_slice %arg3[%add3A_22] : memref<640000xi32, #tpu.memory_space<hbm>> -> memref<128xi32, #tpu.memory_space<hbm>>
    tpu.enqueue_dma source(%dma_start3A_24 : memref<128xi32, #tpu.memory_space<hbm>>) target(%arg11 : memref<128xi32, #tpu.memory_space<vmem>>) target_semaphore(%arg19 : memref<!tpu.dma_semaphore, #tpu.memory_space<semaphore_mem>>)
    %dma_start3A_25 = arith.constant 9856 : i32
    %dma_start3A_26 = tpu.memref_slice %arg7[%dma_start3A_25] : memref<10016xi32, #tpu.memory_space<vmem>> -> memref<128xi32, #tpu.memory_space<vmem>>
    %dma_start3A_27 = arith.constant 0 : i32
    %dma_start3A_28 = arith.constant 0 : i32
    %dma_start3A_29 = tpu.memref_slice %arg6[%dma_start3A_27, %dma_start3A_28] : memref<10240x32xf32, #tpu.memory_space<vmem_shared>> -> memref<10240x32xf32, #tpu.memory_space<vmem_shared>>
    tpu.enqueue_indirect_dma source(%dma_start3A_29 : memref<10240x32xf32, #tpu.memory_space<vmem_shared>>) target(%arg15 : memref<128x32xf32, #tpu.memory_space<vmem>>) offsets(%dma_start3A_26 : memref<128xi32, #tpu.memory_space<vmem>>) semaphore(%arg23 : memref<!tpu.dma_semaphore, #tpu.memory_space<semaphore_mem>>)
    %dma_wait3A = tpu.memref_slice %arg3[%add3A_12] : memref<640000xi32, #tpu.memory_space<hbm>> -> memref<128xi32, #tpu.memory_space<hbm>>
    %dma_wait3A_30 = tpu.memref_slice %arg3[%add3A_12] : memref<640000xi32, #tpu.memory_space<hbm>> -> memref<128xi32, #tpu.memory_space<hbm>>
    tpu.wait_dma2 semaphore(%arg18 : memref<!tpu.dma_semaphore, #tpu.memory_space<semaphore_mem>>) src(%dma_wait3A_30 : memref<128xi32, #tpu.memory_space<hbm>>) dst(%arg10 : memref<128xi32, #tpu.memory_space<vmem>>)
    %dma_wait3A_31 = arith.constant 9728 : i32
    %dma_wait3A_32 = tpu.memref_slice %arg7[%dma_wait3A_31] : memref<10016xi32, #tpu.memory_space<vmem>> -> memref<128xi32, #tpu.memory_space<vmem>>
    %dma_wait3A_33 = arith.constant 0 : i32
    %dma_wait3A_34 = arith.constant 0 : i32
    %dma_wait3A_35 = tpu.memref_slice %arg6[%dma_wait3A_33, %dma_wait3A_34] : memref<10240x32xf32, #tpu.memory_space<vmem_shared>> -> memref<10240x32xf32, #tpu.memory_space<vmem_shared>>
    tpu.wait_indirect_dma semaphore(%arg22 : memref<!tpu.dma_semaphore, #tpu.memory_space<semaphore_mem>>) src(%dma_wait3A_35 : memref<10240x32xf32, #tpu.memory_space<vmem_shared>>) dst(%arg14 : memref<128x32xf32, #tpu.memory_space<vmem>>)
    %dma_start3A_36 = arith.constant 0 : i32
    %dma_start3A_37 = arith.constant 0 : i32
    %dma_start3A_38 = tpu.memref_slice %arg5[%dma_start3A_36, %dma_start3A_37] : memref<10240x32xf32, #tpu.memory_space<vmem_shared>> -> memref<10240x32xf32, #tpu.memory_space<vmem_shared>>
    tpu.enqueue_indirect_dma source(%arg14 : memref<128x32xf32, #tpu.memory_space<vmem>>) target(%dma_start3A_38 : memref<10240x32xf32, #tpu.memory_space<vmem_shared>>) offsets(%arg10 : memref<128xi32, #tpu.memory_space<vmem>>) semaphore(%arg26 : memref<!tpu.dma_semaphore, #tpu.memory_space<semaphore_mem>>) {add = true}
    %dma_wait3A_39 = tpu.memref_slice %arg3[%add3A_22] : memref<640000xi32, #tpu.memory_space<hbm>> -> memref<128xi32, #tpu.memory_space<hbm>>
    %dma_wait3A_40 = tpu.memref_slice %arg3[%add3A_22] : memref<640000xi32, #tpu.memory_space<hbm>> -> memref<128xi32, #tpu.memory_space<hbm>>
    tpu.wait_dma2 semaphore(%arg19 : memref<!tpu.dma_semaphore, #tpu.memory_space<semaphore_mem>>) src(%dma_wait3A_40 : memref<128xi32, #tpu.memory_space<hbm>>) dst(%arg11 : memref<128xi32, #tpu.memory_space<vmem>>)
    %dma_wait3A_41 = arith.constant 9856 : i32
    %dma_wait3A_42 = tpu.memref_slice %arg7[%dma_wait3A_41] : memref<10016xi32, #tpu.memory_space<vmem>> -> memref<128xi32, #tpu.memory_space<vmem>>
    %dma_wait3A_43 = arith.constant 0 : i32
    %dma_wait3A_44 = arith.constant 0 : i32
    %dma_wait3A_45 = tpu.memref_slice %arg6[%dma_wait3A_43, %dma_wait3A_44] : memref<10240x32xf32, #tpu.memory_space<vmem_shared>> -> memref<10240x32xf32, #tpu.memory_space<vmem_shared>>
    tpu.wait_indirect_dma semaphore(%arg23 : memref<!tpu.dma_semaphore, #tpu.memory_space<semaphore_mem>>) src(%dma_wait3A_45 : memref<10240x32xf32, #tpu.memory_space<vmem_shared>>) dst(%arg15 : memref<128x32xf32, #tpu.memory_space<vmem>>)
    %dma_start3A_46 = arith.constant 0 : i32
    %dma_start3A_47 = arith.constant 0 : i32
    %dma_start3A_48 = tpu.memref_slice %arg5[%dma_start3A_46, %dma_start3A_47] : memref<10240x32xf32, #tpu.memory_space<vmem_shared>> -> memref<10240x32xf32, #tpu.memory_space<vmem_shared>>
    tpu.enqueue_indirect_dma source(%arg15 : memref<128x32xf32, #tpu.memory_space<vmem>>) target(%dma_start3A_48 : memref<10240x32xf32, #tpu.memory_space<vmem_shared>>) offsets(%arg11 : memref<128xi32, #tpu.memory_space<vmem>>) semaphore(%arg27 : memref<!tpu.dma_semaphore, #tpu.memory_space<semaphore_mem>>) {add = true}
    %dma_wait3A_49 = arith.constant 0 : i32
    %dma_wait3A_50 = arith.constant 0 : i32
    %dma_wait3A_51 = tpu.memref_slice %arg5[%dma_wait3A_49, %dma_wait3A_50] : memref<10240x32xf32, #tpu.memory_space<vmem_shared>> -> memref<10240x32xf32, #tpu.memory_space<vmem_shared>>
    tpu.wait_indirect_dma semaphore(%arg26 : memref<!tpu.dma_semaphore, #tpu.memory_space<semaphore_mem>>) src(%arg14 : memref<128x32xf32, #tpu.memory_space<vmem>>) dst(%dma_wait3A_51 : memref<10240x32xf32, #tpu.memory_space<vmem_shared>>)
    %dma_wait3A_52 = arith.constant 0 : i32
    %dma_wait3A_53 = arith.constant 0 : i32
    %dma_wait3A_54 = tpu.memref_slice %arg5[%dma_wait3A_52, %dma_wait3A_53] : memref<10240x32xf32, #tpu.memory_space<vmem_shared>> -> memref<10240x32xf32, #tpu.memory_space<vmem_shared>>
    tpu.wait_indirect_dma semaphore(%arg27 : memref<!tpu.dma_semaphore, #tpu.memory_space<semaphore_mem>>) src(%arg15 : memref<128x32xf32, #tpu.memory_space<vmem>>) dst(%dma_wait3A_54 : memref<10240x32xf32, #tpu.memory_space<vmem_shared>>)
    %add3A_55 = arith.constant 320000 : i32
    %add3A_56 = arith.addi %add3A_55, %mul3A_4 : i32
    %add3A_57 = arith.constant 9984 : i32
    %add3A_58 = arith.addi %add3A_56, %add3A_57 : i32
    "tpu.region"() ({
      %run_scoped3A = tpu.sem_alloc : memref<!tpu.dma_semaphore, #tpu.memory_space<semaphore_mem>>
      %dma_start3A_60 = tpu.memref_slice %arg3[%add3A_58] : memref<640000xi32, #tpu.memory_space<hbm>> -> memref<16xi32, #tpu.memory_space<hbm>>
      %dma_start3A_61 = tpu.memref_slice %arg3[%add3A_58] : memref<640000xi32, #tpu.memory_space<hbm>> -> memref<16xi32, #tpu.memory_space<hbm>>
      tpu.enqueue_dma source(%dma_start3A_61 : memref<16xi32, #tpu.memory_space<hbm>>) target(%arg8 : memref<16xi32, #tpu.memory_space<vmem>>) target_semaphore(%run_scoped3A : memref<!tpu.dma_semaphore, #tpu.memory_space<semaphore_mem>>)
      %dma_wait3A_62 = tpu.memref_slice %arg3[%add3A_58] : memref<640000xi32, #tpu.memory_space<hbm>> -> memref<16xi32, #tpu.memory_space<hbm>>
      %dma_wait3A_63 = tpu.memref_slice %arg3[%add3A_58] : memref<640000xi32, #tpu.memory_space<hbm>> -> memref<16xi32, #tpu.memory_space<hbm>>
      tpu.wait_dma2 semaphore(%run_scoped3A : memref<!tpu.dma_semaphore, #tpu.memory_space<semaphore_mem>>) src(%dma_wait3A_63 : memref<16xi32, #tpu.memory_space<hbm>>) dst(%arg8 : memref<16xi32, #tpu.memory_space<vmem>>)
      tpu.yield
    }) : () -> ()
    "tpu.region"() ({
      %run_scoped3A = tpu.sem_alloc : memref<!tpu.dma_semaphore, #tpu.memory_space<semaphore_mem>>
      %dma_start3A_60 = arith.constant 9984 : i32
      %dma_start3A_61 = tpu.memref_slice %arg7[%dma_start3A_60] : memref<10016xi32, #tpu.memory_space<vmem>> -> memref<16xi32, #tpu.memory_space<vmem>>
      %dma_start3A_62 = arith.constant 0 : i32
      %dma_start3A_63 = arith.constant 0 : i32
      %dma_start3A_64 = tpu.memref_slice %arg6[%dma_start3A_62, %dma_start3A_63] : memref<10240x32xf32, #tpu.memory_space<vmem_shared>> -> memref<10240x32xf32, #tpu.memory_space<vmem_shared>>
      tpu.enqueue_indirect_dma source(%dma_start3A_64 : memref<10240x32xf32, #tpu.memory_space<vmem_shared>>) target(%arg9 : memref<16x32xf32, #tpu.memory_space<vmem>>) offsets(%dma_start3A_61 : memref<16xi32, #tpu.memory_space<vmem>>) semaphore(%run_scoped3A : memref<!tpu.dma_semaphore, #tpu.memory_space<semaphore_mem>>)
      %dma_wait3A_65 = arith.constant 9984 : i32
      %dma_wait3A_66 = tpu.memref_slice %arg7[%dma_wait3A_65] : memref<10016xi32, #tpu.memory_space<vmem>> -> memref<16xi32, #tpu.memory_space<vmem>>
      %dma_wait3A_67 = arith.constant 0 : i32
      %dma_wait3A_68 = arith.constant 0 : i32
      %dma_wait3A_69 = tpu.memref_slice %arg6[%dma_wait3A_67, %dma_wait3A_68] : memref<10240x32xf32, #tpu.memory_space<vmem_shared>> -> memref<10240x32xf32, #tpu.memory_space<vmem_shared>>
      tpu.wait_indirect_dma semaphore(%run_scoped3A : memref<!tpu.dma_semaphore, #tpu.memory_space<semaphore_mem>>) src(%dma_wait3A_69 : memref<10240x32xf32, #tpu.memory_space<vmem_shared>>) dst(%arg9 : memref<16x32xf32, #tpu.memory_space<vmem>>)
      tpu.yield
    }) : () -> ()
    "tpu.region"() ({
      %run_scoped3A = tpu.sem_alloc : memref<!tpu.dma_semaphore, #tpu.memory_space<semaphore_mem>>
      %dma_start3A_60 = arith.constant 0 : i32
      %dma_start3A_61 = arith.constant 0 : i32
      %dma_start3A_62 = tpu.memref_slice %arg5[%dma_start3A_60, %dma_start3A_61] : memref<10240x32xf32, #tpu.memory_space<vmem_shared>> -> memref<10240x32xf32, #tpu.memory_space<vmem_shared>>
      tpu.enqueue_indirect_dma source(%arg9 : memref<16x32xf32, #tpu.memory_space<vmem>>) target(%dma_start3A_62 : memref<10240x32xf32, #tpu.memory_space<vmem_shared>>) offsets(%arg8 : memref<16xi32, #tpu.memory_space<vmem>>) semaphore(%run_scoped3A : memref<!tpu.dma_semaphore, #tpu.memory_space<semaphore_mem>>) {add = true}
      %dma_wait3A_63 = arith.constant 0 : i32
      %dma_wait3A_64 = arith.constant 0 : i32
      %dma_wait3A_65 = tpu.memref_slice %arg5[%dma_wait3A_63, %dma_wait3A_64] : memref<10240x32xf32, #tpu.memory_space<vmem_shared>> -> memref<10240x32xf32, #tpu.memory_space<vmem_shared>>
      tpu.wait_indirect_dma semaphore(%run_scoped3A : memref<!tpu.dma_semaphore, #tpu.memory_space<semaphore_mem>>) src(%arg9 : memref<16x32xf32, #tpu.memory_space<vmem>>) dst(%dma_wait3A_65 : memref<10240x32xf32, #tpu.memory_space<vmem_shared>>)
      tpu.yield
    }) : () -> ()
    %barrier3A_59 = arith.constant 0 : index
    tpu.barrier barrier_id(%barrier3A_59)
    "tpu.region"() ({
      %run_scoped3A = tpu.sem_alloc : memref<!tpu.dma_semaphore, #tpu.memory_space<semaphore_mem>>
      %dma_start3A_60 = arith.constant 0 : i32
      %dma_start3A_61 = tpu.memref_slice %arg4[%arg0, %mul3A_2, %dma_start3A_60] : memref<2x10240x32xf32, #tpu.memory_space<hbm>> -> memref<1x640x32xf32, #tpu.memory_space<hbm>>
      %dma_start3A_62 = tpu.memref_squeeze %dma_start3A_61 : memref<1x640x32xf32, #tpu.memory_space<hbm>> -> memref<640x32xf32, #tpu.memory_space<hbm>>
      %dma_start3A_63 = arith.constant 0 : i32
      %dma_start3A_64 = tpu.memref_slice %arg5[%mul3A_2, %dma_start3A_63] : memref<10240x32xf32, #tpu.memory_space<vmem_shared>> -> memref<640x32xf32, #tpu.memory_space<vmem_shared>>
      tpu.enqueue_dma source(%dma_start3A_64 : memref<640x32xf32, #tpu.memory_space<vmem_shared>>) target(%dma_start3A_62 : memref<640x32xf32, #tpu.memory_space<hbm>>) target_semaphore(%run_scoped3A : memref<!tpu.dma_semaphore, #tpu.memory_space<semaphore_mem>>)
      %dma_wait3A_65 = arith.constant 0 : i32
      %dma_wait3A_66 = tpu.memref_slice %arg4[%arg0, %mul3A_2, %dma_wait3A_65] : memref<2x10240x32xf32, #tpu.memory_space<hbm>> -> memref<1x640x32xf32, #tpu.memory_space<hbm>>
      %dma_wait3A_67 = tpu.memref_squeeze %dma_wait3A_66 : memref<1x640x32xf32, #tpu.memory_space<hbm>> -> memref<640x32xf32, #tpu.memory_space<hbm>>
      %dma_wait3A_68 = arith.constant 0 : i32
      %dma_wait3A_69 = tpu.memref_slice %arg5[%mul3A_2, %dma_wait3A_68] : memref<10240x32xf32, #tpu.memory_space<vmem_shared>> -> memref<640x32xf32, #tpu.memory_space<vmem_shared>>
      tpu.wait_dma2 semaphore(%run_scoped3A : memref<!tpu.dma_semaphore, #tpu.memory_space<semaphore_mem>>) src(%dma_wait3A_69 : memref<640x32xf32, #tpu.memory_space<vmem_shared>>) dst(%dma_wait3A_67 : memref<640x32xf32, #tpu.memory_space<hbm>>)
      tpu.yield
    }) : () -> ()
    return
  }
}

#map = affine_map<(d0, d1) -> (0)>
#map1 = affine_map<(d0, d1) -> (0, 0)>
#map2 = affine_map<(d0, d1) -> (0, 0, 0)>
module attributes {stable_mosaic.version = 14 : i64} {
  func.func @_sc_deg(%arg0: i32, %arg1: i32, %arg2: memref<640000xi32, #tpu.memory_space<hbm>>, %arg3: memref<128x1xf32, #tpu.memory_space<hbm>>, %arg4: memref<2x10240x1xf32, #tpu.memory_space<hbm>>, %arg5: memref<10240x1xf32, #tpu.memory_space<vmem_shared>>, %arg6: memref<16xi32, #tpu.memory_space<vmem>>, %arg7: memref<128x1xf32, #tpu.memory_space<vmem>>, %arg8: memref<16x1xf32, #tpu.memory_space<vmem>>, %arg9: memref<128xi32, #tpu.memory_space<vmem>>, %arg10: memref<128xi32, #tpu.memory_space<vmem>>, %arg11: memref<128xi32, #tpu.memory_space<vmem>>, %arg12: memref<128xi32, #tpu.memory_space<vmem>>, %arg13: memref<!tpu.dma_semaphore, #tpu.memory_space<semaphore_mem>>, %arg14: memref<!tpu.dma_semaphore, #tpu.memory_space<semaphore_mem>>, %arg15: memref<!tpu.dma_semaphore, #tpu.memory_space<semaphore_mem>>, %arg16: memref<!tpu.dma_semaphore, #tpu.memory_space<semaphore_mem>>, %arg17: memref<!tpu.dma_semaphore, #tpu.memory_space<semaphore_mem>>, %arg18: memref<!tpu.dma_semaphore, #tpu.memory_space<semaphore_mem>>, %arg19: memref<!tpu.dma_semaphore, #tpu.memory_space<semaphore_mem>>, %arg20: memref<!tpu.dma_semaphore, #tpu.memory_space<semaphore_mem>>) attributes {dimension_semantics = [#tpu.dimension_semantics<core_parallel>, #tpu.dimension_semantics<subcore_parallel>], iteration_bounds = array<i64: 2, 16>, scalar_prefetch = 0 : i64, scratch_operands = 16 : i64, tpu.core_type = #tpu.core_type<sc_vector_subcore>, window_params = [{transform_indices = #map}, {transform_indices = #map1}, {transform_indices = #map2}]} {
    %mul3A = arith.constant 16 : i32
    %mul3A_0 = arith.muli %arg0, %mul3A : i32
    %add3A = arith.addi %mul3A_0, %arg1 : i32
    %mul3A_1 = arith.constant 640 : i32
    %mul3A_2 = arith.muli %arg1, %mul3A_1 : i32
    %mul3A_3 = arith.constant 10000 : i32
    %mul3A_4 = arith.muli %add3A, %mul3A_3 : i32
    "tpu.region"() ({
      %run_scoped3A = tpu.sem_alloc : memref<!tpu.dma_semaphore, #tpu.memory_space<semaphore_mem>>
      tpu.enqueue_dma source(%arg3 : memref<128x1xf32, #tpu.memory_space<hbm>>) target(%arg7 : memref<128x1xf32, #tpu.memory_space<vmem>>) target_semaphore(%run_scoped3A : memref<!tpu.dma_semaphore, #tpu.memory_space<semaphore_mem>>)
      tpu.wait_dma2 semaphore(%run_scoped3A : memref<!tpu.dma_semaphore, #tpu.memory_space<semaphore_mem>>) src(%arg3 : memref<128x1xf32, #tpu.memory_space<hbm>>) dst(%arg7 : memref<128x1xf32, #tpu.memory_space<vmem>>)
      tpu.yield
    }) : () -> ()
    "tpu.region"() ({
      %run_scoped3A = tpu.sem_alloc : memref<!tpu.dma_semaphore, #tpu.memory_space<semaphore_mem>>
      %dma_start3A_50 = arith.constant 0 : i32
      %dma_start3A_51 = arith.constant 0 : i32
      %dma_start3A_52 = tpu.memref_slice %arg3[%dma_start3A_50, %dma_start3A_51] : memref<128x1xf32, #tpu.memory_space<hbm>> -> memref<16x1xf32, #tpu.memory_space<hbm>>
      %dma_start3A_53 = arith.constant 0 : i32
      %dma_start3A_54 = arith.constant 0 : i32
      %dma_start3A_55 = tpu.memref_slice %arg3[%dma_start3A_53, %dma_start3A_54] : memref<128x1xf32, #tpu.memory_space<hbm>> -> memref<16x1xf32, #tpu.memory_space<hbm>>
      tpu.enqueue_dma source(%dma_start3A_55 : memref<16x1xf32, #tpu.memory_space<hbm>>) target(%arg8 : memref<16x1xf32, #tpu.memory_space<vmem>>) target_semaphore(%run_scoped3A : memref<!tpu.dma_semaphore, #tpu.memory_space<semaphore_mem>>)
      %dma_wait3A_56 = arith.constant 0 : i32
      %dma_wait3A_57 = arith.constant 0 : i32
      %dma_wait3A_58 = tpu.memref_slice %arg3[%dma_wait3A_56, %dma_wait3A_57] : memref<128x1xf32, #tpu.memory_space<hbm>> -> memref<16x1xf32, #tpu.memory_space<hbm>>
      %dma_wait3A_59 = arith.constant 0 : i32
      %dma_wait3A_60 = arith.constant 0 : i32
      %dma_wait3A_61 = tpu.memref_slice %arg3[%dma_wait3A_59, %dma_wait3A_60] : memref<128x1xf32, #tpu.memory_space<hbm>> -> memref<16x1xf32, #tpu.memory_space<hbm>>
      tpu.wait_dma2 semaphore(%run_scoped3A : memref<!tpu.dma_semaphore, #tpu.memory_space<semaphore_mem>>) src(%dma_wait3A_61 : memref<16x1xf32, #tpu.memory_space<hbm>>) dst(%arg8 : memref<16x1xf32, #tpu.memory_space<vmem>>)
      tpu.yield
    }) : () -> ()
    %add3A_5 = arith.constant 0 : i32
    %add3A_6 = arith.addi %mul3A_2, %add3A_5 : i32
    "tpu.region"() ({
      %run_scoped3A = tpu.sem_alloc : memref<!tpu.dma_semaphore, #tpu.memory_space<semaphore_mem>>
      %dma_start3A_50 = arith.constant 0 : i32
      %dma_start3A_51 = tpu.memref_slice %arg5[%add3A_6, %dma_start3A_50] : memref<10240x1xf32, #tpu.memory_space<vmem_shared>> -> memref<128x1xf32, #tpu.memory_space<vmem_shared>>
      %dma_start3A_52 = arith.constant 0 : i32
      %dma_start3A_53 = tpu.memref_slice %arg5[%add3A_6, %dma_start3A_52] : memref<10240x1xf32, #tpu.memory_space<vmem_shared>> -> memref<128x1xf32, #tpu.memory_space<vmem_shared>>
      tpu.enqueue_dma source(%arg7 : memref<128x1xf32, #tpu.memory_space<vmem>>) target(%dma_start3A_53 : memref<128x1xf32, #tpu.memory_space<vmem_shared>>) target_semaphore(%run_scoped3A : memref<!tpu.dma_semaphore, #tpu.memory_space<semaphore_mem>>)
      %dma_wait3A_54 = arith.constant 0 : i32
      %dma_wait3A_55 = tpu.memref_slice %arg5[%add3A_6, %dma_wait3A_54] : memref<10240x1xf32, #tpu.memory_space<vmem_shared>> -> memref<128x1xf32, #tpu.memory_space<vmem_shared>>
      %dma_wait3A_56 = arith.constant 0 : i32
      %dma_wait3A_57 = tpu.memref_slice %arg5[%add3A_6, %dma_wait3A_56] : memref<10240x1xf32, #tpu.memory_space<vmem_shared>> -> memref<128x1xf32, #tpu.memory_space<vmem_shared>>
      tpu.wait_dma2 semaphore(%run_scoped3A : memref<!tpu.dma_semaphore, #tpu.memory_space<semaphore_mem>>) src(%arg7 : memref<128x1xf32, #tpu.memory_space<vmem>>) dst(%dma_wait3A_57 : memref<128x1xf32, #tpu.memory_space<vmem_shared>>)
      tpu.yield
    }) : () -> ()
    %add3A_7 = arith.constant 128 : i32
    %add3A_8 = arith.addi %mul3A_2, %add3A_7 : i32
    "tpu.region"() ({
      %run_scoped3A = tpu.sem_alloc : memref<!tpu.dma_semaphore, #tpu.memory_space<semaphore_mem>>
      %dma_start3A_50 = arith.constant 0 : i32
      %dma_start3A_51 = tpu.memref_slice %arg5[%add3A_8, %dma_start3A_50] : memref<10240x1xf32, #tpu.memory_space<vmem_shared>> -> memref<128x1xf32, #tpu.memory_space<vmem_shared>>
      %dma_start3A_52 = arith.constant 0 : i32
      %dma_start3A_53 = tpu.memref_slice %arg5[%add3A_8, %dma_start3A_52] : memref<10240x1xf32, #tpu.memory_space<vmem_shared>> -> memref<128x1xf32, #tpu.memory_space<vmem_shared>>
      tpu.enqueue_dma source(%arg7 : memref<128x1xf32, #tpu.memory_space<vmem>>) target(%dma_start3A_53 : memref<128x1xf32, #tpu.memory_space<vmem_shared>>) target_semaphore(%run_scoped3A : memref<!tpu.dma_semaphore, #tpu.memory_space<semaphore_mem>>)
      %dma_wait3A_54 = arith.constant 0 : i32
      %dma_wait3A_55 = tpu.memref_slice %arg5[%add3A_8, %dma_wait3A_54] : memref<10240x1xf32, #tpu.memory_space<vmem_shared>> -> memref<128x1xf32, #tpu.memory_space<vmem_shared>>
      %dma_wait3A_56 = arith.constant 0 : i32
      %dma_wait3A_57 = tpu.memref_slice %arg5[%add3A_8, %dma_wait3A_56] : memref<10240x1xf32, #tpu.memory_space<vmem_shared>> -> memref<128x1xf32, #tpu.memory_space<vmem_shared>>
      tpu.wait_dma2 semaphore(%run_scoped3A : memref<!tpu.dma_semaphore, #tpu.memory_space<semaphore_mem>>) src(%arg7 : memref<128x1xf32, #tpu.memory_space<vmem>>) dst(%dma_wait3A_57 : memref<128x1xf32, #tpu.memory_space<vmem_shared>>)
      tpu.yield
    }) : () -> ()
    %add3A_9 = arith.constant 256 : i32
    %add3A_10 = arith.addi %mul3A_2, %add3A_9 : i32
    "tpu.region"() ({
      %run_scoped3A = tpu.sem_alloc : memref<!tpu.dma_semaphore, #tpu.memory_space<semaphore_mem>>
      %dma_start3A_50 = arith.constant 0 : i32
      %dma_start3A_51 = tpu.memref_slice %arg5[%add3A_10, %dma_start3A_50] : memref<10240x1xf32, #tpu.memory_space<vmem_shared>> -> memref<128x1xf32, #tpu.memory_space<vmem_shared>>
      %dma_start3A_52 = arith.constant 0 : i32
      %dma_start3A_53 = tpu.memref_slice %arg5[%add3A_10, %dma_start3A_52] : memref<10240x1xf32, #tpu.memory_space<vmem_shared>> -> memref<128x1xf32, #tpu.memory_space<vmem_shared>>
      tpu.enqueue_dma source(%arg7 : memref<128x1xf32, #tpu.memory_space<vmem>>) target(%dma_start3A_53 : memref<128x1xf32, #tpu.memory_space<vmem_shared>>) target_semaphore(%run_scoped3A : memref<!tpu.dma_semaphore, #tpu.memory_space<semaphore_mem>>)
      %dma_wait3A_54 = arith.constant 0 : i32
      %dma_wait3A_55 = tpu.memref_slice %arg5[%add3A_10, %dma_wait3A_54] : memref<10240x1xf32, #tpu.memory_space<vmem_shared>> -> memref<128x1xf32, #tpu.memory_space<vmem_shared>>
      %dma_wait3A_56 = arith.constant 0 : i32
      %dma_wait3A_57 = tpu.memref_slice %arg5[%add3A_10, %dma_wait3A_56] : memref<10240x1xf32, #tpu.memory_space<vmem_shared>> -> memref<128x1xf32, #tpu.memory_space<vmem_shared>>
      tpu.wait_dma2 semaphore(%run_scoped3A : memref<!tpu.dma_semaphore, #tpu.memory_space<semaphore_mem>>) src(%arg7 : memref<128x1xf32, #tpu.memory_space<vmem>>) dst(%dma_wait3A_57 : memref<128x1xf32, #tpu.memory_space<vmem_shared>>)
      tpu.yield
    }) : () -> ()
    %add3A_11 = arith.constant 384 : i32
    %add3A_12 = arith.addi %mul3A_2, %add3A_11 : i32
    "tpu.region"() ({
      %run_scoped3A = tpu.sem_alloc : memref<!tpu.dma_semaphore, #tpu.memory_space<semaphore_mem>>
      %dma_start3A_50 = arith.constant 0 : i32
      %dma_start3A_51 = tpu.memref_slice %arg5[%add3A_12, %dma_start3A_50] : memref<10240x1xf32, #tpu.memory_space<vmem_shared>> -> memref<128x1xf32, #tpu.memory_space<vmem_shared>>
      %dma_start3A_52 = arith.constant 0 : i32
      %dma_start3A_53 = tpu.memref_slice %arg5[%add3A_12, %dma_start3A_52] : memref<10240x1xf32, #tpu.memory_space<vmem_shared>> -> memref<128x1xf32, #tpu.memory_space<vmem_shared>>
      tpu.enqueue_dma source(%arg7 : memref<128x1xf32, #tpu.memory_space<vmem>>) target(%dma_start3A_53 : memref<128x1xf32, #tpu.memory_space<vmem_shared>>) target_semaphore(%run_scoped3A : memref<!tpu.dma_semaphore, #tpu.memory_space<semaphore_mem>>)
      %dma_wait3A_54 = arith.constant 0 : i32
      %dma_wait3A_55 = tpu.memref_slice %arg5[%add3A_12, %dma_wait3A_54] : memref<10240x1xf32, #tpu.memory_space<vmem_shared>> -> memref<128x1xf32, #tpu.memory_space<vmem_shared>>
      %dma_wait3A_56 = arith.constant 0 : i32
      %dma_wait3A_57 = tpu.memref_slice %arg5[%add3A_12, %dma_wait3A_56] : memref<10240x1xf32, #tpu.memory_space<vmem_shared>> -> memref<128x1xf32, #tpu.memory_space<vmem_shared>>
      tpu.wait_dma2 semaphore(%run_scoped3A : memref<!tpu.dma_semaphore, #tpu.memory_space<semaphore_mem>>) src(%arg7 : memref<128x1xf32, #tpu.memory_space<vmem>>) dst(%dma_wait3A_57 : memref<128x1xf32, #tpu.memory_space<vmem_shared>>)
      tpu.yield
    }) : () -> ()
    %add3A_13 = arith.constant 512 : i32
    %add3A_14 = arith.addi %mul3A_2, %add3A_13 : i32
    "tpu.region"() ({
      %run_scoped3A = tpu.sem_alloc : memref<!tpu.dma_semaphore, #tpu.memory_space<semaphore_mem>>
      %dma_start3A_50 = arith.constant 0 : i32
      %dma_start3A_51 = tpu.memref_slice %arg5[%add3A_14, %dma_start3A_50] : memref<10240x1xf32, #tpu.memory_space<vmem_shared>> -> memref<128x1xf32, #tpu.memory_space<vmem_shared>>
      %dma_start3A_52 = arith.constant 0 : i32
      %dma_start3A_53 = tpu.memref_slice %arg5[%add3A_14, %dma_start3A_52] : memref<10240x1xf32, #tpu.memory_space<vmem_shared>> -> memref<128x1xf32, #tpu.memory_space<vmem_shared>>
      tpu.enqueue_dma source(%arg7 : memref<128x1xf32, #tpu.memory_space<vmem>>) target(%dma_start3A_53 : memref<128x1xf32, #tpu.memory_space<vmem_shared>>) target_semaphore(%run_scoped3A : memref<!tpu.dma_semaphore, #tpu.memory_space<semaphore_mem>>)
      %dma_wait3A_54 = arith.constant 0 : i32
      %dma_wait3A_55 = tpu.memref_slice %arg5[%add3A_14, %dma_wait3A_54] : memref<10240x1xf32, #tpu.memory_space<vmem_shared>> -> memref<128x1xf32, #tpu.memory_space<vmem_shared>>
      %dma_wait3A_56 = arith.constant 0 : i32
      %dma_wait3A_57 = tpu.memref_slice %arg5[%add3A_14, %dma_wait3A_56] : memref<10240x1xf32, #tpu.memory_space<vmem_shared>> -> memref<128x1xf32, #tpu.memory_space<vmem_shared>>
      tpu.wait_dma2 semaphore(%run_scoped3A : memref<!tpu.dma_semaphore, #tpu.memory_space<semaphore_mem>>) src(%arg7 : memref<128x1xf32, #tpu.memory_space<vmem>>) dst(%dma_wait3A_57 : memref<128x1xf32, #tpu.memory_space<vmem_shared>>)
      tpu.yield
    }) : () -> ()
    %barrier3A = arith.constant 0 : index
    tpu.barrier barrier_id(%barrier3A)
    %scan3A = arith.constant 0 : i32
    %scan3A_15 = arith.constant 19 : i32
    %scan3A_16 = arith.addi %scan3A, %scan3A_15 : i32
    %scan3A_17 = arith.constant 1 : i32
    scf.for %scan3A_50 = %scan3A to %scan3A_16 step %scan3A_17  : i32 {
      %mul3A_51 = arith.constant 1 : i32
      %mul3A_52 = arith.muli %scan3A_50, %mul3A_51 : i32
      %add3A_53 = arith.constant 0 : i32
      %add3A_54 = arith.addi %add3A_53, %mul3A_52 : i32
      %add3A_55 = arith.constant 320000 : i32
      %add3A_56 = arith.addi %add3A_55, %mul3A_4 : i32
      %mul3A_57 = arith.constant 4 : i32
      %mul3A_58 = arith.muli %add3A_54, %mul3A_57 : i32
      %add3A_59 = arith.constant 0 : i32
      %add3A_60 = arith.addi %mul3A_58, %add3A_59 : i32
      %mul3A_61 = arith.constant 128 : i32
      %mul3A_62 = arith.muli %add3A_60, %mul3A_61 : i32
      %add3A_63 = arith.addi %add3A_56, %mul3A_62 : i32
      %dma_start3A_64 = tpu.memref_slice %arg2[%add3A_63] : memref<640000xi32, #tpu.memory_space<hbm>> -> memref<128xi32, #tpu.memory_space<hbm>>
      %dma_start3A_65 = tpu.memref_slice %arg2[%add3A_63] : memref<640000xi32, #tpu.memory_space<hbm>> -> memref<128xi32, #tpu.memory_space<hbm>>
      tpu.enqueue_dma source(%dma_start3A_65 : memref<128xi32, #tpu.memory_space<hbm>>) target(%arg9 : memref<128xi32, #tpu.memory_space<vmem>>) target_semaphore(%arg13 : memref<!tpu.dma_semaphore, #tpu.memory_space<semaphore_mem>>)
      %add3A_66 = arith.constant 320000 : i32
      %add3A_67 = arith.addi %add3A_66, %mul3A_4 : i32
      %mul3A_68 = arith.constant 4 : i32
      %mul3A_69 = arith.muli %add3A_54, %mul3A_68 : i32
      %add3A_70 = arith.constant 1 : i32
      %add3A_71 = arith.addi %mul3A_69, %add3A_70 : i32
      %mul3A_72 = arith.constant 128 : i32
      %mul3A_73 = arith.muli %add3A_71, %mul3A_72 : i32
      %add3A_74 = arith.addi %add3A_67, %mul3A_73 : i32
      %dma_start3A_75 = tpu.memref_slice %arg2[%add3A_74] : memref<640000xi32, #tpu.memory_space<hbm>> -> memref<128xi32, #tpu.memory_space<hbm>>
      %dma_start3A_76 = tpu.memref_slice %arg2[%add3A_74] : memref<640000xi32, #tpu.memory_space<hbm>> -> memref<128xi32, #tpu.memory_space<hbm>>
      tpu.enqueue_dma source(%dma_start3A_76 : memref<128xi32, #tpu.memory_space<hbm>>) target(%arg10 : memref<128xi32, #tpu.memory_space<vmem>>) target_semaphore(%arg14 : memref<!tpu.dma_semaphore, #tpu.memory_space<semaphore_mem>>)
      %add3A_77 = arith.constant 320000 : i32
      %add3A_78 = arith.addi %add3A_77, %mul3A_4 : i32
      %mul3A_79 = arith.constant 4 : i32
      %mul3A_80 = arith.muli %add3A_54, %mul3A_79 : i32
      %add3A_81 = arith.constant 2 : i32
      %add3A_82 = arith.addi %mul3A_80, %add3A_81 : i32
      %mul3A_83 = arith.constant 128 : i32
      %mul3A_84 = arith.muli %add3A_82, %mul3A_83 : i32
      %add3A_85 = arith.addi %add3A_78, %mul3A_84 : i32
      %dma_start3A_86 = tpu.memref_slice %arg2[%add3A_85] : memref<640000xi32, #tpu.memory_space<hbm>> -> memref<128xi32, #tpu.memory_space<hbm>>
      %dma_start3A_87 = tpu.memref_slice %arg2[%add3A_85] : memref<640000xi32, #tpu.memory_space<hbm>> -> memref<128xi32, #tpu.memory_space<hbm>>
      tpu.enqueue_dma source(%dma_start3A_87 : memref<128xi32, #tpu.memory_space<hbm>>) target(%arg11 : memref<128xi32, #tpu.memory_space<vmem>>) target_semaphore(%arg15 : memref<!tpu.dma_semaphore, #tpu.memory_space<semaphore_mem>>)
      %add3A_88 = arith.constant 320000 : i32
      %add3A_89 = arith.addi %add3A_88, %mul3A_4 : i32
      %mul3A_90 = arith.constant 4 : i32
      %mul3A_91 = arith.muli %add3A_54, %mul3A_90 : i32
      %add3A_92 = arith.constant 3 : i32
      %add3A_93 = arith.addi %mul3A_91, %add3A_92 : i32
      %mul3A_94 = arith.constant 128 : i32
      %mul3A_95 = arith.muli %add3A_93, %mul3A_94 : i32
      %add3A_96 = arith.addi %add3A_89, %mul3A_95 : i32
      %dma_start3A_97 = tpu.memref_slice %arg2[%add3A_96] : memref<640000xi32, #tpu.memory_space<hbm>> -> memref<128xi32, #tpu.memory_space<hbm>>
      %dma_start3A_98 = tpu.memref_slice %arg2[%add3A_96] : memref<640000xi32, #tpu.memory_space<hbm>> -> memref<128xi32, #tpu.memory_space<hbm>>
      tpu.enqueue_dma source(%dma_start3A_98 : memref<128xi32, #tpu.memory_space<hbm>>) target(%arg12 : memref<128xi32, #tpu.memory_space<vmem>>) target_semaphore(%arg16 : memref<!tpu.dma_semaphore, #tpu.memory_space<semaphore_mem>>)
      %dma_wait3A_99 = tpu.memref_slice %arg2[%add3A_63] : memref<640000xi32, #tpu.memory_space<hbm>> -> memref<128xi32, #tpu.memory_space<hbm>>
      %dma_wait3A_100 = tpu.memref_slice %arg2[%add3A_63] : memref<640000xi32, #tpu.memory_space<hbm>> -> memref<128xi32, #tpu.memory_space<hbm>>
      tpu.wait_dma2 semaphore(%arg13 : memref<!tpu.dma_semaphore, #tpu.memory_space<semaphore_mem>>) src(%dma_wait3A_100 : memref<128xi32, #tpu.memory_space<hbm>>) dst(%arg9 : memref<128xi32, #tpu.memory_space<vmem>>)
      %dma_start3A_101 = arith.constant 0 : i32
      %dma_start3A_102 = arith.constant 0 : i32
      %dma_start3A_103 = tpu.memref_slice %arg5[%dma_start3A_101, %dma_start3A_102] : memref<10240x1xf32, #tpu.memory_space<vmem_shared>> -> memref<10240x1xf32, #tpu.memory_space<vmem_shared>>
      tpu.enqueue_indirect_dma source(%arg7 : memref<128x1xf32, #tpu.memory_space<vmem>>) target(%dma_start3A_103 : memref<10240x1xf32, #tpu.memory_space<vmem_shared>>) offsets(%arg9 : memref<128xi32, #tpu.memory_space<vmem>>) semaphore(%arg17 : memref<!tpu.dma_semaphore, #tpu.memory_space<semaphore_mem>>) {add = true}
      %dma_wait3A_104 = tpu.memref_slice %arg2[%add3A_74] : memref<640000xi32, #tpu.memory_space<hbm>> -> memref<128xi32, #tpu.memory_space<hbm>>
      %dma_wait3A_105 = tpu.memref_slice %arg2[%add3A_74] : memref<640000xi32, #tpu.memory_space<hbm>> -> memref<128xi32, #tpu.memory_space<hbm>>
      tpu.wait_dma2 semaphore(%arg14 : memref<!tpu.dma_semaphore, #tpu.memory_space<semaphore_mem>>) src(%dma_wait3A_105 : memref<128xi32, #tpu.memory_space<hbm>>) dst(%arg10 : memref<128xi32, #tpu.memory_space<vmem>>)
      %dma_start3A_106 = arith.constant 0 : i32
      %dma_start3A_107 = arith.constant 0 : i32
      %dma_start3A_108 = tpu.memref_slice %arg5[%dma_start3A_106, %dma_start3A_107] : memref<10240x1xf32, #tpu.memory_space<vmem_shared>> -> memref<10240x1xf32, #tpu.memory_space<vmem_shared>>
      tpu.enqueue_indirect_dma source(%arg7 : memref<128x1xf32, #tpu.memory_space<vmem>>) target(%dma_start3A_108 : memref<10240x1xf32, #tpu.memory_space<vmem_shared>>) offsets(%arg10 : memref<128xi32, #tpu.memory_space<vmem>>) semaphore(%arg18 : memref<!tpu.dma_semaphore, #tpu.memory_space<semaphore_mem>>) {add = true}
      %dma_wait3A_109 = tpu.memref_slice %arg2[%add3A_85] : memref<640000xi32, #tpu.memory_space<hbm>> -> memref<128xi32, #tpu.memory_space<hbm>>
      %dma_wait3A_110 = tpu.memref_slice %arg2[%add3A_85] : memref<640000xi32, #tpu.memory_space<hbm>> -> memref<128xi32, #tpu.memory_space<hbm>>
      tpu.wait_dma2 semaphore(%arg15 : memref<!tpu.dma_semaphore, #tpu.memory_space<semaphore_mem>>) src(%dma_wait3A_110 : memref<128xi32, #tpu.memory_space<hbm>>) dst(%arg11 : memref<128xi32, #tpu.memory_space<vmem>>)
      %dma_start3A_111 = arith.constant 0 : i32
      %dma_start3A_112 = arith.constant 0 : i32
      %dma_start3A_113 = tpu.memref_slice %arg5[%dma_start3A_111, %dma_start3A_112] : memref<10240x1xf32, #tpu.memory_space<vmem_shared>> -> memref<10240x1xf32, #tpu.memory_space<vmem_shared>>
      tpu.enqueue_indirect_dma source(%arg7 : memref<128x1xf32, #tpu.memory_space<vmem>>) target(%dma_start3A_113 : memref<10240x1xf32, #tpu.memory_space<vmem_shared>>) offsets(%arg11 : memref<128xi32, #tpu.memory_space<vmem>>) semaphore(%arg19 : memref<!tpu.dma_semaphore, #tpu.memory_space<semaphore_mem>>) {add = true}
      %dma_wait3A_114 = tpu.memref_slice %arg2[%add3A_96] : memref<640000xi32, #tpu.memory_space<hbm>> -> memref<128xi32, #tpu.memory_space<hbm>>
      %dma_wait3A_115 = tpu.memref_slice %arg2[%add3A_96] : memref<640000xi32, #tpu.memory_space<hbm>> -> memref<128xi32, #tpu.memory_space<hbm>>
      tpu.wait_dma2 semaphore(%arg16 : memref<!tpu.dma_semaphore, #tpu.memory_space<semaphore_mem>>) src(%dma_wait3A_115 : memref<128xi32, #tpu.memory_space<hbm>>) dst(%arg12 : memref<128xi32, #tpu.memory_space<vmem>>)
      %dma_start3A_116 = arith.constant 0 : i32
      %dma_start3A_117 = arith.constant 0 : i32
      %dma_start3A_118 = tpu.memref_slice %arg5[%dma_start3A_116, %dma_start3A_117] : memref<10240x1xf32, #tpu.memory_space<vmem_shared>> -> memref<10240x1xf32, #tpu.memory_space<vmem_shared>>
      tpu.enqueue_indirect_dma source(%arg7 : memref<128x1xf32, #tpu.memory_space<vmem>>) target(%dma_start3A_118 : memref<10240x1xf32, #tpu.memory_space<vmem_shared>>) offsets(%arg12 : memref<128xi32, #tpu.memory_space<vmem>>) semaphore(%arg20 : memref<!tpu.dma_semaphore, #tpu.memory_space<semaphore_mem>>) {add = true}
      %dma_wait3A_119 = arith.constant 0 : i32
      %dma_wait3A_120 = arith.constant 0 : i32
      %dma_wait3A_121 = tpu.memref_slice %arg5[%dma_wait3A_119, %dma_wait3A_120] : memref<10240x1xf32, #tpu.memory_space<vmem_shared>> -> memref<10240x1xf32, #tpu.memory_space<vmem_shared>>
      tpu.wait_indirect_dma semaphore(%arg17 : memref<!tpu.dma_semaphore, #tpu.memory_space<semaphore_mem>>) src(%arg7 : memref<128x1xf32, #tpu.memory_space<vmem>>) dst(%dma_wait3A_121 : memref<10240x1xf32, #tpu.memory_space<vmem_shared>>)
      %dma_wait3A_122 = arith.constant 0 : i32
      %dma_wait3A_123 = arith.constant 0 : i32
      %dma_wait3A_124 = tpu.memref_slice %arg5[%dma_wait3A_122, %dma_wait3A_123] : memref<10240x1xf32, #tpu.memory_space<vmem_shared>> -> memref<10240x1xf32, #tpu.memory_space<vmem_shared>>
      tpu.wait_indirect_dma semaphore(%arg18 : memref<!tpu.dma_semaphore, #tpu.memory_space<semaphore_mem>>) src(%arg7 : memref<128x1xf32, #tpu.memory_space<vmem>>) dst(%dma_wait3A_124 : memref<10240x1xf32, #tpu.memory_space<vmem_shared>>)
      %dma_wait3A_125 = arith.constant 0 : i32
      %dma_wait3A_126 = arith.constant 0 : i32
      %dma_wait3A_127 = tpu.memref_slice %arg5[%dma_wait3A_125, %dma_wait3A_126] : memref<10240x1xf32, #tpu.memory_space<vmem_shared>> -> memref<10240x1xf32, #tpu.memory_space<vmem_shared>>
      tpu.wait_indirect_dma semaphore(%arg19 : memref<!tpu.dma_semaphore, #tpu.memory_space<semaphore_mem>>) src(%arg7 : memref<128x1xf32, #tpu.memory_space<vmem>>) dst(%dma_wait3A_127 : memref<10240x1xf32, #tpu.memory_space<vmem_shared>>)
      %dma_wait3A_128 = arith.constant 0 : i32
      %dma_wait3A_129 = arith.constant 0 : i32
      %dma_wait3A_130 = tpu.memref_slice %arg5[%dma_wait3A_128, %dma_wait3A_129] : memref<10240x1xf32, #tpu.memory_space<vmem_shared>> -> memref<10240x1xf32, #tpu.memory_space<vmem_shared>>
      tpu.wait_indirect_dma semaphore(%arg20 : memref<!tpu.dma_semaphore, #tpu.memory_space<semaphore_mem>>) src(%arg7 : memref<128x1xf32, #tpu.memory_space<vmem>>) dst(%dma_wait3A_130 : memref<10240x1xf32, #tpu.memory_space<vmem_shared>>)
    }
    %scan3A_18 = arith.constant 19 : i32
    %add3A_19 = arith.constant 320000 : i32
    %add3A_20 = arith.addi %add3A_19, %mul3A_4 : i32
    %add3A_21 = arith.constant 9728 : i32
    %add3A_22 = arith.addi %add3A_20, %add3A_21 : i32
    %dma_start3A = tpu.memref_slice %arg2[%add3A_22] : memref<640000xi32, #tpu.memory_space<hbm>> -> memref<128xi32, #tpu.memory_space<hbm>>
    %dma_start3A_23 = tpu.memref_slice %arg2[%add3A_22] : memref<640000xi32, #tpu.memory_space<hbm>> -> memref<128xi32, #tpu.memory_space<hbm>>
    tpu.enqueue_dma source(%dma_start3A_23 : memref<128xi32, #tpu.memory_space<hbm>>) target(%arg9 : memref<128xi32, #tpu.memory_space<vmem>>) target_semaphore(%arg13 : memref<!tpu.dma_semaphore, #tpu.memory_space<semaphore_mem>>)
    %add3A_24 = arith.constant 320000 : i32
    %add3A_25 = arith.addi %add3A_24, %mul3A_4 : i32
    %add3A_26 = arith.constant 9856 : i32
    %add3A_27 = arith.addi %add3A_25, %add3A_26 : i32
    %dma_start3A_28 = tpu.memref_slice %arg2[%add3A_27] : memref<640000xi32, #tpu.memory_space<hbm>> -> memref<128xi32, #tpu.memory_space<hbm>>
    %dma_start3A_29 = tpu.memref_slice %arg2[%add3A_27] : memref<640000xi32, #tpu.memory_space<hbm>> -> memref<128xi32, #tpu.memory_space<hbm>>
    tpu.enqueue_dma source(%dma_start3A_29 : memref<128xi32, #tpu.memory_space<hbm>>) target(%arg10 : memref<128xi32, #tpu.memory_space<vmem>>) target_semaphore(%arg14 : memref<!tpu.dma_semaphore, #tpu.memory_space<semaphore_mem>>)
    %dma_wait3A = tpu.memref_slice %arg2[%add3A_22] : memref<640000xi32, #tpu.memory_space<hbm>> -> memref<128xi32, #tpu.memory_space<hbm>>
    %dma_wait3A_30 = tpu.memref_slice %arg2[%add3A_22] : memref<640000xi32, #tpu.memory_space<hbm>> -> memref<128xi32, #tpu.memory_space<hbm>>
    tpu.wait_dma2 semaphore(%arg13 : memref<!tpu.dma_semaphore, #tpu.memory_space<semaphore_mem>>) src(%dma_wait3A_30 : memref<128xi32, #tpu.memory_space<hbm>>) dst(%arg9 : memref<128xi32, #tpu.memory_space<vmem>>)
    %dma_start3A_31 = arith.constant 0 : i32
    %dma_start3A_32 = arith.constant 0 : i32
    %dma_start3A_33 = tpu.memref_slice %arg5[%dma_start3A_31, %dma_start3A_32] : memref<10240x1xf32, #tpu.memory_space<vmem_shared>> -> memref<10240x1xf32, #tpu.memory_space<vmem_shared>>
    tpu.enqueue_indirect_dma source(%arg7 : memref<128x1xf32, #tpu.memory_space<vmem>>) target(%dma_start3A_33 : memref<10240x1xf32, #tpu.memory_space<vmem_shared>>) offsets(%arg9 : memref<128xi32, #tpu.memory_space<vmem>>) semaphore(%arg17 : memref<!tpu.dma_semaphore, #tpu.memory_space<semaphore_mem>>) {add = true}
    %dma_wait3A_34 = tpu.memref_slice %arg2[%add3A_27] : memref<640000xi32, #tpu.memory_space<hbm>> -> memref<128xi32, #tpu.memory_space<hbm>>
    %dma_wait3A_35 = tpu.memref_slice %arg2[%add3A_27] : memref<640000xi32, #tpu.memory_space<hbm>> -> memref<128xi32, #tpu.memory_space<hbm>>
    tpu.wait_dma2 semaphore(%arg14 : memref<!tpu.dma_semaphore, #tpu.memory_space<semaphore_mem>>) src(%dma_wait3A_35 : memref<128xi32, #tpu.memory_space<hbm>>) dst(%arg10 : memref<128xi32, #tpu.memory_space<vmem>>)
    %dma_start3A_36 = arith.constant 0 : i32
    %dma_start3A_37 = arith.constant 0 : i32
    %dma_start3A_38 = tpu.memref_slice %arg5[%dma_start3A_36, %dma_start3A_37] : memref<10240x1xf32, #tpu.memory_space<vmem_shared>> -> memref<10240x1xf32, #tpu.memory_space<vmem_shared>>
    tpu.enqueue_indirect_dma source(%arg7 : memref<128x1xf32, #tpu.memory_space<vmem>>) target(%dma_start3A_38 : memref<10240x1xf32, #tpu.memory_space<vmem_shared>>) offsets(%arg10 : memref<128xi32, #tpu.memory_space<vmem>>) semaphore(%arg18 : memref<!tpu.dma_semaphore, #tpu.memory_space<semaphore_mem>>) {add = true}
    %dma_wait3A_39 = arith.constant 0 : i32
    %dma_wait3A_40 = arith.constant 0 : i32
    %dma_wait3A_41 = tpu.memref_slice %arg5[%dma_wait3A_39, %dma_wait3A_40] : memref<10240x1xf32, #tpu.memory_space<vmem_shared>> -> memref<10240x1xf32, #tpu.memory_space<vmem_shared>>
    tpu.wait_indirect_dma semaphore(%arg17 : memref<!tpu.dma_semaphore, #tpu.memory_space<semaphore_mem>>) src(%arg7 : memref<128x1xf32, #tpu.memory_space<vmem>>) dst(%dma_wait3A_41 : memref<10240x1xf32, #tpu.memory_space<vmem_shared>>)
    %dma_wait3A_42 = arith.constant 0 : i32
    %dma_wait3A_43 = arith.constant 0 : i32
    %dma_wait3A_44 = tpu.memref_slice %arg5[%dma_wait3A_42, %dma_wait3A_43] : memref<10240x1xf32, #tpu.memory_space<vmem_shared>> -> memref<10240x1xf32, #tpu.memory_space<vmem_shared>>
    tpu.wait_indirect_dma semaphore(%arg18 : memref<!tpu.dma_semaphore, #tpu.memory_space<semaphore_mem>>) src(%arg7 : memref<128x1xf32, #tpu.memory_space<vmem>>) dst(%dma_wait3A_44 : memref<10240x1xf32, #tpu.memory_space<vmem_shared>>)
    %add3A_45 = arith.constant 320000 : i32
    %add3A_46 = arith.addi %add3A_45, %mul3A_4 : i32
    %add3A_47 = arith.constant 9984 : i32
    %add3A_48 = arith.addi %add3A_46, %add3A_47 : i32
    "tpu.region"() ({
      %run_scoped3A = tpu.sem_alloc : memref<!tpu.dma_semaphore, #tpu.memory_space<semaphore_mem>>
      %dma_start3A_50 = tpu.memref_slice %arg2[%add3A_48] : memref<640000xi32, #tpu.memory_space<hbm>> -> memref<16xi32, #tpu.memory_space<hbm>>
      %dma_start3A_51 = tpu.memref_slice %arg2[%add3A_48] : memref<640000xi32, #tpu.memory_space<hbm>> -> memref<16xi32, #tpu.memory_space<hbm>>
      tpu.enqueue_dma source(%dma_start3A_51 : memref<16xi32, #tpu.memory_space<hbm>>) target(%arg6 : memref<16xi32, #tpu.memory_space<vmem>>) target_semaphore(%run_scoped3A : memref<!tpu.dma_semaphore, #tpu.memory_space<semaphore_mem>>)
      %dma_wait3A_52 = tpu.memref_slice %arg2[%add3A_48] : memref<640000xi32, #tpu.memory_space<hbm>> -> memref<16xi32, #tpu.memory_space<hbm>>
      %dma_wait3A_53 = tpu.memref_slice %arg2[%add3A_48] : memref<640000xi32, #tpu.memory_space<hbm>> -> memref<16xi32, #tpu.memory_space<hbm>>
      tpu.wait_dma2 semaphore(%run_scoped3A : memref<!tpu.dma_semaphore, #tpu.memory_space<semaphore_mem>>) src(%dma_wait3A_53 : memref<16xi32, #tpu.memory_space<hbm>>) dst(%arg6 : memref<16xi32, #tpu.memory_space<vmem>>)
      tpu.yield
    }) : () -> ()
    "tpu.region"() ({
      %run_scoped3A = tpu.sem_alloc : memref<!tpu.dma_semaphore, #tpu.memory_space<semaphore_mem>>
      %dma_start3A_50 = arith.constant 0 : i32
      %dma_start3A_51 = arith.constant 0 : i32
      %dma_start3A_52 = tpu.memref_slice %arg5[%dma_start3A_50, %dma_start3A_51] : memref<10240x1xf32, #tpu.memory_space<vmem_shared>> -> memref<10240x1xf32, #tpu.memory_space<vmem_shared>>
      tpu.enqueue_indirect_dma source(%arg8 : memref<16x1xf32, #tpu.memory_space<vmem>>) target(%dma_start3A_52 : memref<10240x1xf32, #tpu.memory_space<vmem_shared>>) offsets(%arg6 : memref<16xi32, #tpu.memory_space<vmem>>) semaphore(%run_scoped3A : memref<!tpu.dma_semaphore, #tpu.memory_space<semaphore_mem>>) {add = true}
      %dma_wait3A_53 = arith.constant 0 : i32
      %dma_wait3A_54 = arith.constant 0 : i32
      %dma_wait3A_55 = tpu.memref_slice %arg5[%dma_wait3A_53, %dma_wait3A_54] : memref<10240x1xf32, #tpu.memory_space<vmem_shared>> -> memref<10240x1xf32, #tpu.memory_space<vmem_shared>>
      tpu.wait_indirect_dma semaphore(%run_scoped3A : memref<!tpu.dma_semaphore, #tpu.memory_space<semaphore_mem>>) src(%arg8 : memref<16x1xf32, #tpu.memory_space<vmem>>) dst(%dma_wait3A_55 : memref<10240x1xf32, #tpu.memory_space<vmem_shared>>)
      tpu.yield
    }) : () -> ()
    %barrier3A_49 = arith.constant 0 : index
    tpu.barrier barrier_id(%barrier3A_49)
    "tpu.region"() ({
      %run_scoped3A = tpu.sem_alloc : memref<!tpu.dma_semaphore, #tpu.memory_space<semaphore_mem>>
      %dma_start3A_50 = arith.constant 0 : i32
      %dma_start3A_51 = tpu.memref_slice %arg4[%arg0, %mul3A_2, %dma_start3A_50] : memref<2x10240x1xf32, #tpu.memory_space<hbm>> -> memref<1x640x1xf32, #tpu.memory_space<hbm>>
      %dma_start3A_52 = tpu.memref_squeeze %dma_start3A_51 : memref<1x640x1xf32, #tpu.memory_space<hbm>> -> memref<640x1xf32, #tpu.memory_space<hbm>>
      %dma_start3A_53 = arith.constant 0 : i32
      %dma_start3A_54 = tpu.memref_slice %arg5[%mul3A_2, %dma_start3A_53] : memref<10240x1xf32, #tpu.memory_space<vmem_shared>> -> memref<640x1xf32, #tpu.memory_space<vmem_shared>>
      tpu.enqueue_dma source(%dma_start3A_54 : memref<640x1xf32, #tpu.memory_space<vmem_shared>>) target(%dma_start3A_52 : memref<640x1xf32, #tpu.memory_space<hbm>>) target_semaphore(%run_scoped3A : memref<!tpu.dma_semaphore, #tpu.memory_space<semaphore_mem>>)
      %dma_wait3A_55 = arith.constant 0 : i32
      %dma_wait3A_56 = tpu.memref_slice %arg4[%arg0, %mul3A_2, %dma_wait3A_55] : memref<2x10240x1xf32, #tpu.memory_space<hbm>> -> memref<1x640x1xf32, #tpu.memory_space<hbm>>
      %dma_wait3A_57 = tpu.memref_squeeze %dma_wait3A_56 : memref<1x640x1xf32, #tpu.memory_space<hbm>> -> memref<640x1xf32, #tpu.memory_space<hbm>>
      %dma_wait3A_58 = arith.constant 0 : i32
      %dma_wait3A_59 = tpu.memref_slice %arg5[%mul3A_2, %dma_wait3A_58] : memref<10240x1xf32, #tpu.memory_space<vmem_shared>> -> memref<640x1xf32, #tpu.memory_space<vmem_shared>>
      tpu.wait_dma2 semaphore(%run_scoped3A : memref<!tpu.dma_semaphore, #tpu.memory_space<semaphore_mem>>) src(%dma_wait3A_59 : memref<640x1xf32, #tpu.memory_space<vmem_shared>>) dst(%dma_wait3A_57 : memref<640x1xf32, #tpu.memory_space<hbm>>)
      tpu.yield
    }) : () -> ()
    return
  }
}

#map = affine_map<(d0, d1) -> (0, 0)>
#map1 = affine_map<(d0, d1) -> (0)>
#map2 = affine_map<(d0, d1) -> (0, 0, 0)>
module attributes {stable_mosaic.version = 14 : i64} {
  func.func @sc_agg(%arg0: i32, %arg1: i32, %arg2: memref<10240x64xf32, #tpu.memory_space<hbm>>, %arg3: memref<640000xi32, #tpu.memory_space<hbm>>, %arg4: memref<2x10240x64xf32, #tpu.memory_space<hbm>>, %arg5: memref<10240x64xf32, #tpu.memory_space<vmem_shared>>, %arg6: memref<10240x64xf32, #tpu.memory_space<vmem_shared>>, %arg7: memref<10016xi32, #tpu.memory_space<vmem>>, %arg8: memref<16xi32, #tpu.memory_space<vmem>>, %arg9: memref<16x64xf32, #tpu.memory_space<vmem>>, %arg10: memref<128xi32, #tpu.memory_space<vmem>>, %arg11: memref<128xi32, #tpu.memory_space<vmem>>, %arg12: memref<128xi32, #tpu.memory_space<vmem>>, %arg13: memref<128xi32, #tpu.memory_space<vmem>>, %arg14: memref<128x64xf32, #tpu.memory_space<vmem>>, %arg15: memref<128x64xf32, #tpu.memory_space<vmem>>, %arg16: memref<128x64xf32, #tpu.memory_space<vmem>>, %arg17: memref<128x64xf32, #tpu.memory_space<vmem>>, %arg18: memref<!tpu.dma_semaphore, #tpu.memory_space<semaphore_mem>>, %arg19: memref<!tpu.dma_semaphore, #tpu.memory_space<semaphore_mem>>, %arg20: memref<!tpu.dma_semaphore, #tpu.memory_space<semaphore_mem>>, %arg21: memref<!tpu.dma_semaphore, #tpu.memory_space<semaphore_mem>>, %arg22: memref<!tpu.dma_semaphore, #tpu.memory_space<semaphore_mem>>, %arg23: memref<!tpu.dma_semaphore, #tpu.memory_space<semaphore_mem>>, %arg24: memref<!tpu.dma_semaphore, #tpu.memory_space<semaphore_mem>>, %arg25: memref<!tpu.dma_semaphore, #tpu.memory_space<semaphore_mem>>, %arg26: memref<!tpu.dma_semaphore, #tpu.memory_space<semaphore_mem>>, %arg27: memref<!tpu.dma_semaphore, #tpu.memory_space<semaphore_mem>>, %arg28: memref<!tpu.dma_semaphore, #tpu.memory_space<semaphore_mem>>, %arg29: memref<!tpu.dma_semaphore, #tpu.memory_space<semaphore_mem>>) attributes {dimension_semantics = [#tpu.dimension_semantics<core_parallel>, #tpu.dimension_semantics<subcore_parallel>], iteration_bounds = array<i64: 2, 16>, scalar_prefetch = 0 : i64, scratch_operands = 25 : i64, tpu.core_type = #tpu.core_type<sc_vector_subcore>, window_params = [{transform_indices = #map}, {transform_indices = #map1}, {transform_indices = #map2}]} {
    %mul3A = arith.constant 16 : i32
    %mul3A_0 = arith.muli %arg0, %mul3A : i32
    %add3A = arith.addi %mul3A_0, %arg1 : i32
    %mul3A_1 = arith.constant 640 : i32
    %mul3A_2 = arith.muli %arg1, %mul3A_1 : i32
    %mul3A_3 = arith.constant 10000 : i32
    %mul3A_4 = arith.muli %add3A, %mul3A_3 : i32
    "tpu.region"() ({
      %run_scoped3A = tpu.sem_alloc : memref<!tpu.dma_semaphore, #tpu.memory_space<semaphore_mem>>
      %dma_start3A_60 = arith.constant 0 : i32
      %dma_start3A_61 = tpu.memref_slice %arg7[%dma_start3A_60] : memref<10016xi32, #tpu.memory_space<vmem>> -> memref<10000xi32, #tpu.memory_space<vmem>>
      %dma_start3A_62 = tpu.memref_slice %arg3[%mul3A_4] : memref<640000xi32, #tpu.memory_space<hbm>> -> memref<10000xi32, #tpu.memory_space<hbm>>
      %dma_start3A_63 = arith.constant 0 : i32
      %dma_start3A_64 = tpu.memref_slice %arg7[%dma_start3A_63] : memref<10016xi32, #tpu.memory_space<vmem>> -> memref<10000xi32, #tpu.memory_space<vmem>>
      %dma_start3A_65 = tpu.memref_slice %arg3[%mul3A_4] : memref<640000xi32, #tpu.memory_space<hbm>> -> memref<10000xi32, #tpu.memory_space<hbm>>
      tpu.enqueue_dma source(%dma_start3A_65 : memref<10000xi32, #tpu.memory_space<hbm>>) target(%dma_start3A_64 : memref<10000xi32, #tpu.memory_space<vmem>>) target_semaphore(%run_scoped3A : memref<!tpu.dma_semaphore, #tpu.memory_space<semaphore_mem>>)
      %dma_wait3A_66 = arith.constant 0 : i32
      %dma_wait3A_67 = tpu.memref_slice %arg7[%dma_wait3A_66] : memref<10016xi32, #tpu.memory_space<vmem>> -> memref<10000xi32, #tpu.memory_space<vmem>>
      %dma_wait3A_68 = tpu.memref_slice %arg3[%mul3A_4] : memref<640000xi32, #tpu.memory_space<hbm>> -> memref<10000xi32, #tpu.memory_space<hbm>>
      %dma_wait3A_69 = arith.constant 0 : i32
      %dma_wait3A_70 = tpu.memref_slice %arg7[%dma_wait3A_69] : memref<10016xi32, #tpu.memory_space<vmem>> -> memref<10000xi32, #tpu.memory_space<vmem>>
      %dma_wait3A_71 = tpu.memref_slice %arg3[%mul3A_4] : memref<640000xi32, #tpu.memory_space<hbm>> -> memref<10000xi32, #tpu.memory_space<hbm>>
      tpu.wait_dma2 semaphore(%run_scoped3A : memref<!tpu.dma_semaphore, #tpu.memory_space<semaphore_mem>>) src(%dma_wait3A_71 : memref<10000xi32, #tpu.memory_space<hbm>>) dst(%dma_wait3A_70 : memref<10000xi32, #tpu.memory_space<vmem>>)
      tpu.yield
    }) : () -> ()
    "tpu.region"() ({
      %run_scoped3A = tpu.sem_alloc : memref<!tpu.dma_semaphore, #tpu.memory_space<semaphore_mem>>
      %dma_start3A_60 = arith.constant 0 : i32
      %dma_start3A_61 = tpu.memref_slice %arg6[%mul3A_2, %dma_start3A_60] : memref<10240x64xf32, #tpu.memory_space<vmem_shared>> -> memref<640x64xf32, #tpu.memory_space<vmem_shared>>
      %dma_start3A_62 = arith.constant 0 : i32
      %dma_start3A_63 = tpu.memref_slice %arg2[%mul3A_2, %dma_start3A_62] : memref<10240x64xf32, #tpu.memory_space<hbm>> -> memref<640x64xf32, #tpu.memory_space<hbm>>
      tpu.enqueue_dma source(%dma_start3A_63 : memref<640x64xf32, #tpu.memory_space<hbm>>) target(%dma_start3A_61 : memref<640x64xf32, #tpu.memory_space<vmem_shared>>) target_semaphore(%run_scoped3A : memref<!tpu.dma_semaphore, #tpu.memory_space<semaphore_mem>>)
      %dma_wait3A_64 = arith.constant 0 : i32
      %dma_wait3A_65 = tpu.memref_slice %arg6[%mul3A_2, %dma_wait3A_64] : memref<10240x64xf32, #tpu.memory_space<vmem_shared>> -> memref<640x64xf32, #tpu.memory_space<vmem_shared>>
      %dma_wait3A_66 = arith.constant 0 : i32
      %dma_wait3A_67 = tpu.memref_slice %arg2[%mul3A_2, %dma_wait3A_66] : memref<10240x64xf32, #tpu.memory_space<hbm>> -> memref<640x64xf32, #tpu.memory_space<hbm>>
      tpu.wait_dma2 semaphore(%run_scoped3A : memref<!tpu.dma_semaphore, #tpu.memory_space<semaphore_mem>>) src(%dma_wait3A_67 : memref<640x64xf32, #tpu.memory_space<hbm>>) dst(%dma_wait3A_65 : memref<640x64xf32, #tpu.memory_space<vmem_shared>>)
      tpu.yield
    }) : () -> ()
    "tpu.region"() ({
      %run_scoped3A = tpu.sem_alloc : memref<!tpu.dma_semaphore, #tpu.memory_space<semaphore_mem>>
      %dma_start3A_60 = arith.constant 0 : i32
      %dma_start3A_61 = tpu.memref_slice %arg5[%mul3A_2, %dma_start3A_60] : memref<10240x64xf32, #tpu.memory_space<vmem_shared>> -> memref<640x64xf32, #tpu.memory_space<vmem_shared>>
      %dma_start3A_62 = arith.constant 0 : i32
      %dma_start3A_63 = tpu.memref_slice %arg2[%mul3A_2, %dma_start3A_62] : memref<10240x64xf32, #tpu.memory_space<hbm>> -> memref<640x64xf32, #tpu.memory_space<hbm>>
      tpu.enqueue_dma source(%dma_start3A_63 : memref<640x64xf32, #tpu.memory_space<hbm>>) target(%dma_start3A_61 : memref<640x64xf32, #tpu.memory_space<vmem_shared>>) target_semaphore(%run_scoped3A : memref<!tpu.dma_semaphore, #tpu.memory_space<semaphore_mem>>)
      %dma_wait3A_64 = arith.constant 0 : i32
      %dma_wait3A_65 = tpu.memref_slice %arg5[%mul3A_2, %dma_wait3A_64] : memref<10240x64xf32, #tpu.memory_space<vmem_shared>> -> memref<640x64xf32, #tpu.memory_space<vmem_shared>>
      %dma_wait3A_66 = arith.constant 0 : i32
      %dma_wait3A_67 = tpu.memref_slice %arg2[%mul3A_2, %dma_wait3A_66] : memref<10240x64xf32, #tpu.memory_space<hbm>> -> memref<640x64xf32, #tpu.memory_space<hbm>>
      tpu.wait_dma2 semaphore(%run_scoped3A : memref<!tpu.dma_semaphore, #tpu.memory_space<semaphore_mem>>) src(%dma_wait3A_67 : memref<640x64xf32, #tpu.memory_space<hbm>>) dst(%dma_wait3A_65 : memref<640x64xf32, #tpu.memory_space<vmem_shared>>)
      tpu.yield
    }) : () -> ()
    %barrier3A = arith.constant 0 : index
    tpu.barrier barrier_id(%barrier3A)
    %scan3A = arith.constant 0 : i32
    %scan3A_5 = arith.constant 19 : i32
    %scan3A_6 = arith.addi %scan3A, %scan3A_5 : i32
    %scan3A_7 = arith.constant 1 : i32
    scf.for %scan3A_60 = %scan3A to %scan3A_6 step %scan3A_7  : i32 {
      %mul3A_61 = arith.constant 1 : i32
      %mul3A_62 = arith.muli %scan3A_60, %mul3A_61 : i32
      %add3A_63 = arith.constant 0 : i32
      %add3A_64 = arith.addi %add3A_63, %mul3A_62 : i32
      %mul3A_65 = arith.constant 4 : i32
      %mul3A_66 = arith.muli %add3A_64, %mul3A_65 : i32
      %add3A_67 = arith.constant 0 : i32
      %add3A_68 = arith.addi %mul3A_66, %add3A_67 : i32
      %mul3A_69 = arith.constant 128 : i32
      %mul3A_70 = arith.muli %add3A_68, %mul3A_69 : i32
      %add3A_71 = arith.addi %mul3A_4, %mul3A_70 : i32
      %add3A_72 = arith.constant 320000 : i32
      %add3A_73 = arith.addi %add3A_72, %add3A_71 : i32
      %dma_start3A_74 = tpu.memref_slice %arg3[%add3A_73] : memref<640000xi32, #tpu.memory_space<hbm>> -> memref<128xi32, #tpu.memory_space<hbm>>
      %dma_start3A_75 = tpu.memref_slice %arg3[%add3A_73] : memref<640000xi32, #tpu.memory_space<hbm>> -> memref<128xi32, #tpu.memory_space<hbm>>
      tpu.enqueue_dma source(%dma_start3A_75 : memref<128xi32, #tpu.memory_space<hbm>>) target(%arg10 : memref<128xi32, #tpu.memory_space<vmem>>) target_semaphore(%arg18 : memref<!tpu.dma_semaphore, #tpu.memory_space<semaphore_mem>>)
      %mul3A_76 = arith.constant 4 : i32
      %mul3A_77 = arith.muli %add3A_64, %mul3A_76 : i32
      %add3A_78 = arith.constant 0 : i32
      %add3A_79 = arith.addi %mul3A_77, %add3A_78 : i32
      %mul3A_80 = arith.constant 128 : i32
      %mul3A_81 = arith.muli %add3A_79, %mul3A_80 : i32
      %dma_start3A_82 = tpu.memref_slice %arg7[%mul3A_81] : memref<10016xi32, #tpu.memory_space<vmem>> -> memref<128xi32, #tpu.memory_space<vmem>>
      %dma_start3A_83 = arith.constant 0 : i32
      %dma_start3A_84 = arith.constant 0 : i32
      %dma_start3A_85 = tpu.memref_slice %arg6[%dma_start3A_83, %dma_start3A_84] : memref<10240x64xf32, #tpu.memory_space<vmem_shared>> -> memref<10240x64xf32, #tpu.memory_space<vmem_shared>>
      tpu.enqueue_indirect_dma source(%dma_start3A_85 : memref<10240x64xf32, #tpu.memory_space<vmem_shared>>) target(%arg14 : memref<128x64xf32, #tpu.memory_space<vmem>>) offsets(%dma_start3A_82 : memref<128xi32, #tpu.memory_space<vmem>>) semaphore(%arg22 : memref<!tpu.dma_semaphore, #tpu.memory_space<semaphore_mem>>)
      %mul3A_86 = arith.constant 4 : i32
      %mul3A_87 = arith.muli %add3A_64, %mul3A_86 : i32
      %add3A_88 = arith.constant 1 : i32
      %add3A_89 = arith.addi %mul3A_87, %add3A_88 : i32
      %mul3A_90 = arith.constant 128 : i32
      %mul3A_91 = arith.muli %add3A_89, %mul3A_90 : i32
      %add3A_92 = arith.addi %mul3A_4, %mul3A_91 : i32
      %add3A_93 = arith.constant 320000 : i32
      %add3A_94 = arith.addi %add3A_93, %add3A_92 : i32
      %dma_start3A_95 = tpu.memref_slice %arg3[%add3A_94] : memref<640000xi32, #tpu.memory_space<hbm>> -> memref<128xi32, #tpu.memory_space<hbm>>
      %dma_start3A_96 = tpu.memref_slice %arg3[%add3A_94] : memref<640000xi32, #tpu.memory_space<hbm>> -> memref<128xi32, #tpu.memory_space<hbm>>
      tpu.enqueue_dma source(%dma_start3A_96 : memref<128xi32, #tpu.memory_space<hbm>>) target(%arg11 : memref<128xi32, #tpu.memory_space<vmem>>) target_semaphore(%arg19 : memref<!tpu.dma_semaphore, #tpu.memory_space<semaphore_mem>>)
      %mul3A_97 = arith.constant 4 : i32
      %mul3A_98 = arith.muli %add3A_64, %mul3A_97 : i32
      %add3A_99 = arith.constant 1 : i32
      %add3A_100 = arith.addi %mul3A_98, %add3A_99 : i32
      %mul3A_101 = arith.constant 128 : i32
      %mul3A_102 = arith.muli %add3A_100, %mul3A_101 : i32
      %dma_start3A_103 = tpu.memref_slice %arg7[%mul3A_102] : memref<10016xi32, #tpu.memory_space<vmem>> -> memref<128xi32, #tpu.memory_space<vmem>>
      %dma_start3A_104 = arith.constant 0 : i32
      %dma_start3A_105 = arith.constant 0 : i32
      %dma_start3A_106 = tpu.memref_slice %arg6[%dma_start3A_104, %dma_start3A_105] : memref<10240x64xf32, #tpu.memory_space<vmem_shared>> -> memref<10240x64xf32, #tpu.memory_space<vmem_shared>>
      tpu.enqueue_indirect_dma source(%dma_start3A_106 : memref<10240x64xf32, #tpu.memory_space<vmem_shared>>) target(%arg15 : memref<128x64xf32, #tpu.memory_space<vmem>>) offsets(%dma_start3A_103 : memref<128xi32, #tpu.memory_space<vmem>>) semaphore(%arg23 : memref<!tpu.dma_semaphore, #tpu.memory_space<semaphore_mem>>)
      %mul3A_107 = arith.constant 4 : i32
      %mul3A_108 = arith.muli %add3A_64, %mul3A_107 : i32
      %add3A_109 = arith.constant 2 : i32
      %add3A_110 = arith.addi %mul3A_108, %add3A_109 : i32
      %mul3A_111 = arith.constant 128 : i32
      %mul3A_112 = arith.muli %add3A_110, %mul3A_111 : i32
      %add3A_113 = arith.addi %mul3A_4, %mul3A_112 : i32
      %add3A_114 = arith.constant 320000 : i32
      %add3A_115 = arith.addi %add3A_114, %add3A_113 : i32
      %dma_start3A_116 = tpu.memref_slice %arg3[%add3A_115] : memref<640000xi32, #tpu.memory_space<hbm>> -> memref<128xi32, #tpu.memory_space<hbm>>
      %dma_start3A_117 = tpu.memref_slice %arg3[%add3A_115] : memref<640000xi32, #tpu.memory_space<hbm>> -> memref<128xi32, #tpu.memory_space<hbm>>
      tpu.enqueue_dma source(%dma_start3A_117 : memref<128xi32, #tpu.memory_space<hbm>>) target(%arg12 : memref<128xi32, #tpu.memory_space<vmem>>) target_semaphore(%arg20 : memref<!tpu.dma_semaphore, #tpu.memory_space<semaphore_mem>>)
      %mul3A_118 = arith.constant 4 : i32
      %mul3A_119 = arith.muli %add3A_64, %mul3A_118 : i32
      %add3A_120 = arith.constant 2 : i32
      %add3A_121 = arith.addi %mul3A_119, %add3A_120 : i32
      %mul3A_122 = arith.constant 128 : i32
      %mul3A_123 = arith.muli %add3A_121, %mul3A_122 : i32
      %dma_start3A_124 = tpu.memref_slice %arg7[%mul3A_123] : memref<10016xi32, #tpu.memory_space<vmem>> -> memref<128xi32, #tpu.memory_space<vmem>>
      %dma_start3A_125 = arith.constant 0 : i32
      %dma_start3A_126 = arith.constant 0 : i32
      %dma_start3A_127 = tpu.memref_slice %arg6[%dma_start3A_125, %dma_start3A_126] : memref<10240x64xf32, #tpu.memory_space<vmem_shared>> -> memref<10240x64xf32, #tpu.memory_space<vmem_shared>>
      tpu.enqueue_indirect_dma source(%dma_start3A_127 : memref<10240x64xf32, #tpu.memory_space<vmem_shared>>) target(%arg16 : memref<128x64xf32, #tpu.memory_space<vmem>>) offsets(%dma_start3A_124 : memref<128xi32, #tpu.memory_space<vmem>>) semaphore(%arg24 : memref<!tpu.dma_semaphore, #tpu.memory_space<semaphore_mem>>)
      %mul3A_128 = arith.constant 4 : i32
      %mul3A_129 = arith.muli %add3A_64, %mul3A_128 : i32
      %add3A_130 = arith.constant 3 : i32
      %add3A_131 = arith.addi %mul3A_129, %add3A_130 : i32
      %mul3A_132 = arith.constant 128 : i32
      %mul3A_133 = arith.muli %add3A_131, %mul3A_132 : i32
      %add3A_134 = arith.addi %mul3A_4, %mul3A_133 : i32
      %add3A_135 = arith.constant 320000 : i32
      %add3A_136 = arith.addi %add3A_135, %add3A_134 : i32
      %dma_start3A_137 = tpu.memref_slice %arg3[%add3A_136] : memref<640000xi32, #tpu.memory_space<hbm>> -> memref<128xi32, #tpu.memory_space<hbm>>
      %dma_start3A_138 = tpu.memref_slice %arg3[%add3A_136] : memref<640000xi32, #tpu.memory_space<hbm>> -> memref<128xi32, #tpu.memory_space<hbm>>
      tpu.enqueue_dma source(%dma_start3A_138 : memref<128xi32, #tpu.memory_space<hbm>>) target(%arg13 : memref<128xi32, #tpu.memory_space<vmem>>) target_semaphore(%arg21 : memref<!tpu.dma_semaphore, #tpu.memory_space<semaphore_mem>>)
      %mul3A_139 = arith.constant 4 : i32
      %mul3A_140 = arith.muli %add3A_64, %mul3A_139 : i32
      %add3A_141 = arith.constant 3 : i32
      %add3A_142 = arith.addi %mul3A_140, %add3A_141 : i32
      %mul3A_143 = arith.constant 128 : i32
      %mul3A_144 = arith.muli %add3A_142, %mul3A_143 : i32
      %dma_start3A_145 = tpu.memref_slice %arg7[%mul3A_144] : memref<10016xi32, #tpu.memory_space<vmem>> -> memref<128xi32, #tpu.memory_space<vmem>>
      %dma_start3A_146 = arith.constant 0 : i32
      %dma_start3A_147 = arith.constant 0 : i32
      %dma_start3A_148 = tpu.memref_slice %arg6[%dma_start3A_146, %dma_start3A_147] : memref<10240x64xf32, #tpu.memory_space<vmem_shared>> -> memref<10240x64xf32, #tpu.memory_space<vmem_shared>>
      tpu.enqueue_indirect_dma source(%dma_start3A_148 : memref<10240x64xf32, #tpu.memory_space<vmem_shared>>) target(%arg17 : memref<128x64xf32, #tpu.memory_space<vmem>>) offsets(%dma_start3A_145 : memref<128xi32, #tpu.memory_space<vmem>>) semaphore(%arg25 : memref<!tpu.dma_semaphore, #tpu.memory_space<semaphore_mem>>)
      %dma_wait3A_149 = tpu.memref_slice %arg3[%add3A_73] : memref<640000xi32, #tpu.memory_space<hbm>> -> memref<128xi32, #tpu.memory_space<hbm>>
      %dma_wait3A_150 = tpu.memref_slice %arg3[%add3A_73] : memref<640000xi32, #tpu.memory_space<hbm>> -> memref<128xi32, #tpu.memory_space<hbm>>
      tpu.wait_dma2 semaphore(%arg18 : memref<!tpu.dma_semaphore, #tpu.memory_space<semaphore_mem>>) src(%dma_wait3A_150 : memref<128xi32, #tpu.memory_space<hbm>>) dst(%arg10 : memref<128xi32, #tpu.memory_space<vmem>>)
      %dma_wait3A_151 = tpu.memref_slice %arg7[%mul3A_81] : memref<10016xi32, #tpu.memory_space<vmem>> -> memref<128xi32, #tpu.memory_space<vmem>>
      %dma_wait3A_152 = arith.constant 0 : i32
      %dma_wait3A_153 = arith.constant 0 : i32
      %dma_wait3A_154 = tpu.memref_slice %arg6[%dma_wait3A_152, %dma_wait3A_153] : memref<10240x64xf32, #tpu.memory_space<vmem_shared>> -> memref<10240x64xf32, #tpu.memory_space<vmem_shared>>
      tpu.wait_indirect_dma semaphore(%arg22 : memref<!tpu.dma_semaphore, #tpu.memory_space<semaphore_mem>>) src(%dma_wait3A_154 : memref<10240x64xf32, #tpu.memory_space<vmem_shared>>) dst(%arg14 : memref<128x64xf32, #tpu.memory_space<vmem>>)
      %dma_start3A_155 = arith.constant 0 : i32
      %dma_start3A_156 = arith.constant 0 : i32
      %dma_start3A_157 = tpu.memref_slice %arg5[%dma_start3A_155, %dma_start3A_156] : memref<10240x64xf32, #tpu.memory_space<vmem_shared>> -> memref<10240x64xf32, #tpu.memory_space<vmem_shared>>
      tpu.enqueue_indirect_dma source(%arg14 : memref<128x64xf32, #tpu.memory_space<vmem>>) target(%dma_start3A_157 : memref<10240x64xf32, #tpu.memory_space<vmem_shared>>) offsets(%arg10 : memref<128xi32, #tpu.memory_space<vmem>>) semaphore(%arg26 : memref<!tpu.dma_semaphore, #tpu.memory_space<semaphore_mem>>) {add = true}
      %dma_wait3A_158 = tpu.memref_slice %arg3[%add3A_94] : memref<640000xi32, #tpu.memory_space<hbm>> -> memref<128xi32, #tpu.memory_space<hbm>>
      %dma_wait3A_159 = tpu.memref_slice %arg3[%add3A_94] : memref<640000xi32, #tpu.memory_space<hbm>> -> memref<128xi32, #tpu.memory_space<hbm>>
      tpu.wait_dma2 semaphore(%arg19 : memref<!tpu.dma_semaphore, #tpu.memory_space<semaphore_mem>>) src(%dma_wait3A_159 : memref<128xi32, #tpu.memory_space<hbm>>) dst(%arg11 : memref<128xi32, #tpu.memory_space<vmem>>)
      %dma_wait3A_160 = tpu.memref_slice %arg7[%mul3A_102] : memref<10016xi32, #tpu.memory_space<vmem>> -> memref<128xi32, #tpu.memory_space<vmem>>
      %dma_wait3A_161 = arith.constant 0 : i32
      %dma_wait3A_162 = arith.constant 0 : i32
      %dma_wait3A_163 = tpu.memref_slice %arg6[%dma_wait3A_161, %dma_wait3A_162] : memref<10240x64xf32, #tpu.memory_space<vmem_shared>> -> memref<10240x64xf32, #tpu.memory_space<vmem_shared>>
      tpu.wait_indirect_dma semaphore(%arg23 : memref<!tpu.dma_semaphore, #tpu.memory_space<semaphore_mem>>) src(%dma_wait3A_163 : memref<10240x64xf32, #tpu.memory_space<vmem_shared>>) dst(%arg15 : memref<128x64xf32, #tpu.memory_space<vmem>>)
      %dma_start3A_164 = arith.constant 0 : i32
      %dma_start3A_165 = arith.constant 0 : i32
      %dma_start3A_166 = tpu.memref_slice %arg5[%dma_start3A_164, %dma_start3A_165] : memref<10240x64xf32, #tpu.memory_space<vmem_shared>> -> memref<10240x64xf32, #tpu.memory_space<vmem_shared>>
      tpu.enqueue_indirect_dma source(%arg15 : memref<128x64xf32, #tpu.memory_space<vmem>>) target(%dma_start3A_166 : memref<10240x64xf32, #tpu.memory_space<vmem_shared>>) offsets(%arg11 : memref<128xi32, #tpu.memory_space<vmem>>) semaphore(%arg27 : memref<!tpu.dma_semaphore, #tpu.memory_space<semaphore_mem>>) {add = true}
      %dma_wait3A_167 = tpu.memref_slice %arg3[%add3A_115] : memref<640000xi32, #tpu.memory_space<hbm>> -> memref<128xi32, #tpu.memory_space<hbm>>
      %dma_wait3A_168 = tpu.memref_slice %arg3[%add3A_115] : memref<640000xi32, #tpu.memory_space<hbm>> -> memref<128xi32, #tpu.memory_space<hbm>>
      tpu.wait_dma2 semaphore(%arg20 : memref<!tpu.dma_semaphore, #tpu.memory_space<semaphore_mem>>) src(%dma_wait3A_168 : memref<128xi32, #tpu.memory_space<hbm>>) dst(%arg12 : memref<128xi32, #tpu.memory_space<vmem>>)
      %dma_wait3A_169 = tpu.memref_slice %arg7[%mul3A_123] : memref<10016xi32, #tpu.memory_space<vmem>> -> memref<128xi32, #tpu.memory_space<vmem>>
      %dma_wait3A_170 = arith.constant 0 : i32
      %dma_wait3A_171 = arith.constant 0 : i32
      %dma_wait3A_172 = tpu.memref_slice %arg6[%dma_wait3A_170, %dma_wait3A_171] : memref<10240x64xf32, #tpu.memory_space<vmem_shared>> -> memref<10240x64xf32, #tpu.memory_space<vmem_shared>>
      tpu.wait_indirect_dma semaphore(%arg24 : memref<!tpu.dma_semaphore, #tpu.memory_space<semaphore_mem>>) src(%dma_wait3A_172 : memref<10240x64xf32, #tpu.memory_space<vmem_shared>>) dst(%arg16 : memref<128x64xf32, #tpu.memory_space<vmem>>)
      %dma_start3A_173 = arith.constant 0 : i32
      %dma_start3A_174 = arith.constant 0 : i32
      %dma_start3A_175 = tpu.memref_slice %arg5[%dma_start3A_173, %dma_start3A_174] : memref<10240x64xf32, #tpu.memory_space<vmem_shared>> -> memref<10240x64xf32, #tpu.memory_space<vmem_shared>>
      tpu.enqueue_indirect_dma source(%arg16 : memref<128x64xf32, #tpu.memory_space<vmem>>) target(%dma_start3A_175 : memref<10240x64xf32, #tpu.memory_space<vmem_shared>>) offsets(%arg12 : memref<128xi32, #tpu.memory_space<vmem>>) semaphore(%arg28 : memref<!tpu.dma_semaphore, #tpu.memory_space<semaphore_mem>>) {add = true}
      %dma_wait3A_176 = tpu.memref_slice %arg3[%add3A_136] : memref<640000xi32, #tpu.memory_space<hbm>> -> memref<128xi32, #tpu.memory_space<hbm>>
      %dma_wait3A_177 = tpu.memref_slice %arg3[%add3A_136] : memref<640000xi32, #tpu.memory_space<hbm>> -> memref<128xi32, #tpu.memory_space<hbm>>
      tpu.wait_dma2 semaphore(%arg21 : memref<!tpu.dma_semaphore, #tpu.memory_space<semaphore_mem>>) src(%dma_wait3A_177 : memref<128xi32, #tpu.memory_space<hbm>>) dst(%arg13 : memref<128xi32, #tpu.memory_space<vmem>>)
      %dma_wait3A_178 = tpu.memref_slice %arg7[%mul3A_144] : memref<10016xi32, #tpu.memory_space<vmem>> -> memref<128xi32, #tpu.memory_space<vmem>>
      %dma_wait3A_179 = arith.constant 0 : i32
      %dma_wait3A_180 = arith.constant 0 : i32
      %dma_wait3A_181 = tpu.memref_slice %arg6[%dma_wait3A_179, %dma_wait3A_180] : memref<10240x64xf32, #tpu.memory_space<vmem_shared>> -> memref<10240x64xf32, #tpu.memory_space<vmem_shared>>
      tpu.wait_indirect_dma semaphore(%arg25 : memref<!tpu.dma_semaphore, #tpu.memory_space<semaphore_mem>>) src(%dma_wait3A_181 : memref<10240x64xf32, #tpu.memory_space<vmem_shared>>) dst(%arg17 : memref<128x64xf32, #tpu.memory_space<vmem>>)
      %dma_start3A_182 = arith.constant 0 : i32
      %dma_start3A_183 = arith.constant 0 : i32
      %dma_start3A_184 = tpu.memref_slice %arg5[%dma_start3A_182, %dma_start3A_183] : memref<10240x64xf32, #tpu.memory_space<vmem_shared>> -> memref<10240x64xf32, #tpu.memory_space<vmem_shared>>
      tpu.enqueue_indirect_dma source(%arg17 : memref<128x64xf32, #tpu.memory_space<vmem>>) target(%dma_start3A_184 : memref<10240x64xf32, #tpu.memory_space<vmem_shared>>) offsets(%arg13 : memref<128xi32, #tpu.memory_space<vmem>>) semaphore(%arg29 : memref<!tpu.dma_semaphore, #tpu.memory_space<semaphore_mem>>) {add = true}
      %dma_wait3A_185 = arith.constant 0 : i32
      %dma_wait3A_186 = arith.constant 0 : i32
      %dma_wait3A_187 = tpu.memref_slice %arg5[%dma_wait3A_185, %dma_wait3A_186] : memref<10240x64xf32, #tpu.memory_space<vmem_shared>> -> memref<10240x64xf32, #tpu.memory_space<vmem_shared>>
      tpu.wait_indirect_dma semaphore(%arg26 : memref<!tpu.dma_semaphore, #tpu.memory_space<semaphore_mem>>) src(%arg14 : memref<128x64xf32, #tpu.memory_space<vmem>>) dst(%dma_wait3A_187 : memref<10240x64xf32, #tpu.memory_space<vmem_shared>>)
      %dma_wait3A_188 = arith.constant 0 : i32
      %dma_wait3A_189 = arith.constant 0 : i32
      %dma_wait3A_190 = tpu.memref_slice %arg5[%dma_wait3A_188, %dma_wait3A_189] : memref<10240x64xf32, #tpu.memory_space<vmem_shared>> -> memref<10240x64xf32, #tpu.memory_space<vmem_shared>>
      tpu.wait_indirect_dma semaphore(%arg27 : memref<!tpu.dma_semaphore, #tpu.memory_space<semaphore_mem>>) src(%arg15 : memref<128x64xf32, #tpu.memory_space<vmem>>) dst(%dma_wait3A_190 : memref<10240x64xf32, #tpu.memory_space<vmem_shared>>)
      %dma_wait3A_191 = arith.constant 0 : i32
      %dma_wait3A_192 = arith.constant 0 : i32
      %dma_wait3A_193 = tpu.memref_slice %arg5[%dma_wait3A_191, %dma_wait3A_192] : memref<10240x64xf32, #tpu.memory_space<vmem_shared>> -> memref<10240x64xf32, #tpu.memory_space<vmem_shared>>
      tpu.wait_indirect_dma semaphore(%arg28 : memref<!tpu.dma_semaphore, #tpu.memory_space<semaphore_mem>>) src(%arg16 : memref<128x64xf32, #tpu.memory_space<vmem>>) dst(%dma_wait3A_193 : memref<10240x64xf32, #tpu.memory_space<vmem_shared>>)
      %dma_wait3A_194 = arith.constant 0 : i32
      %dma_wait3A_195 = arith.constant 0 : i32
      %dma_wait3A_196 = tpu.memref_slice %arg5[%dma_wait3A_194, %dma_wait3A_195] : memref<10240x64xf32, #tpu.memory_space<vmem_shared>> -> memref<10240x64xf32, #tpu.memory_space<vmem_shared>>
      tpu.wait_indirect_dma semaphore(%arg29 : memref<!tpu.dma_semaphore, #tpu.memory_space<semaphore_mem>>) src(%arg17 : memref<128x64xf32, #tpu.memory_space<vmem>>) dst(%dma_wait3A_196 : memref<10240x64xf32, #tpu.memory_space<vmem_shared>>)
    }
    %scan3A_8 = arith.constant 19 : i32
    %add3A_9 = arith.constant 9728 : i32
    %add3A_10 = arith.addi %mul3A_4, %add3A_9 : i32
    %add3A_11 = arith.constant 320000 : i32
    %add3A_12 = arith.addi %add3A_11, %add3A_10 : i32
    %dma_start3A = tpu.memref_slice %arg3[%add3A_12] : memref<640000xi32, #tpu.memory_space<hbm>> -> memref<128xi32, #tpu.memory_space<hbm>>
    %dma_start3A_13 = tpu.memref_slice %arg3[%add3A_12] : memref<640000xi32, #tpu.memory_space<hbm>> -> memref<128xi32, #tpu.memory_space<hbm>>
    tpu.enqueue_dma source(%dma_start3A_13 : memref<128xi32, #tpu.memory_space<hbm>>) target(%arg10 : memref<128xi32, #tpu.memory_space<vmem>>) target_semaphore(%arg18 : memref<!tpu.dma_semaphore, #tpu.memory_space<semaphore_mem>>)
    %dma_start3A_14 = arith.constant 9728 : i32
    %dma_start3A_15 = tpu.memref_slice %arg7[%dma_start3A_14] : memref<10016xi32, #tpu.memory_space<vmem>> -> memref<128xi32, #tpu.memory_space<vmem>>
    %dma_start3A_16 = arith.constant 0 : i32
    %dma_start3A_17 = arith.constant 0 : i32
    %dma_start3A_18 = tpu.memref_slice %arg6[%dma_start3A_16, %dma_start3A_17] : memref<10240x64xf32, #tpu.memory_space<vmem_shared>> -> memref<10240x64xf32, #tpu.memory_space<vmem_shared>>
    tpu.enqueue_indirect_dma source(%dma_start3A_18 : memref<10240x64xf32, #tpu.memory_space<vmem_shared>>) target(%arg14 : memref<128x64xf32, #tpu.memory_space<vmem>>) offsets(%dma_start3A_15 : memref<128xi32, #tpu.memory_space<vmem>>) semaphore(%arg22 : memref<!tpu.dma_semaphore, #tpu.memory_space<semaphore_mem>>)
    %add3A_19 = arith.constant 9856 : i32
    %add3A_20 = arith.addi %mul3A_4, %add3A_19 : i32
    %add3A_21 = arith.constant 320000 : i32
    %add3A_22 = arith.addi %add3A_21, %add3A_20 : i32
    %dma_start3A_23 = tpu.memref_slice %arg3[%add3A_22] : memref<640000xi32, #tpu.memory_space<hbm>> -> memref<128xi32, #tpu.memory_space<hbm>>
    %dma_start3A_24 = tpu.memref_slice %arg3[%add3A_22] : memref<640000xi32, #tpu.memory_space<hbm>> -> memref<128xi32, #tpu.memory_space<hbm>>
    tpu.enqueue_dma source(%dma_start3A_24 : memref<128xi32, #tpu.memory_space<hbm>>) target(%arg11 : memref<128xi32, #tpu.memory_space<vmem>>) target_semaphore(%arg19 : memref<!tpu.dma_semaphore, #tpu.memory_space<semaphore_mem>>)
    %dma_start3A_25 = arith.constant 9856 : i32
    %dma_start3A_26 = tpu.memref_slice %arg7[%dma_start3A_25] : memref<10016xi32, #tpu.memory_space<vmem>> -> memref<128xi32, #tpu.memory_space<vmem>>
    %dma_start3A_27 = arith.constant 0 : i32
    %dma_start3A_28 = arith.constant 0 : i32
    %dma_start3A_29 = tpu.memref_slice %arg6[%dma_start3A_27, %dma_start3A_28] : memref<10240x64xf32, #tpu.memory_space<vmem_shared>> -> memref<10240x64xf32, #tpu.memory_space<vmem_shared>>
    tpu.enqueue_indirect_dma source(%dma_start3A_29 : memref<10240x64xf32, #tpu.memory_space<vmem_shared>>) target(%arg15 : memref<128x64xf32, #tpu.memory_space<vmem>>) offsets(%dma_start3A_26 : memref<128xi32, #tpu.memory_space<vmem>>) semaphore(%arg23 : memref<!tpu.dma_semaphore, #tpu.memory_space<semaphore_mem>>)
    %dma_wait3A = tpu.memref_slice %arg3[%add3A_12] : memref<640000xi32, #tpu.memory_space<hbm>> -> memref<128xi32, #tpu.memory_space<hbm>>
    %dma_wait3A_30 = tpu.memref_slice %arg3[%add3A_12] : memref<640000xi32, #tpu.memory_space<hbm>> -> memref<128xi32, #tpu.memory_space<hbm>>
    tpu.wait_dma2 semaphore(%arg18 : memref<!tpu.dma_semaphore, #tpu.memory_space<semaphore_mem>>) src(%dma_wait3A_30 : memref<128xi32, #tpu.memory_space<hbm>>) dst(%arg10 : memref<128xi32, #tpu.memory_space<vmem>>)
    %dma_wait3A_31 = arith.constant 9728 : i32
    %dma_wait3A_32 = tpu.memref_slice %arg7[%dma_wait3A_31] : memref<10016xi32, #tpu.memory_space<vmem>> -> memref<128xi32, #tpu.memory_space<vmem>>
    %dma_wait3A_33 = arith.constant 0 : i32
    %dma_wait3A_34 = arith.constant 0 : i32
    %dma_wait3A_35 = tpu.memref_slice %arg6[%dma_wait3A_33, %dma_wait3A_34] : memref<10240x64xf32, #tpu.memory_space<vmem_shared>> -> memref<10240x64xf32, #tpu.memory_space<vmem_shared>>
    tpu.wait_indirect_dma semaphore(%arg22 : memref<!tpu.dma_semaphore, #tpu.memory_space<semaphore_mem>>) src(%dma_wait3A_35 : memref<10240x64xf32, #tpu.memory_space<vmem_shared>>) dst(%arg14 : memref<128x64xf32, #tpu.memory_space<vmem>>)
    %dma_start3A_36 = arith.constant 0 : i32
    %dma_start3A_37 = arith.constant 0 : i32
    %dma_start3A_38 = tpu.memref_slice %arg5[%dma_start3A_36, %dma_start3A_37] : memref<10240x64xf32, #tpu.memory_space<vmem_shared>> -> memref<10240x64xf32, #tpu.memory_space<vmem_shared>>
    tpu.enqueue_indirect_dma source(%arg14 : memref<128x64xf32, #tpu.memory_space<vmem>>) target(%dma_start3A_38 : memref<10240x64xf32, #tpu.memory_space<vmem_shared>>) offsets(%arg10 : memref<128xi32, #tpu.memory_space<vmem>>) semaphore(%arg26 : memref<!tpu.dma_semaphore, #tpu.memory_space<semaphore_mem>>) {add = true}
    %dma_wait3A_39 = tpu.memref_slice %arg3[%add3A_22] : memref<640000xi32, #tpu.memory_space<hbm>> -> memref<128xi32, #tpu.memory_space<hbm>>
    %dma_wait3A_40 = tpu.memref_slice %arg3[%add3A_22] : memref<640000xi32, #tpu.memory_space<hbm>> -> memref<128xi32, #tpu.memory_space<hbm>>
    tpu.wait_dma2 semaphore(%arg19 : memref<!tpu.dma_semaphore, #tpu.memory_space<semaphore_mem>>) src(%dma_wait3A_40 : memref<128xi32, #tpu.memory_space<hbm>>) dst(%arg11 : memref<128xi32, #tpu.memory_space<vmem>>)
    %dma_wait3A_41 = arith.constant 9856 : i32
    %dma_wait3A_42 = tpu.memref_slice %arg7[%dma_wait3A_41] : memref<10016xi32, #tpu.memory_space<vmem>> -> memref<128xi32, #tpu.memory_space<vmem>>
    %dma_wait3A_43 = arith.constant 0 : i32
    %dma_wait3A_44 = arith.constant 0 : i32
    %dma_wait3A_45 = tpu.memref_slice %arg6[%dma_wait3A_43, %dma_wait3A_44] : memref<10240x64xf32, #tpu.memory_space<vmem_shared>> -> memref<10240x64xf32, #tpu.memory_space<vmem_shared>>
    tpu.wait_indirect_dma semaphore(%arg23 : memref<!tpu.dma_semaphore, #tpu.memory_space<semaphore_mem>>) src(%dma_wait3A_45 : memref<10240x64xf32, #tpu.memory_space<vmem_shared>>) dst(%arg15 : memref<128x64xf32, #tpu.memory_space<vmem>>)
    %dma_start3A_46 = arith.constant 0 : i32
    %dma_start3A_47 = arith.constant 0 : i32
    %dma_start3A_48 = tpu.memref_slice %arg5[%dma_start3A_46, %dma_start3A_47] : memref<10240x64xf32, #tpu.memory_space<vmem_shared>> -> memref<10240x64xf32, #tpu.memory_space<vmem_shared>>
    tpu.enqueue_indirect_dma source(%arg15 : memref<128x64xf32, #tpu.memory_space<vmem>>) target(%dma_start3A_48 : memref<10240x64xf32, #tpu.memory_space<vmem_shared>>) offsets(%arg11 : memref<128xi32, #tpu.memory_space<vmem>>) semaphore(%arg27 : memref<!tpu.dma_semaphore, #tpu.memory_space<semaphore_mem>>) {add = true}
    %dma_wait3A_49 = arith.constant 0 : i32
    %dma_wait3A_50 = arith.constant 0 : i32
    %dma_wait3A_51 = tpu.memref_slice %arg5[%dma_wait3A_49, %dma_wait3A_50] : memref<10240x64xf32, #tpu.memory_space<vmem_shared>> -> memref<10240x64xf32, #tpu.memory_space<vmem_shared>>
    tpu.wait_indirect_dma semaphore(%arg26 : memref<!tpu.dma_semaphore, #tpu.memory_space<semaphore_mem>>) src(%arg14 : memref<128x64xf32, #tpu.memory_space<vmem>>) dst(%dma_wait3A_51 : memref<10240x64xf32, #tpu.memory_space<vmem_shared>>)
    %dma_wait3A_52 = arith.constant 0 : i32
    %dma_wait3A_53 = arith.constant 0 : i32
    %dma_wait3A_54 = tpu.memref_slice %arg5[%dma_wait3A_52, %dma_wait3A_53] : memref<10240x64xf32, #tpu.memory_space<vmem_shared>> -> memref<10240x64xf32, #tpu.memory_space<vmem_shared>>
    tpu.wait_indirect_dma semaphore(%arg27 : memref<!tpu.dma_semaphore, #tpu.memory_space<semaphore_mem>>) src(%arg15 : memref<128x64xf32, #tpu.memory_space<vmem>>) dst(%dma_wait3A_54 : memref<10240x64xf32, #tpu.memory_space<vmem_shared>>)
    %add3A_55 = arith.constant 320000 : i32
    %add3A_56 = arith.addi %add3A_55, %mul3A_4 : i32
    %add3A_57 = arith.constant 9984 : i32
    %add3A_58 = arith.addi %add3A_56, %add3A_57 : i32
    "tpu.region"() ({
      %run_scoped3A = tpu.sem_alloc : memref<!tpu.dma_semaphore, #tpu.memory_space<semaphore_mem>>
      %dma_start3A_60 = tpu.memref_slice %arg3[%add3A_58] : memref<640000xi32, #tpu.memory_space<hbm>> -> memref<16xi32, #tpu.memory_space<hbm>>
      %dma_start3A_61 = tpu.memref_slice %arg3[%add3A_58] : memref<640000xi32, #tpu.memory_space<hbm>> -> memref<16xi32, #tpu.memory_space<hbm>>
      tpu.enqueue_dma source(%dma_start3A_61 : memref<16xi32, #tpu.memory_space<hbm>>) target(%arg8 : memref<16xi32, #tpu.memory_space<vmem>>) target_semaphore(%run_scoped3A : memref<!tpu.dma_semaphore, #tpu.memory_space<semaphore_mem>>)
      %dma_wait3A_62 = tpu.memref_slice %arg3[%add3A_58] : memref<640000xi32, #tpu.memory_space<hbm>> -> memref<16xi32, #tpu.memory_space<hbm>>
      %dma_wait3A_63 = tpu.memref_slice %arg3[%add3A_58] : memref<640000xi32, #tpu.memory_space<hbm>> -> memref<16xi32, #tpu.memory_space<hbm>>
      tpu.wait_dma2 semaphore(%run_scoped3A : memref<!tpu.dma_semaphore, #tpu.memory_space<semaphore_mem>>) src(%dma_wait3A_63 : memref<16xi32, #tpu.memory_space<hbm>>) dst(%arg8 : memref<16xi32, #tpu.memory_space<vmem>>)
      tpu.yield
    }) : () -> ()
    "tpu.region"() ({
      %run_scoped3A = tpu.sem_alloc : memref<!tpu.dma_semaphore, #tpu.memory_space<semaphore_mem>>
      %dma_start3A_60 = arith.constant 9984 : i32
      %dma_start3A_61 = tpu.memref_slice %arg7[%dma_start3A_60] : memref<10016xi32, #tpu.memory_space<vmem>> -> memref<16xi32, #tpu.memory_space<vmem>>
      %dma_start3A_62 = arith.constant 0 : i32
      %dma_start3A_63 = arith.constant 0 : i32
      %dma_start3A_64 = tpu.memref_slice %arg6[%dma_start3A_62, %dma_start3A_63] : memref<10240x64xf32, #tpu.memory_space<vmem_shared>> -> memref<10240x64xf32, #tpu.memory_space<vmem_shared>>
      tpu.enqueue_indirect_dma source(%dma_start3A_64 : memref<10240x64xf32, #tpu.memory_space<vmem_shared>>) target(%arg9 : memref<16x64xf32, #tpu.memory_space<vmem>>) offsets(%dma_start3A_61 : memref<16xi32, #tpu.memory_space<vmem>>) semaphore(%run_scoped3A : memref<!tpu.dma_semaphore, #tpu.memory_space<semaphore_mem>>)
      %dma_wait3A_65 = arith.constant 9984 : i32
      %dma_wait3A_66 = tpu.memref_slice %arg7[%dma_wait3A_65] : memref<10016xi32, #tpu.memory_space<vmem>> -> memref<16xi32, #tpu.memory_space<vmem>>
      %dma_wait3A_67 = arith.constant 0 : i32
      %dma_wait3A_68 = arith.constant 0 : i32
      %dma_wait3A_69 = tpu.memref_slice %arg6[%dma_wait3A_67, %dma_wait3A_68] : memref<10240x64xf32, #tpu.memory_space<vmem_shared>> -> memref<10240x64xf32, #tpu.memory_space<vmem_shared>>
      tpu.wait_indirect_dma semaphore(%run_scoped3A : memref<!tpu.dma_semaphore, #tpu.memory_space<semaphore_mem>>) src(%dma_wait3A_69 : memref<10240x64xf32, #tpu.memory_space<vmem_shared>>) dst(%arg9 : memref<16x64xf32, #tpu.memory_space<vmem>>)
      tpu.yield
    }) : () -> ()
    "tpu.region"() ({
      %run_scoped3A = tpu.sem_alloc : memref<!tpu.dma_semaphore, #tpu.memory_space<semaphore_mem>>
      %dma_start3A_60 = arith.constant 0 : i32
      %dma_start3A_61 = arith.constant 0 : i32
      %dma_start3A_62 = tpu.memref_slice %arg5[%dma_start3A_60, %dma_start3A_61] : memref<10240x64xf32, #tpu.memory_space<vmem_shared>> -> memref<10240x64xf32, #tpu.memory_space<vmem_shared>>
      tpu.enqueue_indirect_dma source(%arg9 : memref<16x64xf32, #tpu.memory_space<vmem>>) target(%dma_start3A_62 : memref<10240x64xf32, #tpu.memory_space<vmem_shared>>) offsets(%arg8 : memref<16xi32, #tpu.memory_space<vmem>>) semaphore(%run_scoped3A : memref<!tpu.dma_semaphore, #tpu.memory_space<semaphore_mem>>) {add = true}
      %dma_wait3A_63 = arith.constant 0 : i32
      %dma_wait3A_64 = arith.constant 0 : i32
      %dma_wait3A_65 = tpu.memref_slice %arg5[%dma_wait3A_63, %dma_wait3A_64] : memref<10240x64xf32, #tpu.memory_space<vmem_shared>> -> memref<10240x64xf32, #tpu.memory_space<vmem_shared>>
      tpu.wait_indirect_dma semaphore(%run_scoped3A : memref<!tpu.dma_semaphore, #tpu.memory_space<semaphore_mem>>) src(%arg9 : memref<16x64xf32, #tpu.memory_space<vmem>>) dst(%dma_wait3A_65 : memref<10240x64xf32, #tpu.memory_space<vmem_shared>>)
      tpu.yield
    }) : () -> ()
    %barrier3A_59 = arith.constant 0 : index
    tpu.barrier barrier_id(%barrier3A_59)
    "tpu.region"() ({
      %run_scoped3A = tpu.sem_alloc : memref<!tpu.dma_semaphore, #tpu.memory_space<semaphore_mem>>
      %dma_start3A_60 = arith.constant 0 : i32
      %dma_start3A_61 = tpu.memref_slice %arg4[%arg0, %mul3A_2, %dma_start3A_60] : memref<2x10240x64xf32, #tpu.memory_space<hbm>> -> memref<1x640x64xf32, #tpu.memory_space<hbm>>
      %dma_start3A_62 = tpu.memref_squeeze %dma_start3A_61 : memref<1x640x64xf32, #tpu.memory_space<hbm>> -> memref<640x64xf32, #tpu.memory_space<hbm>>
      %dma_start3A_63 = arith.constant 0 : i32
      %dma_start3A_64 = tpu.memref_slice %arg5[%mul3A_2, %dma_start3A_63] : memref<10240x64xf32, #tpu.memory_space<vmem_shared>> -> memref<640x64xf32, #tpu.memory_space<vmem_shared>>
      tpu.enqueue_dma source(%dma_start3A_64 : memref<640x64xf32, #tpu.memory_space<vmem_shared>>) target(%dma_start3A_62 : memref<640x64xf32, #tpu.memory_space<hbm>>) target_semaphore(%run_scoped3A : memref<!tpu.dma_semaphore, #tpu.memory_space<semaphore_mem>>)
      %dma_wait3A_65 = arith.constant 0 : i32
      %dma_wait3A_66 = tpu.memref_slice %arg4[%arg0, %mul3A_2, %dma_wait3A_65] : memref<2x10240x64xf32, #tpu.memory_space<hbm>> -> memref<1x640x64xf32, #tpu.memory_space<hbm>>
      %dma_wait3A_67 = tpu.memref_squeeze %dma_wait3A_66 : memref<1x640x64xf32, #tpu.memory_space<hbm>> -> memref<640x64xf32, #tpu.memory_space<hbm>>
      %dma_wait3A_68 = arith.constant 0 : i32
      %dma_wait3A_69 = tpu.memref_slice %arg5[%mul3A_2, %dma_wait3A_68] : memref<10240x64xf32, #tpu.memory_space<vmem_shared>> -> memref<640x64xf32, #tpu.memory_space<vmem_shared>>
      tpu.wait_dma2 semaphore(%run_scoped3A : memref<!tpu.dma_semaphore, #tpu.memory_space<semaphore_mem>>) src(%dma_wait3A_69 : memref<640x64xf32, #tpu.memory_space<vmem_shared>>) dst(%dma_wait3A_67 : memref<640x64xf32, #tpu.memory_space<hbm>>)
      tpu.yield
    }) : () -> ()
    return
  }
}

module attributes {stable_mosaic.version = 14 : i64} {
  func.func @_tc1a_body(%arg0: i32, %arg1: memref<2048x128xf32, #tpu.memory_space<vmem>>, %arg2: memref<2048x1xi32, #tpu.memory_space<vmem>>, %arg3: memref<16x4xf32, #tpu.memory_space<vmem>>, %arg4: memref<128x64xf32, #tpu.memory_space<vmem>>, %arg5: memref<4x64xf32, #tpu.memory_space<vmem>>, %arg6: memref<2048x64xf32, #tpu.memory_space<vmem>>) attributes {dimension_semantics = [#tpu.dimension_semantics<arbitrary>], iteration_bounds = array<i64: 5>, scalar_prefetch = 0 : i64, scratch_operands = 0 : i64, tpu.core_type = #tpu.core_type<tc>, window_params = [{transform_indices = @transform_0, window_bounds = array<i64: 2048, 128>}, {transform_indices = @transform_1, window_bounds = array<i64: 2048, 1>}, {pipeline_mode = #tpu.pipeline_mode<synchronous>, transform_indices = @transform_2, window_bounds = array<i64: 16, 4>}, {pipeline_mode = #tpu.pipeline_mode<synchronous>, transform_indices = @transform_3, window_bounds = array<i64: 128, 64>}, {pipeline_mode = #tpu.pipeline_mode<synchronous>, transform_indices = @transform_4, window_bounds = array<i64: 4, 64>}, {transform_indices = @transform_5, window_bounds = array<i64: 2048, 64>}]} {
    %get3A = arith.constant 0 : index
    %get3A_0 = arith.constant 0 : index
    %get3A_1 = vector.load %arg1[%get3A, %get3A_0] : memref<2048x128xf32, #tpu.memory_space<vmem>>, vector<2048x128xf32>
    %get3A_2 = arith.constant 0 : index
    %get3A_3 = arith.constant 0 : index
    %get3A_4 = vector.load %arg2[%get3A_2, %get3A_3] : memref<2048x1xi32, #tpu.memory_space<vmem>>, vector<2048x1xi32>
    %get3A_5 = arith.constant 0 : index
    %get3A_6 = arith.constant 0 : index
    %get3A_7 = vector.load %arg3[%get3A_5, %get3A_6] : memref<16x4xf32, #tpu.memory_space<vmem>>, vector<16x4xf32>
    %get3A_8 = arith.constant 0 : index
    %get3A_9 = arith.constant 0 : index
    %get3A_10 = vector.load %arg5[%get3A_8, %get3A_9] : memref<4x64xf32, #tpu.memory_space<vmem>>, vector<4x64xf32>
    %dot_general3A = arith.constant dense<0.000000e+00> : vector<16x64xf32>
    %dot_general3A_11 = tpu.matmul %get3A_7, %get3A_10, %dot_general3A {dimension_numbers = #tpu.dot_dimension_numbers<[1], [0], [0], [1], [0, 0, 1, 1], [], []>, transpose_lhs_hint = false} : vector<16x4xf32>, vector<4x64xf32>, vector<16x64xf32> -> vector<16x64xf32>
    %iota3A = tpu.iota {dimensions = array<i32: 1>} : vector<2048x16xi32>
    %eq3A = vector.broadcast %get3A_4 : vector<2048x1xi32> to vector<2048x16xi32>
    %eq3A_12 = arith.cmpi eq, %eq3A, %iota3A : vector<2048x16xi32>
    %convert_element_type3A = arith.extui %eq3A_12 : vector<2048x16xi1> to vector<2048x16xi32>
    %convert_element_type3A_13 = arith.sitofp %convert_element_type3A : vector<2048x16xi32> to vector<2048x16xf32>
    %get3A_14 = arith.constant 0 : index
    %get3A_15 = arith.constant 0 : index
    %get3A_16 = vector.load %arg4[%get3A_14, %get3A_15] : memref<128x64xf32, #tpu.memory_space<vmem>>, vector<128x64xf32>
    %dot_general3A_17 = arith.constant dense<0.000000e+00> : vector<2048x64xf32>
    %dot_general3A_18 = tpu.matmul %get3A_1, %get3A_16, %dot_general3A_17 {dimension_numbers = #tpu.dot_dimension_numbers<[1], [0], [0], [1], [0, 0, 1, 1], [], []>, transpose_lhs_hint = false} : vector<2048x128xf32>, vector<128x64xf32>, vector<2048x64xf32> -> vector<2048x64xf32>
    %dot_general3A_19 = arith.constant dense<0.000000e+00> : vector<2048x64xf32>
    %dot_general3A_20 = tpu.matmul %convert_element_type3A_13, %dot_general3A_11, %dot_general3A_19 {dimension_numbers = #tpu.dot_dimension_numbers<[1], [0], [0], [1], [0, 0, 1, 1], [], []>, transpose_lhs_hint = false} : vector<2048x16xf32>, vector<16x64xf32>, vector<2048x64xf32> -> vector<2048x64xf32>
    %add3A = arith.addf %dot_general3A_18, %dot_general3A_20 : vector<2048x64xf32>
    %swap3A = arith.constant 0 : index
    %swap3A_21 = arith.constant 0 : index
    %swap3A_22 = vector.load %arg6[%swap3A, %swap3A_21] : memref<2048x64xf32, #tpu.memory_space<vmem>>, vector<2048x64xf32>
    tpu.vector_store %arg6[%swap3A, %swap3A_21], %add3A {strides = array<i32>} : memref<2048x64xf32, #tpu.memory_space<vmem>>, vector<2048x64xf32>,
    return
  }
  func.func @transform_0(%arg0: i32) -> (i32, i32) {
    %c0_i32 = arith.constant 0 : i32
    %c0_i32_0 = arith.constant 0 : i32
    return %arg0, %c0_i32 : i32, i32
  }
  func.func @transform_1(%arg0: i32) -> (i32, i32) {
    %c0_i32 = arith.constant 0 : i32
    %c0_i32_0 = arith.constant 0 : i32
    return %arg0, %c0_i32 : i32, i32
  }
  func.func @transform_2(%arg0: i32) -> (i32, i32) {
    %c0_i32 = arith.constant 0 : i32
    %c0_i32_0 = arith.constant 0 : i32
    %c0_i32_1 = arith.constant 0 : i32
    return %c0_i32, %c0_i32_0 : i32, i32
  }
  func.func @transform_3(%arg0: i32) -> (i32, i32) {
    %c0_i32 = arith.constant 0 : i32
    %c0_i32_0 = arith.constant 0 : i32
    %c0_i32_1 = arith.constant 0 : i32
    return %c0_i32, %c0_i32_0 : i32, i32
  }
  func.func @transform_4(%arg0: i32) -> (i32, i32) {
    %c0_i32 = arith.constant 0 : i32
    %c0_i32_0 = arith.constant 0 : i32
    %c0_i32_1 = arith.constant 0 : i32
    return %c0_i32, %c0_i32_0 : i32, i32
  }
  func.func @transform_5(%arg0: i32) -> (i32, i32) {
    %c0_i32 = arith.constant 0 : i32
    %c0_i32_0 = arith.constant 0 : i32
    return %arg0, %c0_i32 : i32, i32
  }
}

module attributes {stable_mosaic.version = 14 : i64} {
  func.func @_tc1b_body(%arg0: i32, %arg1: memref<2048x64xf32, #tpu.memory_space<vmem>>, %arg2: memref<2x2048x1xf32, #tpu.memory_space<vmem>>, %arg3: memref<2048x64xf32, #tpu.memory_space<vmem>>, %arg4: memref<2048x1xf32, #tpu.memory_space<vmem>>) attributes {dimension_semantics = [#tpu.dimension_semantics<arbitrary>], iteration_bounds = array<i64: 5>, scalar_prefetch = 0 : i64, scratch_operands = 0 : i64, tpu.core_type = #tpu.core_type<tc>, window_params = [{transform_indices = @transform_0, window_bounds = array<i64: 2048, 64>}, {transform_indices = @transform_1, window_bounds = array<i64: 2, 2048, 1>}, {transform_indices = @transform_2, window_bounds = array<i64: 2048, 64>}, {transform_indices = @transform_3, window_bounds = array<i64: 2048, 1>}]} {
    %get3A = arith.constant 0 : index
    %get3A_0 = arith.constant 0 : index
    %get3A_1 = arith.constant 0 : index
    %get3A_2 = vector.load %arg2[%get3A, %get3A_0, %get3A_1] : memref<2x2048x1xf32, #tpu.memory_space<vmem>>, vector<1x2048x1xf32>
    %get3A_3 = vector.shape_cast %get3A_2 : vector<1x2048x1xf32> to vector<2048x1xf32>
    %get3A_4 = arith.constant 1 : index
    %get3A_5 = arith.constant 0 : index
    %get3A_6 = arith.constant 0 : index
    %get3A_7 = vector.load %arg2[%get3A_4, %get3A_5, %get3A_6] : memref<2x2048x1xf32, #tpu.memory_space<vmem>>, vector<1x2048x1xf32>
    %get3A_8 = vector.shape_cast %get3A_7 : vector<1x2048x1xf32> to vector<2048x1xf32>
    %add3A = arith.addf %get3A_3, %get3A_8 : vector<2048x1xf32>
    %sub3A = arith.constant 1.000000e+00 : f32
    %sub3A_9 = vector.broadcast %sub3A : f32 to vector<2048x1xf32>
    %sub3A_10 = arith.subf %add3A, %sub3A_9 : vector<2048x1xf32>
    %rsqrt3A = math.rsqrt %sub3A_10 : vector<2048x1xf32>
    %get3A_11 = arith.constant 0 : index
    %get3A_12 = arith.constant 0 : index
    %get3A_13 = vector.load %arg1[%get3A_11, %get3A_12] : memref<2048x64xf32, #tpu.memory_space<vmem>>, vector<2048x64xf32>
    %mul3A = vector.broadcast %rsqrt3A : vector<2048x1xf32> to vector<2048x64xf32>
    %mul3A_14 = arith.mulf %get3A_13, %mul3A : vector<2048x64xf32>
    %swap3A = arith.constant 0 : index
    %swap3A_15 = arith.constant 0 : index
    %swap3A_16 = vector.load %arg3[%swap3A, %swap3A_15] : memref<2048x64xf32, #tpu.memory_space<vmem>>, vector<2048x64xf32>
    tpu.vector_store %arg3[%swap3A, %swap3A_15], %mul3A_14 {strides = array<i32>} : memref<2048x64xf32, #tpu.memory_space<vmem>>, vector<2048x64xf32>,
    %swap3A_17 = arith.constant 0 : index
    %swap3A_18 = arith.constant 0 : index
    %swap3A_19 = vector.load %arg4[%swap3A_17, %swap3A_18] : memref<2048x1xf32, #tpu.memory_space<vmem>>, vector<2048x1xf32>
    tpu.vector_store %arg4[%swap3A_17, %swap3A_18], %rsqrt3A {strides = array<i32>} : memref<2048x1xf32, #tpu.memory_space<vmem>>, vector<2048x1xf32>,
    return
  }
  func.func @transform_0(%arg0: i32) -> (i32, i32) {
    %c0_i32 = arith.constant 0 : i32
    %c0_i32_0 = arith.constant 0 : i32
    return %arg0, %c0_i32 : i32, i32
  }
  func.func @transform_1(%arg0: i32) -> (i32, i32, i32) {
    %c0_i32 = arith.constant 0 : i32
    %c0_i32_0 = arith.constant 0 : i32
    %c0_i32_1 = arith.constant 0 : i32
    return %c0_i32, %arg0, %c0_i32_0 : i32, i32, i32
  }
  func.func @transform_2(%arg0: i32) -> (i32, i32) {
    %c0_i32 = arith.constant 0 : i32
    %c0_i32_0 = arith.constant 0 : i32
    return %arg0, %c0_i32 : i32, i32
  }
  func.func @transform_3(%arg0: i32) -> (i32, i32) {
    %c0_i32 = arith.constant 0 : i32
    %c0_i32_0 = arith.constant 0 : i32
    return %arg0, %c0_i32 : i32, i32
  }
}

module attributes {stable_mosaic.version = 14 : i64} {
  func.func @_tc2_body(%arg0: i32, %arg1: memref<2x2048x64xf32, #tpu.memory_space<vmem>>, %arg2: memref<2048x64xf32, #tpu.memory_space<vmem>>, %arg3: memref<2048x1xf32, #tpu.memory_space<vmem>>, %arg4: memref<1x64xf32, #tpu.memory_space<vmem>>, %arg5: memref<64x32xf32, #tpu.memory_space<vmem>>, %arg6: memref<2048x32xf32, #tpu.memory_space<vmem>>) attributes {dimension_semantics = [#tpu.dimension_semantics<arbitrary>], iteration_bounds = array<i64: 5>, scalar_prefetch = 0 : i64, scratch_operands = 0 : i64, tpu.core_type = #tpu.core_type<tc>, window_params = [{transform_indices = @transform_0, window_bounds = array<i64: 2, 2048, 64>}, {transform_indices = @transform_1, window_bounds = array<i64: 2048, 64>}, {transform_indices = @transform_2, window_bounds = array<i64: 2048, 1>}, {pipeline_mode = #tpu.pipeline_mode<synchronous>, transform_indices = @transform_3, window_bounds = array<i64: 1, 64>}, {pipeline_mode = #tpu.pipeline_mode<synchronous>, transform_indices = @transform_4, window_bounds = array<i64: 64, 32>}, {transform_indices = @transform_5, window_bounds = array<i64: 2048, 32>}]} {
    %get3A = arith.constant 0 : index
    %get3A_0 = arith.constant 0 : index
    %get3A_1 = arith.constant 0 : index
    %get3A_2 = vector.load %arg1[%get3A, %get3A_0, %get3A_1] : memref<2x2048x64xf32, #tpu.memory_space<vmem>>, vector<1x2048x64xf32>
    %get3A_3 = vector.shape_cast %get3A_2 : vector<1x2048x64xf32> to vector<2048x64xf32>
    %get3A_4 = arith.constant 1 : index
    %get3A_5 = arith.constant 0 : index
    %get3A_6 = arith.constant 0 : index
    %get3A_7 = vector.load %arg1[%get3A_4, %get3A_5, %get3A_6] : memref<2x2048x64xf32, #tpu.memory_space<vmem>>, vector<1x2048x64xf32>
    %get3A_8 = vector.shape_cast %get3A_7 : vector<1x2048x64xf32> to vector<2048x64xf32>
    %add3A = arith.addf %get3A_3, %get3A_8 : vector<2048x64xf32>
    %get3A_9 = arith.constant 0 : index
    %get3A_10 = arith.constant 0 : index
    %get3A_11 = vector.load %arg2[%get3A_9, %get3A_10] : memref<2048x64xf32, #tpu.memory_space<vmem>>, vector<2048x64xf32>
    %sub3A = arith.subf %add3A, %get3A_11 : vector<2048x64xf32>
    %get3A_12 = arith.constant 0 : index
    %get3A_13 = arith.constant 0 : index
    %get3A_14 = vector.load %arg3[%get3A_12, %get3A_13] : memref<2048x1xf32, #tpu.memory_space<vmem>>, vector<2048x1xf32>
    %mul3A = vector.broadcast %get3A_14 : vector<2048x1xf32> to vector<2048x64xf32>
    %mul3A_15 = arith.mulf %sub3A, %mul3A : vector<2048x64xf32>
    %get3A_16 = arith.constant 0 : index
    %get3A_17 = arith.constant 0 : index
    %get3A_18 = vector.load %arg4[%get3A_16, %get3A_17] : memref<1x64xf32, #tpu.memory_space<vmem>>, vector<1x64xf32>
    %add3A_19 = vector.broadcast %get3A_18 : vector<1x64xf32> to vector<2048x64xf32>
    %add3A_20 = arith.addf %mul3A_15, %add3A_19 : vector<2048x64xf32>
    %max3A = arith.constant 0.000000e+00 : f32
    %max3A_21 = vector.broadcast %max3A : f32 to vector<2048x64xf32>
    %max3A_22 = arith.maximumf %add3A_20, %max3A_21 : vector<2048x64xf32>
    %get3A_23 = arith.constant 0 : index
    %get3A_24 = arith.constant 0 : index
    %get3A_25 = vector.load %arg5[%get3A_23, %get3A_24] : memref<64x32xf32, #tpu.memory_space<vmem>>, vector<64x32xf32>
    %dot_general3A = arith.constant dense<0.000000e+00> : vector<2048x32xf32>
    %dot_general3A_26 = tpu.matmul %max3A_22, %get3A_25, %dot_general3A {dimension_numbers = #tpu.dot_dimension_numbers<[1], [0], [0], [1], [0, 0, 1, 1], [], []>, transpose_lhs_hint = false} : vector<2048x64xf32>, vector<64x32xf32>, vector<2048x32xf32> -> vector<2048x32xf32>
    %mul3A_27 = vector.broadcast %get3A_14 : vector<2048x1xf32> to vector<2048x32xf32>
    %mul3A_28 = arith.mulf %dot_general3A_26, %mul3A_27 : vector<2048x32xf32>
    %swap3A = arith.constant 0 : index
    %swap3A_29 = arith.constant 0 : index
    %swap3A_30 = vector.load %arg6[%swap3A, %swap3A_29] : memref<2048x32xf32, #tpu.memory_space<vmem>>, vector<2048x32xf32>
    tpu.vector_store %arg6[%swap3A, %swap3A_29], %mul3A_28 {strides = array<i32>} : memref<2048x32xf32, #tpu.memory_space<vmem>>, vector<2048x32xf32>,
    return
  }
  func.func @transform_0(%arg0: i32) -> (i32, i32, i32) {
    %c0_i32 = arith.constant 0 : i32
    %c0_i32_0 = arith.constant 0 : i32
    %c0_i32_1 = arith.constant 0 : i32
    return %c0_i32, %arg0, %c0_i32_0 : i32, i32, i32
  }
  func.func @transform_1(%arg0: i32) -> (i32, i32) {
    %c0_i32 = arith.constant 0 : i32
    %c0_i32_0 = arith.constant 0 : i32
    return %arg0, %c0_i32 : i32, i32
  }
  func.func @transform_2(%arg0: i32) -> (i32, i32) {
    %c0_i32 = arith.constant 0 : i32
    %c0_i32_0 = arith.constant 0 : i32
    return %arg0, %c0_i32 : i32, i32
  }
  func.func @transform_3(%arg0: i32) -> (i32, i32) {
    %c0_i32 = arith.constant 0 : i32
    %c0_i32_0 = arith.constant 0 : i32
    %c0_i32_1 = arith.constant 0 : i32
    return %c0_i32, %c0_i32_0 : i32, i32
  }
  func.func @transform_4(%arg0: i32) -> (i32, i32) {
    %c0_i32 = arith.constant 0 : i32
    %c0_i32_0 = arith.constant 0 : i32
    %c0_i32_1 = arith.constant 0 : i32
    return %c0_i32, %c0_i32_0 : i32, i32
  }
  func.func @transform_5(%arg0: i32) -> (i32, i32) {
    %c0_i32 = arith.constant 0 : i32
    %c0_i32_0 = arith.constant 0 : i32
    return %arg0, %c0_i32 : i32, i32
  }
}

module attributes {stable_mosaic.version = 14 : i64} {
  func.func @_tc3_body(%arg0: i32, %arg1: memref<2x2000x32xf32, #tpu.memory_space<vmem>>, %arg2: memref<2000x32xf32, #tpu.memory_space<vmem>>, %arg3: memref<2000x1xf32, #tpu.memory_space<vmem>>, %arg4: memref<1x32xf32, #tpu.memory_space<vmem>>, %arg5: memref<2000x32xf32, #tpu.memory_space<vmem>>) attributes {dimension_semantics = [#tpu.dimension_semantics<arbitrary>], iteration_bounds = array<i64: 5>, scalar_prefetch = 0 : i64, scratch_operands = 0 : i64, tpu.core_type = #tpu.core_type<tc>, window_params = [{transform_indices = @transform_0, window_bounds = array<i64: 2, 2000, 32>}, {transform_indices = @transform_1, window_bounds = array<i64: 2000, 32>}, {transform_indices = @transform_2, window_bounds = array<i64: 2000, 1>}, {pipeline_mode = #tpu.pipeline_mode<synchronous>, transform_indices = @transform_3, window_bounds = array<i64: 1, 32>}, {transform_indices = @transform_4, window_bounds = array<i64: 2000, 32>}]} {
    %get3A = arith.constant 0 : index
    %get3A_0 = arith.constant 0 : index
    %get3A_1 = arith.constant 0 : index
    %get3A_2 = vector.load %arg1[%get3A, %get3A_0, %get3A_1] : memref<2x2000x32xf32, #tpu.memory_space<vmem>>, vector<1x2000x32xf32>
    %get3A_3 = vector.shape_cast %get3A_2 : vector<1x2000x32xf32> to vector<2000x32xf32>
    %get3A_4 = arith.constant 1 : index
    %get3A_5 = arith.constant 0 : index
    %get3A_6 = arith.constant 0 : index
    %get3A_7 = vector.load %arg1[%get3A_4, %get3A_5, %get3A_6] : memref<2x2000x32xf32, #tpu.memory_space<vmem>>, vector<1x2000x32xf32>
    %get3A_8 = vector.shape_cast %get3A_7 : vector<1x2000x32xf32> to vector<2000x32xf32>
    %add3A = arith.addf %get3A_3, %get3A_8 : vector<2000x32xf32>
    %get3A_9 = arith.constant 0 : index
    %get3A_10 = arith.constant 0 : index
    %get3A_11 = vector.load %arg2[%get3A_9, %get3A_10] : memref<2000x32xf32, #tpu.memory_space<vmem>>, vector<2000x32xf32>
    %sub3A = arith.subf %add3A, %get3A_11 : vector<2000x32xf32>
    %get3A_12 = arith.constant 0 : index
    %get3A_13 = arith.constant 0 : index
    %get3A_14 = vector.load %arg3[%get3A_12, %get3A_13] : memref<2000x1xf32, #tpu.memory_space<vmem>>, vector<2000x1xf32>
    %mul3A = vector.broadcast %get3A_14 : vector<2000x1xf32> to vector<2000x32xf32>
    %mul3A_15 = arith.mulf %sub3A, %mul3A : vector<2000x32xf32>
    %get3A_16 = arith.constant 0 : index
    %get3A_17 = arith.constant 0 : index
    %get3A_18 = vector.load %arg4[%get3A_16, %get3A_17] : memref<1x32xf32, #tpu.memory_space<vmem>>, vector<1x32xf32>
    %add3A_19 = vector.broadcast %get3A_18 : vector<1x32xf32> to vector<2000x32xf32>
    %add3A_20 = arith.addf %mul3A_15, %add3A_19 : vector<2000x32xf32>
    %swap3A = arith.constant 0 : index
    %swap3A_21 = arith.constant 0 : index
    %swap3A_22 = vector.load %arg5[%swap3A, %swap3A_21] : memref<2000x32xf32, #tpu.memory_space<vmem>>, vector<2000x32xf32>
    tpu.vector_store %arg5[%swap3A, %swap3A_21], %add3A_20 {strides = array<i32>} : memref<2000x32xf32, #tpu.memory_space<vmem>>, vector<2000x32xf32>,
    return
  }
  func.func @transform_0(%arg0: i32) -> (i32, i32, i32) {
    %c0_i32 = arith.constant 0 : i32
    %c0_i32_0 = arith.constant 0 : i32
    %c0_i32_1 = arith.constant 0 : i32
    return %c0_i32, %arg0, %c0_i32_0 : i32, i32, i32
  }
  func.func @transform_1(%arg0: i32) -> (i32, i32) {
    %c0_i32 = arith.constant 0 : i32
    %c0_i32_0 = arith.constant 0 : i32
    return %arg0, %c0_i32 : i32, i32
  }
  func.func @transform_2(%arg0: i32) -> (i32, i32) {
    %c0_i32 = arith.constant 0 : i32
    %c0_i32_0 = arith.constant 0 : i32
    return %arg0, %c0_i32 : i32, i32
  }
  func.func @transform_3(%arg0: i32) -> (i32, i32) {
    %c0_i32 = arith.constant 0 : i32
    %c0_i32_0 = arith.constant 0 : i32
    %c0_i32_1 = arith.constant 0 : i32
    return %c0_i32, %c0_i32_0 : i32, i32
  }
  func.func @transform_4(%arg0: i32) -> (i32, i32) {
    %c0_i32 = arith.constant 0 : i32
    %c0_i32_0 = arith.constant 0 : i32
    return %arg0, %c0_i32 : i32, i32
  }
}

</mosaic_0001>

<sc_bundles>
// kernel: _impl.12.cloned.1.call-start
scs
__scs_entry_jumppad:
0x0: {  	(pc) =	sbr.rel $0x88, $3  }
0x1: {  	(tag) =	ssettag $0x0;
	lr =	simm.s32 $0x1  }
0x2: {  	[smem:$0x3F99] =	sst lr;
	_ =	strace $0xD0000000  }
0x3: {  	_ = 	snop  }
0x4: {  	_ = 	snop  }
0x5: {  	_ = 	snop  }
0x6: {  	_ = 	snop  }
0x7: {  	_ = 	snop  }
__scs_overlays_trampoline_lowered:
0x8: {  	[smem:$0x3FA8] =	sst s0  }
0x9: {  	[smem:$0x3FA9] =	sst s1  }
0xa: {  	[smem:$0x3FAA] =	sst s2  }
0xb: {  	[smem:$0x3FAB] =	sst s3  }
0xc: {  	[smem:$0x3FAC] =	sst s4  }
0xd: {  	[smem:$0x3FAD] =	sst s5  }
0xe: {  	[smem:$0x3FAE] =	sst s6  }
0xf: {  	[smem:$0x3FAF] =	sst s7  }
0x10: {  	[smem:$0x3FB0] =	sst s8  }
0x11: {  	[smem:$0x3FB1] =	sst s9;
	s0 =	simm.s32 @!p0 $0x0  }
0x12: {  	s1 =	sld [smem:$0x3F97];
	s0 =	simm.s32 @p0 $0x1  }
0x13: {  	[smem:$0x3FB2] =	sst s0;
	s0 =	simm.s32 @!p1 $0x0  }
0x14: {  	s2 =	sld [smem:$0x3F96];
	s0 =	simm.s32 @p1 $0x1  }
0x15: {  	[smem:$0x3FB3] =	sst s0;
	s0 =	simm.s32 @!p2 $0x0  }
0x16: {  	s3 =	sld [smem:$0x3FDB];
	s0 =	simm.s32 @p2 $0x1  }
0x17: {  	s4 =	simm.s32 $0x1BF5;
	[smem:$0x3FB5] =	sst s0  }
0x18: {  	s0 =	sld [smem:$0x3F98];
	_ =	swait.ge [sflag:s4], $0x0  }
0x19: {  	s7 =	sld [smem:$0x3F99]  }
0x1a: {  	s8 =	sadd.s32 $0xFFFFE003, lr  }
0x1b: {  	s9 =	sadd.s32 $0xFFFFFEF7, lr;
	s5 =	simm.s32 $0xFFFFFFFF;
	p2 =	slt.u32 s8, $0xFFFFF086  }
0x1c: {  	p1 =	slt.u32 s9, $0xF7A;
	s5 =	simm.s32 @!p2 $0x0  }
0x1d: {  	s5 =	simm.s32 @p1 $0x1;
	p0 =	seq.s32 s7, s2  }
0x1e: {  	s7 =	smul.u32 @!p0 $0xF7A, s2;
	p2 =	seq.s32 @!p0 s5, $0x0  }
0x1f: {  	s9 =	smul.u32 $0xF7A, s1;
	s8 =	simm.s32 @!p0 $0x1BF5;
	p2 =	por !p2, p0  }
0x20: {  	[sflag:s8] =	ssyncset.s32 @!p0 $0xFFFFF086;
	s6 =	sadd.s32 @!p0 s3, s7;
	s7 =	simm.s32 @!p0 $0x108  }
0x21: {  	s3 =	sadd.s32 s3, s9;
	s6 =	sadd.s32 @!p0 $0x88, s6;
	s7 =	simm.s32 @p2 $0x1082  }
0x22: {  	[simem:s7], [sflag:s8] =	dma.local @!p0 [hbm:s6], $0xF7A  }
0x23: {  	s9 =	sor.u32 $0xD0000000, s2;
	s6 =	simm.s32 $0x108;
	_ =	swait.ge @!p0 [sflag:s8], $0x0  }
0x24: {  	s3 =	sadd.s32 $0x88, s3;
	s6 =	simm.s32 @!p1 $0x1082;
	[sflag:s4] =	ssyncset.s32 $0xFFFFF086  }
0x25: {  	[simem:s6], [sflag:s4] =	dma.local [hbm:s3], $0xF7A  }
0x26: {  	[smem:$0x3F99] =	sst s1;
	(tag) =	ssettag s2;
	_ =	strace s9  }
0x27: {  	s1 =	sld [smem:$0x3FA9]  }
0x28: {  	s2 =	sld [smem:$0x3FAA]  }
0x29: {  	s4 =	sld [smem:$0x3FAC]  }
0x2a: {  	p0 =	seq.s32 s5, $0x0;
	s5 =	sld [smem:$0x3FAD]  }
0x2b: {  	s6 =	sld [smem:$0x3FAE]  }
0x2c: {  	s7 =	sld [smem:$0x3FAF]  }
0x2d: {  	s3 =	simm.s32 $0x108;
	s8 =	sld [smem:$0x3FB0]  }
0x2e: {  	s3 =	simm.s32 @!p0 $0x1082;
	s9 =	sld [smem:$0x3FB1]  }
0x2f: {  	lr =	sadd.s32 s0, s3;
	s0 =	sld [smem:$0x3FA8]  }
0x30: {  	s3 =	sld [smem:$0x3FAB]  }
0x31: {  	[smem:$0x3FB4] =	sst s10  }
0x32: {  	s10 =	sld [smem:$0x3FB2];
	_ =	sdelay $0x3  }
0x33: {  	p0 =	seq.s32 s10, $0x1;
	s10 =	sld [smem:$0x3FB4];
	_ =	sdelay $0x3  }
0x34: {  	[smem:$0x3FB4] =	sst s10  }
0x35: {  	s10 =	sld [smem:$0x3FB3];
	_ =	sdelay $0x3  }
0x36: {  	p1 =	seq.s32 s10, $0x1;
	s10 =	sld [smem:$0x3FB4];
	_ =	sdelay $0x3  }
0x37: {  	[smem:$0x3FB4] =	sst s10  }
0x38: {  	s10 =	sld [smem:$0x3FB5]  }
0x39: {  	_ = 	snop;
	(pc) =	sbr.ind lr, $3  }
0x3a: {  	_ = 	snop  }
0x3b: {  	_ = 	snop  }
0x3c: {  	p2 =	seq.s32 s10, $0x1;
	s10 =	sld [smem:$0x3FB4]  }
0x3d: {  	_ =	shalt  }
0x3e: {  	_ =	shalt  }
0x3f: {  	_ =	shalt  }
0x40: {  	_ =	shalt  }
0x41: {  	_ =	shalt  }
0x42: {  	_ =	shalt  }
0x43: {  	_ =	shalt  }
0x44: {  	_ =	shalt  }
0x45: {  	_ =	shalt  }
0x46: {  	_ =	shalt  }
0x47: {  	_ =	shalt  }
0x48: {  	_ =	shalt  }
0x49: {  	_ =	shalt  }
0x4a: {  	_ =	shalt  }
0x4b: {  	_ =	shalt  }
0x4c: {  	_ =	shalt  }
0x4d: {  	_ =	shalt  }
0x4e: {  	_ =	shalt  }
0x4f: {  	_ =	shalt  }
0x50: {  	_ =	shalt  }
0x51: {  	_ =	shalt  }
0x52: {  	_ =	shalt  }
0x53: {  	_ =	shalt  }
0x54: {  	_ =	shalt  }
0x55: {  	_ =	shalt  }
0x56: {  	_ =	shalt  }
0x57: {  	_ =	shalt  }
0x58: {  	_ =	shalt  }
0x59: {  	_ =	shalt  }
0x5a: {  	_ =	shalt  }
0x5b: {  	_ =	shalt  }
0x5c: {  	_ =	shalt  }
0x5d: {  	_ =	shalt  }
0x5e: {  	_ =	shalt  }
0x5f: {  	_ =	shalt  }
0x60: {  	_ =	shalt  }
0x61: {  	_ =	shalt  }
0x62: {  	_ =	shalt  }
0x63: {  	_ =	shalt  }
0x64: {  	_ =	shalt  }
0x65: {  	_ =	shalt  }
0x66: {  	_ =	shalt  }
0x67: {  	_ =	shalt  }
0x68: {  	_ =	shalt  }
0x69: {  	_ =	shalt  }
0x6a: {  	_ =	shalt  }
0x6b: {  	_ =	shalt  }
0x6c: {  	_ =	shalt  }
0x6d: {  	_ =	shalt  }
0x6e: {  	_ =	shalt  }
0x6f: {  	_ =	shalt  }
0x70: {  	_ =	shalt  }
0x71: {  	_ =	shalt  }
0x72: {  	_ =	shalt  }
0x73: {  	_ =	shalt  }
0x74: {  	_ =	shalt  }
0x75: {  	_ =	shalt  }
0x76: {  	_ =	shalt  }
0x77: {  	_ =	shalt  }
0x78: {  	_ =	shalt  }
0x79: {  	_ =	shalt  }
0x7a: {  	_ =	shalt  }
0x7b: {  	_ =	shalt  }
0x7c: {  	_ =	shalt  }
0x7d: {  	_ =	shalt  }
0x7e: {  	_ =	shalt  }
0x7f: {  	_ =	shalt  }
0x80: {  	_ =	shalt  }
0x81: {  	_ =	shalt  }
0x82: {  	_ =	shalt  }
0x83: {  	_ =	shalt  }
0x84: {  	_ =	shalt  }
0x85: {  	_ =	shalt  }
0x86: {  	_ =	shalt  }
0x87: {  	_ =	shalt  }
.Lfunc_end0:
.L_simem_size_0:
called_computation.1_lowered:
.L_overlay_start_0:
0x88: {  	s2 =	sld [smem:$0x3FD9]  }
0x89: {  	s3 =	sld [smem:$0x3FFE];
	_ =	sdelay $0x1  }
0x8a: {  	s1 =	srdreg.scid  }
0x8b: {  	s0 =	sand.u32 $0x1, s1  }
0x8c: {  	s16 =	sshll.u32 s0, $0xA;
	s2 =	sadd.s32 s3, s2  }
0x8d: {  	s2 =	sadd.s32 s2, s16  }
0x8e: {  	[smem:$0x3FC0] =	sst s2  }
0x8f: {  	_ = 	snop  }
0x90: {  	(tm) =	ssettm $0x1  }
0x91: {  	s17 =	sld [smem:$0x3FFB];
	_ =	sdelay $0x3  }
0x92: {  	_ =	strace s17  }
0x93: {  	s2 =	sld [smem:$0x3FFC];
	_ =	sdelay $0x3  }
0x94: {  	_ =	strace s2  }
0x95: {  	s2 =	sld [smem:$0x3FFD];
	_ =	sdelay $0x3  }
0x96: {  	_ =	strace s2  }
0x97: {  	_ =	strace $0x8FFFFFFF  }
0x98: {  	s18 =	sld [smem:$0x3FDB];
	_ =	sdelay $0x1  }
0x99: {  	s19 =	simm.s32 $_scs_section_size  }
0x9a: {  	s4 =	simm.s32 $_size__tile_overlayer_lowered;
	s5 =	simm.s32 $_tile_overlayer_lowered  }
0x9b: {  	s22 =	simm.s32 $0x1BFF;
	s21 =	sshll.u32 s5, $0x1;
	s2 =	sadd.s32 s19, s18  }
0x9c: {  	s6 =	simm.s32 $0x0;
	s20 =	sshll.u32 s4, $0x1;
	s4 =	sadd.s32 s21, s2  }
0x9d: {  	[timem:s6], [sflag:s22] =	dma.local [hbm:s4], s20  }
0x9e: {  	_ =	swait.ge [sflag:s22], s20  }
0x9f: {  	s3 =	ssub.s32 $0x0, s20;
	[sflag:s22] =	ssyncset.done $0x0  }
0xa0: {  	[sflag:s22] =	ssyncadd.s32 s3;
	_ =	sdelay $0x1  }
0xa1: {  	s23 =	simm.s32 $0x1B8B  }
0xa2: {  	_ =	swait.ge [sflag:s23], $0x1  }
0xa3: {  	[sflag:s23] =	ssyncset.done $0x0  }
0xa4: {  	s25 =	simm.s32 $0x1B8E;
	s24 =	sld [smem:$0x3FFE];
	[sflag:s23] =	ssyncadd.s32 $0xFFFFFFFF  }
0xa5: {  	s26 =	simm.s32 $execute0_lowered;
	[smem:$0x3FD2] =	sst s25  }
0xa6: {  	s4 =	sshll.u32 s26, $0x1;
	_ =	strace $0x80000049;
	[dreg:$0x1] =	wrdreg $0xFFFFFFFF  }
0xa7: {  	s28 =	simm.s32 $_size_execute0_lowered;
	s2 =	sadd.s32 s2, s4;
	[dreg:$0x0] =	wrdreg $0x0  }
0xa8: {  	s4 =	sshll.u32 s28, $0x1;
	[dreg:$0x2] =	wrdreg s2  }
0xa9: {  	[dreg:$0x3] =	wrdreg s4  }
0xaa: {  	[dreg:$0x4] =	wrdreg $0xC0  }
0xab: {  	_ =	task [dreg:s6], $0x5FFFF  }
0xac: {  	[dreg:$0x1] =	wrdreg $0xFFFFFFFF  }
0xad: {  	[dreg:$0x0] =	wrdreg $0x60  }
0xae: {  	[dreg:$0x2] =	wrdreg s24  }
0xaf: {  	[dreg:$0x3] =	wrdreg $0xA0000  }
0xb0: {  	[dreg:$0x4] =	wrdreg $0x0  }
0xb1: {  	[dreg:$0x5] =	wrdreg $0x9  }
0xb2: {  	_ =	task.clear_ibuf [dreg:s6], $0x6FFFF;
	_ =	strace $0x90000049  }
0xb3: {  	s29 =	simm.s32 $0x9;
	_ =	strace $0x8000004B  }
0xb4: {  	_ =	swait.ge [sflag:s29], $0x1  }
0xb5: {  	[sflag:s29] =	ssyncadd.s32 $0xFFFFFFFF  }
0xb6: {  	_ =	strace $0x9000004B  }
0xb7: {  	_ =	sfence  }
0xb8: {  	s30 =	sld [smem:$0x0];
	_ =	sdelay $0x2  }
0xb9: {  	s31 =	sshll.u32 s1, $0xD;
	s1 =	sshrl.u32 s1, $0x2  }
0xba: {  	s3 =	sand.u32 $0x4000, s31;
	s1 =	sadd.s32 s1, s30  }
0xbb: {  	s0 =	sor.u32 s3, s0;
	s1 =	sshll.u32 s1, $0x11  }
0xbc: {  	s0 =	sor.u32 s1, s0  }
0xbd: {  	s0 =	sadd.s32 $0x8F2B, s0  }
0xbe: {  	[sflag:s0] =	ssyncadd.remote.s32 $0x1  }
0xbf: {  	_ =	sfence.sel $0xFFFF  }
0xc0: {  	[dreg:$0x0] =	wrdreg $0xFFFFFFFF;
	(pc) =	sbr.abs _section_cstart, $3  }
0xc1: {  	[dreg:$0x1] =	wrdreg $0xFFFFFFFF  }
0xc2: {  	_ =	task.clear_ibuf [dreg:s6], $0x2FFFF;
	_ =	strace $0x9FFFFFFF  }
0xc3: {  	(tm) =	ssettm $0x7FFFFFFF  }
tec
execute0_lowered:
.L_overlay_start_1:
0x0: {  	(tag) =	ssettag $0x1  }
0x1: {  	s0 =	rddreg [dreg:$0x0]  }
0x2: {  	s2 =	rddreg [dreg:$0x1]  }
0x3: {  	s3 =	rddreg [dreg:$0x2];
	s4 =	simm.s32 $0x0;
	s13 =	stileid.u32  }
0x4: {  	s1 =	srdreg.scid;
	s28 =	simm.s32 $0x5;
	s29 =	simm.s32 $0x2  }
0x5: {  	s30 =	simm.s32 $0x6;
	s31 =	simm.s32 $0x3;
	[smem:$0x7FF] =	sst s4  }
0x6: {  	s5 =	smul.u32 $0xA000, s13;
	s1 =	sand.u32 $0x1, s1;
	s9 =	sadd.s32 $0x2800, s0  }
0x7: {  	s12 =	smul.u32 $0x2710, s13;
	s25 =	sshll.u32 s13, $0x6;
	_ =	strace $0x8000004A  }
0x8: {  	s6 =	sshll.u32 s1, $0x4;
	s8 =	smul.u32 $0xA0000, s1;
	s10 =	ssub.s32 $0x2, s1  }
0x9: {  	s1 =	smul.u32 $0x27100, s1;
	s7 =	sshrl.u32 s5, $0x3;
	s6 =	sor.u32 s13, s6  }
0xa: {  	s11 =	sshrl.u32 s10, $0x1;
	s15 =	sadd.s32 s5, s2;
	s13 =	simm.s32 $0xD  }
0xb: {  	s7 =	sadd.s32 s7, s0;
	s6 =	smul.u32 $0x2710, s6;
	s8 =	sadd.s32 s5, s8  }
0xc: {  	s26 =	ssub.s32 s10, s11;
	s1 =	sadd.s32 s12, s1;
	s5 =	sadd.s32 s5, s3  }
0xd: {  	s11 =	sor.u32 $0x1C0D, s25;
	s25 =	simm.s32 $0x1CD30;
	s12 =	simm.s32 $0x8  }
0xe: {  	s8 =	sshrl.u32 s8, $0x3;
	s7 =	sadd.s32 $0x16200, s7;
	s16 =	sadd.s32 $0x4E200, s1  }
0xf: {  	s19 =	sadd.s32 $0x4E300, s1;
	s21 =	sadd.s32 $0x4E280, s1;
	s1 =	sadd.s32 $0x4E380, s1  }
0x10: {  	s24 =	smax.u32 s26, $0x1;
	s26 =	sshrl.u32 s15, $0x3;
	[dreg:$0xf] =	wrdreg s11  }
0x11: {  	s0 =	sadd.s32 s8, s0;
	s6 =	sshrl.u32 s6, $0x3;
	[dreg:$0x9] =	wrdreg s7  }
0x12: {  	s7 =	sshrl.u32 s16, $0x3;
	s20 =	sshrl.u32 s19, $0x3;
	[dreg:$0xe] =	wrdreg s24  }
0x13: {  	s1 =	sshrl.u32 s1, $0x3;
	[dreg:$0x10] =	wrdreg s26;
	s19 =	simm.s32 $0x16D30  }
0x14: {  	s24 =	simm.s32 $0x16CB0;
	s26 =	simm.s32 $0x1;
	s14 =	sadd.s32 s9, s6  }
0x15: {  	s8 =	simm.s32 $0xA;
	s7 =	sadd.s32 s7, s9;
	[dreg:$0x8] =	wrdreg s14  }
0x16: {  	s0 =	sadd.s32 $0x2A200, s0;
	s23 =	sadd.s32 s1, s9;
	[dreg:$0x4] =	wrdreg s7  }
0x17: {  	s1 =	simm.s32 $0x4;
	s6 =	simm.s32 $0x0;
	[dreg:$0xd] =	wrdreg s0  }
0x18: {  	s17 =	sadd.s32 $0xA100, s14;
	s18 =	sadd.s32 $0xA110, s14;
	[dreg:$0x7] =	wrdreg s23  }
0x19: {  	s10 =	sadd.s32 $0xA120, s14;
	s7 =	sadd.s32 s20, s9;
	[dreg:$0xa] =	wrdreg s17  }
0x1a: {  	s14 =	sshrl.u32 s5, $0x3;
	s20 =	simm.s32 $0x16BB0;
	[dreg:$0xb] =	wrdreg s18  }
0x1b: {  	s23 =	simm.s32 $0x1AD30;
	s0 =	simm.s32 $0x7;
	[dreg:$0xc] =	wrdreg s10  }
0x1c: {  	s10 =	sshrl.u32 s21, $0x3;
	[dreg:$0x5] =	wrdreg s7;
	s17 =	simm.s32 $0x16B30  }
0x1d: {  	s18 =	simm.s32 $0x80;
	s21 =	simm.s32 $0x18D30;
	s7 =	simm.s32 $0x9  }
0x1e: {  	[dreg:$0x11] =	wrdreg s14;
	s22 =	sadd.s32 s10, s9;
	s9 =	simm.s32 $0xB  }
0x1f: {  	s10 =	simm.s32 $0xC;
	[dreg:$0x6] =	wrdreg s22;
	s22 =	simm.s32 $0x16C30  }
.LBB2_1:
0x20: {  	[dreg:$0x12] =	wrdreg s6  }
0x21: {  	s5 =	rddreg [dreg:$0x8];
	s16 =	simm.s32 $0x14000  }
0x22: {  	[tilespmem:s16], [sflag:$0xD] =	stream.linear.gather [hbm4b:s5+s4], $0x2710, $0x38;
	[tilespmem:$0x1ED30] =	vst v63  }
0x23: {  	_ =	swait.ge [sflag:s13], $0x2710  }
0x24: {  	[sflag:s13] =	ssyncset.done $0x0;
	s15 =	rddreg [dreg:$0x9]  }
0x25: {  	s16 =	rddreg [dreg:$0x10];
	[sflag:s13] =	ssyncadd.s32 $0xFFFFD8F0  }
0x26: {  	[spmem:s16], [sflag:s11] =	dma.local [hbm:s15], $0x1400  }
0x27: {  	_ =	swait.ge [sflag:s13], $0x1400  }
0x28: {  	[sflag:s13] =	ssyncset.done $0x0  }
0x29: {  	[sflag:s13] =	ssyncadd.s32 $0xFFFFEC00  }
0x2a: {  	[spmem:s14], [sflag:s11] =	dma.local [hbm:s15], $0x1400  }
0x2b: {  	_ =	swait.ge [sflag:s13], $0x1400  }
0x2c: {  	[sflag:s13] =	ssyncset.done $0x0  }
0x2d: {  	[sflag:s13] =	ssyncadd.s32 $0xFFFFEC00  }
0x2e: {  	[bflag:$0x0] =	sbarrier.arrive $0xFFFF  }
0x2f: {  	s15 =	rddreg [dreg:$0x4]  }
0x30: {  	s5 =	sadd.s32 $0x0, s15  }
0x31: {  	[tilespmem:s17], [sflag:$0x1] =	stream.linear.gather [hbm4b:s5+s4], $0x80, $0x38;
	[tilespmem:$0x1ED30] =	vst v63  }
0x32: {  	s11 =	simm.s32 $0x14000;
	s16 =	rddreg [dreg:$0x6]  }
0x33: {  	[tilespmem:s19], [sflag:$0x5] =	stream.indirect.gather [spmem:s2], $0x40, s11, s18, $0xb8;
	[tilespmem:$0x1ED30] =	vst v63  }
0x34: {  	s14 =	sadd.s32 $0x0, s16  }
0x35: {  	[tilespmem:s20], [sflag:$0x2] =	stream.linear.gather [hbm4b:s14+s4], $0x80, $0x38;
	[tilespmem:$0x1ED30] =	vst v63  }
0x36: {  	s15 =	rddreg [dreg:$0x5];
	s16 =	simm.s32 $0x14080  }
0x37: {  	[tilespmem:s21], [sflag:$0x6] =	stream.indirect.gather [spmem:s2], $0x40, s16, s18, $0xb8;
	[tilespmem:$0x1ED30] =	vst v63  }
0x38: {  	s6 =	sadd.s32 $0x0, s15  }
0x39: {  	[tilespmem:s22], [sflag:$0x3] =	stream.linear.gather [hbm4b:s6+s4], $0x80, $0x38;
	[tilespmem:$0x1ED30] =	vst v63  }
0x3a: {  	s15 =	simm.s32 $0x14100;
	s11 =	rddreg [dreg:$0x7]  }
0x3b: {  	[tilespmem:s23], [sflag:$0x7] =	stream.indirect.gather [spmem:s2], $0x40, s15, s18, $0xb8;
	[tilespmem:$0x1ED30] =	vst v63  }
0x3c: {  	s14 =	sadd.s32 $0x0, s11  }
0x3d: {  	[tilespmem:s24], [sflag:$0x4] =	stream.linear.gather [hbm4b:s14+s4], $0x80, $0x38;
	[tilespmem:$0x1ED30] =	vst v63  }
0x3e: {  	s16 =	simm.s32 $0x14180  }
0x3f: {  	[tilespmem:s25], [sflag:$0x8] =	stream.indirect.gather [spmem:s2], $0x40, s16, s18, $0xb8;
	[tilespmem:$0x1ED30] =	vst v63  }
0x40: {  	_ =	swait.ge [sflag:s26], $0x80  }
0x41: {  	[sflag:s26] =	ssyncset.done $0x0  }
0x42: {  	[sflag:s26] =	ssyncadd.s32 $0xFFFFFF80  }
0x43: {  	_ =	swait.ge [sflag:s28], $0x2000  }
0x44: {  	[sflag:s28] =	ssyncset.done $0x0  }
0x45: {  	[sflag:s28] =	ssyncadd.s32 $0xFFFFE000  }
0x46: {  	[spmem:s3] =	stream.indirect.scatter.add.f32 [tilespmem:s19], [sflag:$0x9], $0x40, s17, s18, $0xb8;
	[tilespmem:$0x1ED30] =	vst v63  }
0x47: {  	_ =	swait.ge [sflag:s29], $0x80  }
0x48: {  	[sflag:s29] =	ssyncset.done $0x0  }
0x49: {  	[sflag:s29] =	ssyncadd.s32 $0xFFFFFF80  }
0x4a: {  	_ =	swait.ge [sflag:s30], $0x2000  }
0x4b: {  	[sflag:s30] =	ssyncset.done $0x0  }
0x4c: {  	[sflag:s30] =	ssyncadd.s32 $0xFFFFE000  }
0x4d: {  	[spmem:s3] =	stream.indirect.scatter.add.f32 [tilespmem:s21], [sflag:$0xA], $0x40, s20, s18, $0xb8;
	[tilespmem:$0x1ED30] =	vst v63  }
0x4e: {  	_ =	swait.ge [sflag:s31], $0x80  }
0x4f: {  	[sflag:s31] =	ssyncset.done $0x0  }
0x50: {  	[sflag:s31] =	ssyncadd.s32 $0xFFFFFF80  }
0x51: {  	_ =	swait.ge [sflag:s0], $0x2000  }
0x52: {  	[sflag:s0] =	ssyncset.done $0x0  }
0x53: {  	[sflag:s0] =	ssyncadd.s32 $0xFFFFE000  }
0x54: {  	[spmem:s3] =	stream.indirect.scatter.add.f32 [tilespmem:s23], [sflag:$0xB], $0x40, s22, s18, $0xb8;
	[tilespmem:$0x1ED30] =	vst v63  }
0x55: {  	_ =	swait.ge [sflag:s1], $0x80  }
0x56: {  	[sflag:s1] =	ssyncset.done $0x0  }
0x57: {  	[sflag:s1] =	ssyncadd.s32 $0xFFFFFF80  }
0x58: {  	_ =	swait.ge [sflag:s12], $0x2000  }
0x59: {  	[sflag:s12] =	ssyncset.done $0x0  }
0x5a: {  	[sflag:s12] =	ssyncadd.s32 $0xFFFFE000  }
0x5b: {  	[spmem:s3] =	stream.indirect.scatter.add.f32 [tilespmem:s25], [sflag:$0xC], $0x40, s24, s18, $0xb8;
	[tilespmem:$0x1ED30] =	vst v63  }
0x5c: {  	_ =	swait.ge [sflag:s7], $0x2000  }
0x5d: {  	[sflag:s7] =	ssyncset.done $0x0  }
0x5e: {  	[sflag:s7] =	ssyncadd.s32 $0xFFFFE000  }
0x5f: {  	_ =	swait.ge [sflag:s8], $0x2000  }
0x60: {  	[sflag:s8] =	ssyncset.done $0x0  }
0x61: {  	[sflag:s8] =	ssyncadd.s32 $0xFFFFE000  }
0x62: {  	_ =	swait.ge [sflag:s9], $0x2000  }
0x63: {  	[sflag:s9] =	ssyncset.done $0x0  }
0x64: {  	[sflag:s9] =	ssyncadd.s32 $0xFFFFE000  }
0x65: {  	s5 =	simm.s32 $0x40;
	_ =	swait.ge [sflag:s10], $0x2000  }
0x66: {  	s6 =	simm.s32 $0x80;
	s16 =	rddreg [dreg:$0x4];
	[sflag:s10] =	ssyncset.done $0x0  }
.LBB2_2:
0x67: {  	[sflag:s10] =	ssyncadd.s32 $0xFFFFE000;
	s15 =	sadd.s32 $0x200, s15;
	s16 =	sadd.s32 s5, s16  }
0x68: {  	[tilespmem:s17], [sflag:$0x1] =	stream.linear.gather [hbm4b:s16+s4], $0x80, $0x38;
	[tilespmem:$0x1ED30] =	vst v63  }
0x69: {  	s11 =	rddreg [dreg:$0x6];
	s16 =	sadd.s32 $0xFFFFFF00, s15  }
0x6a: {  	[tilespmem:s19], [sflag:$0x5] =	stream.indirect.gather [spmem:s2], $0x40, s16, s18, $0xb8;
	[tilespmem:$0x1ED30] =	vst v63  }
0x6b: {  	s11 =	sadd.s32 s5, s11  }
0x6c: {  	[tilespmem:s20], [sflag:$0x2] =	stream.linear.gather [hbm4b:s11+s4], $0x80, $0x38;
	[tilespmem:$0x1ED30] =	vst v63  }
0x6d: {  	s16 =	rddreg [dreg:$0x5];
	s11 =	sadd.s32 $0xFFFFFF80, s15  }
0x6e: {  	[tilespmem:s21], [sflag:$0x6] =	stream.indirect.gather [spmem:s2], $0x40, s11, s18, $0xb8;
	[tilespmem:$0x1ED30] =	vst v63  }
0x6f: {  	s11 =	sadd.s32 s5, s16  }
0x70: {  	[tilespmem:s22], [sflag:$0x3] =	stream.linear.gather [hbm4b:s11+s4], $0x80, $0x38;
	[tilespmem:$0x1ED30] =	vst v63  }
0x71: {  	s16 =	rddreg [dreg:$0x7]  }
0x72: {  	[tilespmem:s23], [sflag:$0x7] =	stream.indirect.gather [spmem:s2], $0x40, s15, s18, $0xb8;
	[tilespmem:$0x1ED30] =	vst v63  }
0x73: {  	s16 =	sadd.s32 s5, s16  }
0x74: {  	[tilespmem:s24], [sflag:$0x4] =	stream.linear.gather [hbm4b:s16+s4], $0x80, $0x38;
	[tilespmem:$0x1ED30] =	vst v63  }
0x75: {  	s16 =	sadd.s32 $0x80, s15  }
0x76: {  	[tilespmem:s25], [sflag:$0x8] =	stream.indirect.gather [spmem:s2], $0x40, s16, s18, $0xb8;
	[tilespmem:$0x1ED30] =	vst v63  }
0x77: {  	_ =	swait.ge [sflag:s26], $0x80  }
0x78: {  	[sflag:s26] =	ssyncset.done $0x0  }
0x79: {  	[sflag:s26] =	ssyncadd.s32 $0xFFFFFF80  }
0x7a: {  	_ =	swait.ge [sflag:s28], $0x2000  }
0x7b: {  	[sflag:s28] =	ssyncset.done $0x0  }
0x7c: {  	[sflag:s28] =	ssyncadd.s32 $0xFFFFE000  }
0x7d: {  	[spmem:s3] =	stream.indirect.scatter.add.f32 [tilespmem:s19], [sflag:$0x9], $0x40, s17, s18, $0xb8;
	[tilespmem:$0x1ED30] =	vst v63  }
0x7e: {  	_ =	swait.ge [sflag:s29], $0x80  }
0x7f: {  	[sflag:s29] =	ssyncset.done $0x0  }
0x80: {  	[sflag:s29] =	ssyncadd.s32 $0xFFFFFF80  }
0x81: {  	_ =	swait.ge [sflag:s30], $0x2000  }
0x82: {  	[sflag:s30] =	ssyncset.done $0x0  }
0x83: {  	[sflag:s30] =	ssyncadd.s32 $0xFFFFE000  }
0x84: {  	[spmem:s3] =	stream.indirect.scatter.add.f32 [tilespmem:s21], [sflag:$0xA], $0x40, s20, s18, $0xb8;
	[tilespmem:$0x1ED30] =	vst v63  }
0x85: {  	_ =	swait.ge [sflag:s31], $0x80  }
0x86: {  	[sflag:s31] =	ssyncset.done $0x0  }
0x87: {  	[sflag:s31] =	ssyncadd.s32 $0xFFFFFF80  }
0x88: {  	_ =	swait.ge [sflag:s0], $0x2000  }
0x89: {  	[sflag:s0] =	ssyncset.done $0x0  }
0x8a: {  	[sflag:s0] =	ssyncadd.s32 $0xFFFFE000  }
0x8b: {  	[spmem:s3] =	stream.indirect.scatter.add.f32 [tilespmem:s23], [sflag:$0xB], $0x40, s22, s18, $0xb8;
	[tilespmem:$0x1ED30] =	vst v63  }
0x8c: {  	_ =	swait.ge [sflag:s1], $0x80  }
0x8d: {  	[sflag:s1] =	ssyncset.done $0x0  }
0x8e: {  	[sflag:s1] =	ssyncadd.s32 $0xFFFFFF80  }
0x8f: {  	_ =	swait.ge [sflag:s12], $0x2000  }
0x90: {  	[sflag:s12] =	ssyncset.done $0x0  }
0x91: {  	[sflag:s12] =	ssyncadd.s32 $0xFFFFE000  }
0x92: {  	[spmem:s3] =	stream.indirect.scatter.add.f32 [tilespmem:s25], [sflag:$0xC], $0x40, s24, s18, $0xb8;
	[tilespmem:$0x1ED30] =	vst v63  }
0x93: {  	_ =	swait.ge [sflag:s7], $0x2000  }
0x94: {  	[sflag:s7] =	ssyncset.done $0x0  }
0x95: {  	[sflag:s7] =	ssyncadd.s32 $0xFFFFE000  }
0x96: {  	_ =	swait.ge [sflag:s8], $0x2000  }
0x97: {  	[sflag:s8] =	ssyncset.done $0x0  }
0x98: {  	p0 =	sne.s32 s6, $0x480;
	[sflag:s8] =	ssyncadd.s32 $0xFFFFE000  }
.Ltmp0:
0x99: {  	_ =	swait.ge [sflag:s9], $0x2000;
	(pc) =	sbr.rel @p0 .LBB2_2-.Ltmp0, $4  }
0x9a: {  	[sflag:s9] =	ssyncset.done $0x0  }
0x9b: {  	[sflag:s9] =	ssyncadd.s32 $0xFFFFE000  }
0x9c: {  	s14 =	smov.u32 s6;
	s6 =	sadd.s32 $0x40, s6;
	_ =	swait.ge [sflag:s10], $0x2000  }
0x9d: {  	s5 =	smov.u32 s14;
	s16 =	rddreg [dreg:$0x4];
	[sflag:s10] =	ssyncset.done $0x0  }
0x9e: {  	[sflag:s10] =	ssyncadd.s32 $0xFFFFE000;
	s6 =	sadd.s32 $0x200, s15;
	s11 =	sadd.s32 s5, s16  }
0x9f: {  	[tilespmem:s17], [sflag:$0x1] =	stream.linear.gather [hbm4b:s11+s4], $0x80, $0x38;
	[tilespmem:$0x1ED30] =	vst v63  }
0xa0: {  	s14 =	rddreg [dreg:$0x6];
	s16 =	sadd.s32 $0xFFFFFF00, s6  }
0xa1: {  	[tilespmem:s19], [sflag:$0x5] =	stream.indirect.gather [spmem:s2], $0x40, s16, s18, $0xb8;
	[tilespmem:$0x1ED30] =	vst v63  }
0xa2: {  	s14 =	sadd.s32 s5, s14  }
0xa3: {  	[tilespmem:s20], [sflag:$0x2] =	stream.linear.gather [hbm4b:s14+s4], $0x80, $0x38;
	[tilespmem:$0x1ED30] =	vst v63  }
0xa4: {  	s15 =	rddreg [dreg:$0x5];
	s16 =	sadd.s32 $0xFFFFFF80, s6  }
0xa5: {  	[tilespmem:s21], [sflag:$0x6] =	stream.indirect.gather [spmem:s2], $0x40, s16, s18, $0xb8;
	[tilespmem:$0x1ED30] =	vst v63  }
0xa6: {  	s14 =	sadd.s32 s5, s15  }
0xa7: {  	[tilespmem:s22], [sflag:$0x3] =	stream.linear.gather [hbm4b:s14+s4], $0x80, $0x38;
	[tilespmem:$0x1ED30] =	vst v63  }
0xa8: {  	s15 =	rddreg [dreg:$0x7]  }
0xa9: {  	[tilespmem:s23], [sflag:$0x7] =	stream.indirect.gather [spmem:s2], $0x40, s6, s18, $0xb8;
	[tilespmem:$0x1ED30] =	vst v63  }
0xaa: {  	s16 =	sadd.s32 s5, s15  }
0xab: {  	[tilespmem:s24], [sflag:$0x4] =	stream.linear.gather [hbm4b:s16+s4], $0x80, $0x38;
	[tilespmem:$0x1ED30] =	vst v63  }
0xac: {  	s11 =	sadd.s32 $0x80, s6  }
0xad: {  	[tilespmem:s25], [sflag:$0x8] =	stream.indirect.gather [spmem:s2], $0x40, s11, s18, $0xb8;
	[tilespmem:$0x1ED30] =	vst v63  }
0xae: {  	_ =	swait.ge [sflag:s26], $0x80  }
0xaf: {  	[sflag:s26] =	ssyncset.done $0x0  }
0xb0: {  	[sflag:s26] =	ssyncadd.s32 $0xFFFFFF80  }
0xb1: {  	_ =	swait.ge [sflag:s28], $0x2000  }
0xb2: {  	[sflag:s28] =	ssyncset.done $0x0  }
0xb3: {  	[sflag:s28] =	ssyncadd.s32 $0xFFFFE000  }
0xb4: {  	[spmem:s3] =	stream.indirect.scatter.add.f32 [tilespmem:s19], [sflag:$0x9], $0x40, s17, s18, $0xb8;
	[tilespmem:$0x1ED30] =	vst v63  }
0xb5: {  	_ =	swait.ge [sflag:s29], $0x80  }
0xb6: {  	[sflag:s29] =	ssyncset.done $0x0  }
0xb7: {  	[sflag:s29] =	ssyncadd.s32 $0xFFFFFF80  }
0xb8: {  	_ =	swait.ge [sflag:s30], $0x2000  }
0xb9: {  	[sflag:s30] =	ssyncset.done $0x0  }
0xba: {  	[sflag:s30] =	ssyncadd.s32 $0xFFFFE000  }
0xbb: {  	[spmem:s3] =	stream.indirect.scatter.add.f32 [tilespmem:s21], [sflag:$0xA], $0x40, s20, s18, $0xb8;
	[tilespmem:$0x1ED30] =	vst v63  }
0xbc: {  	_ =	swait.ge [sflag:s31], $0x80  }
0xbd: {  	[sflag:s31] =	ssyncset.done $0x0  }
0xbe: {  	[sflag:s31] =	ssyncadd.s32 $0xFFFFFF80  }
0xbf: {  	_ =	swait.ge [sflag:s0], $0x2000  }
0xc0: {  	[sflag:s0] =	ssyncset.done $0x0  }
0xc1: {  	[sflag:s0] =	ssyncadd.s32 $0xFFFFE000  }
0xc2: {  	[spmem:s3] =	stream.indirect.scatter.add.f32 [tilespmem:s23], [sflag:$0xB], $0x40, s22, s18, $0xb8;
	[tilespmem:$0x1ED30] =	vst v63  }
0xc3: {  	_ =	swait.ge [sflag:s1], $0x80  }
0xc4: {  	[sflag:s1] =	ssyncset.done $0x0  }
0xc5: {  	[sflag:s1] =	ssyncadd.s32 $0xFFFFFF80  }
0xc6: {  	_ =	swait.ge [sflag:s12], $0x2000  }
0xc7: {  	[sflag:s12] =	ssyncset.done $0x0  }
0xc8: {  	[sflag:s12] =	ssyncadd.s32 $0xFFFFE000  }
0xc9: {  	[spmem:s3] =	stream.indirect.scatter.add.f32 [tilespmem:s25], [sflag:$0xC], $0x40, s24, s18, $0xb8;
	[tilespmem:$0x1ED30] =	vst v63  }
0xca: {  	_ =	swait.ge [sflag:s7], $0x2000  }
0xcb: {  	[sflag:s7] =	ssyncset.done $0x0  }
0xcc: {  	[sflag:s7] =	ssyncadd.s32 $0xFFFFE000  }
0xcd: {  	_ =	swait.ge [sflag:s8], $0x2000  }
0xce: {  	[sflag:s8] =	ssyncset.done $0x0  }
0xcf: {  	[sflag:s8] =	ssyncadd.s32 $0xFFFFE000  }
0xd0: {  	_ =	swait.ge [sflag:s9], $0x2000  }
0xd1: {  	[sflag:s9] =	ssyncset.done $0x0  }
0xd2: {  	[sflag:s9] =	ssyncadd.s32 $0xFFFFE000  }
0xd3: {  	_ =	swait.ge [sflag:s10], $0x2000  }
0xd4: {  	[sflag:s10] =	ssyncset.done $0x0  }
0xd5: {  	s14 =	rddreg [dreg:$0xa];
	[sflag:s10] =	ssyncadd.s32 $0xFFFFE000  }
0xd6: {  	[tilespmem:s17], [sflag:$0x1] =	stream.linear.gather [hbm4b:s14+s4], $0x80, $0x38;
	[tilespmem:$0x1ED30] =	vst v63  }
0xd7: {  	s15 =	simm.s32 $0x16600  }
0xd8: {  	[tilespmem:s19], [sflag:$0x5] =	stream.indirect.gather [spmem:s2], $0x40, s15, s18, $0xb8;
	[tilespmem:$0x1ED30] =	vst v63  }
0xd9: {  	s16 =	rddreg [dreg:$0xb]  }
0xda: {  	[tilespmem:s20], [sflag:$0x2] =	stream.linear.gather [hbm4b:s16+s4], $0x80, $0x38;
	[tilespmem:$0x1ED30] =	vst v63  }
0xdb: {  	s6 =	simm.s32 $0x16680  }
0xdc: {  	[tilespmem:s21], [sflag:$0x6] =	stream.indirect.gather [spmem:s2], $0x40, s6, s18, $0xb8;
	[tilespmem:$0x1ED30] =	vst v63  }
0xdd: {  	_ =	swait.ge [sflag:s26], $0x80  }
0xde: {  	[sflag:s26] =	ssyncset.done $0x0  }
0xdf: {  	[sflag:s26] =	ssyncadd.s32 $0xFFFFFF80  }
0xe0: {  	_ =	swait.ge [sflag:s28], $0x2000  }
0xe1: {  	[sflag:s28] =	ssyncset.done $0x0  }
0xe2: {  	[sflag:s28] =	ssyncadd.s32 $0xFFFFE000  }
0xe3: {  	[spmem:s3] =	stream.indirect.scatter.add.f32 [tilespmem:s19], [sflag:$0x9], $0x40, s17, s18, $0xb8;
	[tilespmem:$0x1ED30] =	vst v63  }
0xe4: {  	_ =	swait.ge [sflag:s29], $0x80  }
0xe5: {  	[sflag:s29] =	ssyncset.done $0x0  }
0xe6: {  	[sflag:s29] =	ssyncadd.s32 $0xFFFFFF80  }
0xe7: {  	_ =	swait.ge [sflag:s30], $0x2000  }
0xe8: {  	[sflag:s30] =	ssyncset.done $0x0  }
0xe9: {  	[sflag:s30] =	ssyncadd.s32 $0xFFFFE000  }
0xea: {  	[spmem:s3] =	stream.indirect.scatter.add.f32 [tilespmem:s21], [sflag:$0xA], $0x40, s20, s18, $0xb8;
	[tilespmem:$0x1ED30] =	vst v63  }
0xeb: {  	_ =	swait.ge [sflag:s7], $0x2000  }
0xec: {  	[sflag:s7] =	ssyncset.done $0x0  }
0xed: {  	[sflag:s7] =	ssyncadd.s32 $0xFFFFE000  }
0xee: {  	_ =	swait.ge [sflag:s8], $0x2000  }
0xef: {  	[sflag:s8] =	ssyncset.done $0x0  }
0xf0: {  	s6 =	simm.s32 $0x16720;
	s11 =	rddreg [dreg:$0xc];
	[sflag:s8] =	ssyncadd.s32 $0xFFFFE000  }
0xf1: {  	[tilespmem:s6], [sflag:$0xD] =	stream.linear.gather [hbm4b:s11+s4], $0x10, $0x38;
	[tilespmem:$0x1ED30] =	vst v63  }
0xf2: {  	_ =	swait.ge [sflag:s13], $0x10  }
0xf3: {  	s14 =	simm.s32 $0x10;
	[sflag:s13] =	ssyncset.done $0x0  }
0xf4: {  	s15 =	simm.s32 $0x16700;
	s16 =	simm.s32 $0x16730;
	[sflag:s13] =	ssyncadd.s32 $0xFFFFFFF0  }
0xf5: {  	[tilespmem:s16], [sflag:$0xD] =	stream.indirect.gather [spmem:s2], $0x40, s15, s14, $0xb8;
	[tilespmem:$0x1ED30] =	vst v63  }
0xf6: {  	_ =	swait.ge [sflag:s13], $0x400  }
0xf7: {  	[sflag:s13] =	ssyncset.done $0x0  }
0xf8: {  	[sflag:s13] =	ssyncadd.s32 $0xFFFFFC00  }
0xf9: {  	[spmem:s3] =	stream.indirect.scatter.add.f32 [tilespmem:s16], [sflag:$0xD], $0x40, s6, s14, $0xb8;
	[tilespmem:$0x1ED30] =	vst v63  }
0xfa: {  	_ =	swait.ge [sflag:s13], $0x400  }
0xfb: {  	[sflag:s13] =	ssyncset.done $0x0  }
0xfc: {  	[sflag:s13] =	ssyncadd.s32 $0xFFFFFC00  }
0xfd: {  	[bflag:$0x0] =	sbarrier.arrive $0xFFFF  }
0xfe: {  	s6 =	rddreg [dreg:$0xd]  }
0xff: {  	s11 =	rddreg [dreg:$0xf]  }
0x100: {  	s14 =	rddreg [dreg:$0x11]  }
0x101: {  	[hbm:s6], [sflag:s11] =	dma.local [spmem:s14], $0x1400  }
0x102: {  	_ =	swait.ge [sflag:s13], $0x1400  }
0x103: {  	s15 =	rddreg [dreg:$0x12]  }
0x104: {  	s16 =	rddreg [dreg:$0xe];
	s6 =	sadd.s32 $0x1, s15  }
0x105: {  	p0 =	sne.s32 s6, s16  }
.Ltmp1:
0x106: {  	_ = 	snop;
	(pc) =	sbr.rel @p0 .LBB2_1-.Ltmp1, $3  }
0x107: {  	_ =	sdelay $0x1  }
0x108: {  	[sflag:s13] =	ssyncset.done $0x0  }
0x109: {  	[sflag:s13] =	ssyncadd.s32 $0xFFFFEC00  }
0x10a: {  	_ =	sfence.sel $0x180000  }
0x10b: {  	[bflag:$0x0] =	sbarrier.arrive $0xFFFF  }
0x10c: {  	_ =	strace $0x9000004A  }
0x10d: {  	s0 =	stileid.u32;
	[bflag:$0x2] =	sbarrier.arrive $0xFFFF  }
0x10e: {  	p0 =	sne.s32 s0, $0x0;
	s0 =	rddreg [dreg:$0x3]  }
0x10f: {  	s0 =	sadd.s32 @!p0 $0x100000, s0  }
0x110: {  	[sflag:s0] =	ssyncadd.tile.s32 @!p0 $0x1;
	_ =	shalt  }
.Lfunc_end2:
_tile_overlayer_lowered:
.L_overlay_start_2:
0x111: {  	(tag) =	ssettag $0x2  }
0x112: {  	s0 =	rddreg [dreg:$0x0];
	s2 =	stileid.u32  }
0x113: {  	s1 =	rddreg [dreg:$0x1];
	p0 =	sne.s32 s2, $0x0  }
0x114: {  	s3 =	rddreg [dreg:$0x2];
	[bflag:$0x3] =	sbarrier.arrive $0xFFFF;
	s2 =	simm.s32 @!p0 $0x1C0D  }
0x115: {  	[timem:s3], [sflag:s2] =	dma.local @!p0 [hbm:s0], s1  }
0x116: {  	s0 =	simm.s32 @!p0 $0xD  }
0x117: {  	_ =	swait.ge @!p0 [sflag:s0], s1  }
0x118: {  	s1 =	ssub.s32 @!p0 $0x0, s1;
	[sflag:s0] =	ssyncset.done @!p0 $0x0  }
0x119: {  	[sflag:s0] =	ssyncadd.s32 @!p0 s1  }
0x11a: {  	[bflag:$0x3] =	sbarrier.arrive $0xFFFF  }
0x11b: {  	_ =	shalt  }

// kernel: _impl.15.cloned.1.call-start
scs
__scs_entry_jumppad:
0x0: {  	(pc) =	sbr.rel $0x88, $3  }
0x1: {  	(tag) =	ssettag $0x0;
	lr =	simm.s32 $0x1  }
0x2: {  	[smem:$0x3F99] =	sst lr;
	_ =	strace $0xD0000000  }
0x3: {  	_ = 	snop  }
0x4: {  	_ = 	snop  }
0x5: {  	_ = 	snop  }
0x6: {  	_ = 	snop  }
0x7: {  	_ = 	snop  }
__scs_overlays_trampoline_lowered:
0x8: {  	[smem:$0x3FA8] =	sst s0  }
0x9: {  	[smem:$0x3FA9] =	sst s1  }
0xa: {  	[smem:$0x3FAA] =	sst s2  }
0xb: {  	[smem:$0x3FAB] =	sst s3  }
0xc: {  	[smem:$0x3FAC] =	sst s4  }
0xd: {  	[smem:$0x3FAD] =	sst s5  }
0xe: {  	[smem:$0x3FAE] =	sst s6  }
0xf: {  	[smem:$0x3FAF] =	sst s7  }
0x10: {  	[smem:$0x3FB0] =	sst s8  }
0x11: {  	[smem:$0x3FB1] =	sst s9;
	s0 =	simm.s32 @!p0 $0x0  }
0x12: {  	s1 =	sld [smem:$0x3F97];
	s0 =	simm.s32 @p0 $0x1  }
0x13: {  	[smem:$0x3FB2] =	sst s0;
	s0 =	simm.s32 @!p1 $0x0  }
0x14: {  	s2 =	sld [smem:$0x3F96];
	s0 =	simm.s32 @p1 $0x1  }
0x15: {  	[smem:$0x3FB3] =	sst s0;
	s0 =	simm.s32 @!p2 $0x0  }
0x16: {  	s3 =	sld [smem:$0x3FDB];
	s0 =	simm.s32 @p2 $0x1  }
0x17: {  	s4 =	simm.s32 $0x1BF5;
	[smem:$0x3FB5] =	sst s0  }
0x18: {  	s0 =	sld [smem:$0x3F98];
	_ =	swait.ge [sflag:s4], $0x0  }
0x19: {  	s7 =	sld [smem:$0x3F99]  }
0x1a: {  	s8 =	sadd.s32 $0xFFFFE003, lr  }
0x1b: {  	s9 =	sadd.s32 $0xFFFFFEF7, lr;
	s5 =	simm.s32 $0xFFFFFFFF;
	p2 =	slt.u32 s8, $0xFFFFF086  }
0x1c: {  	p1 =	slt.u32 s9, $0xF7A;
	s5 =	simm.s32 @!p2 $0x0  }
0x1d: {  	s5 =	simm.s32 @p1 $0x1;
	p0 =	seq.s32 s7, s2  }
0x1e: {  	s7 =	smul.u32 @!p0 $0xF7A, s2;
	p2 =	seq.s32 @!p0 s5, $0x0  }
0x1f: {  	s9 =	smul.u32 $0xF7A, s1;
	s8 =	simm.s32 @!p0 $0x1BF5;
	p2 =	por !p2, p0  }
0x20: {  	[sflag:s8] =	ssyncset.s32 @!p0 $0xFFFFF086;
	s6 =	sadd.s32 @!p0 s3, s7;
	s7 =	simm.s32 @!p0 $0x108  }
0x21: {  	s3 =	sadd.s32 s3, s9;
	s6 =	sadd.s32 @!p0 $0x88, s6;
	s7 =	simm.s32 @p2 $0x1082  }
0x22: {  	[simem:s7], [sflag:s8] =	dma.local @!p0 [hbm:s6], $0xF7A  }
0x23: {  	s9 =	sor.u32 $0xD0000000, s2;
	s6 =	simm.s32 $0x108;
	_ =	swait.ge @!p0 [sflag:s8], $0x0  }
0x24: {  	s3 =	sadd.s32 $0x88, s3;
	s6 =	simm.s32 @!p1 $0x1082;
	[sflag:s4] =	ssyncset.s32 $0xFFFFF086  }
0x25: {  	[simem:s6], [sflag:s4] =	dma.local [hbm:s3], $0xF7A  }
0x26: {  	[smem:$0x3F99] =	sst s1;
	(tag) =	ssettag s2;
	_ =	strace s9  }
0x27: {  	s1 =	sld [smem:$0x3FA9]  }
0x28: {  	s2 =	sld [smem:$0x3FAA]  }
0x29: {  	s4 =	sld [smem:$0x3FAC]  }
0x2a: {  	p0 =	seq.s32 s5, $0x0;
	s5 =	sld [smem:$0x3FAD]  }
0x2b: {  	s6 =	sld [smem:$0x3FAE]  }
0x2c: {  	s7 =	sld [smem:$0x3FAF]  }
0x2d: {  	s3 =	simm.s32 $0x108;
	s8 =	sld [smem:$0x3FB0]  }
0x2e: {  	s3 =	simm.s32 @!p0 $0x1082;
	s9 =	sld [smem:$0x3FB1]  }
0x2f: {  	lr =	sadd.s32 s0, s3;
	s0 =	sld [smem:$0x3FA8]  }
0x30: {  	s3 =	sld [smem:$0x3FAB]  }
0x31: {  	[smem:$0x3FB4] =	sst s10  }
0x32: {  	s10 =	sld [smem:$0x3FB2];
	_ =	sdelay $0x3  }
0x33: {  	p0 =	seq.s32 s10, $0x1;
	s10 =	sld [smem:$0x3FB4];
	_ =	sdelay $0x3  }
0x34: {  	[smem:$0x3FB4] =	sst s10  }
0x35: {  	s10 =	sld [smem:$0x3FB3];
	_ =	sdelay $0x3  }
0x36: {  	p1 =	seq.s32 s10, $0x1;
	s10 =	sld [smem:$0x3FB4];
	_ =	sdelay $0x3  }
0x37: {  	[smem:$0x3FB4] =	sst s10  }
0x38: {  	s10 =	sld [smem:$0x3FB5]  }
0x39: {  	_ = 	snop;
	(pc) =	sbr.ind lr, $3  }
0x3a: {  	_ = 	snop  }
0x3b: {  	_ = 	snop  }
0x3c: {  	p2 =	seq.s32 s10, $0x1;
	s10 =	sld [smem:$0x3FB4]  }
0x3d: {  	_ =	shalt  }
0x3e: {  	_ =	shalt  }
0x3f: {  	_ =	shalt  }
0x40: {  	_ =	shalt  }
0x41: {  	_ =	shalt  }
0x42: {  	_ =	shalt  }
0x43: {  	_ =	shalt  }
0x44: {  	_ =	shalt  }
0x45: {  	_ =	shalt  }
0x46: {  	_ =	shalt  }
0x47: {  	_ =	shalt  }
0x48: {  	_ =	shalt  }
0x49: {  	_ =	shalt  }
0x4a: {  	_ =	shalt  }
0x4b: {  	_ =	shalt  }
0x4c: {  	_ =	shalt  }
0x4d: {  	_ =	shalt  }
0x4e: {  	_ =	shalt  }
0x4f: {  	_ =	shalt  }
0x50: {  	_ =	shalt  }
0x51: {  	_ =	shalt  }
0x52: {  	_ =	shalt  }
0x53: {  	_ =	shalt  }
0x54: {  	_ =	shalt  }
0x55: {  	_ =	shalt  }
0x56: {  	_ =	shalt  }
0x57: {  	_ =	shalt  }
0x58: {  	_ =	shalt  }
0x59: {  	_ =	shalt  }
0x5a: {  	_ =	shalt  }
0x5b: {  	_ =	shalt  }
0x5c: {  	_ =	shalt  }
0x5d: {  	_ =	shalt  }
0x5e: {  	_ =	shalt  }
0x5f: {  	_ =	shalt  }
0x60: {  	_ =	shalt  }
0x61: {  	_ =	shalt  }
0x62: {  	_ =	shalt  }
0x63: {  	_ =	shalt  }
0x64: {  	_ =	shalt  }
0x65: {  	_ =	shalt  }
0x66: {  	_ =	shalt  }
0x67: {  	_ =	shalt  }
0x68: {  	_ =	shalt  }
0x69: {  	_ =	shalt  }
0x6a: {  	_ =	shalt  }
0x6b: {  	_ =	shalt  }
0x6c: {  	_ =	shalt  }
0x6d: {  	_ =	shalt  }
0x6e: {  	_ =	shalt  }
0x6f: {  	_ =	shalt  }
0x70: {  	_ =	shalt  }
0x71: {  	_ =	shalt  }
0x72: {  	_ =	shalt  }
0x73: {  	_ =	shalt  }
0x74: {  	_ =	shalt  }
0x75: {  	_ =	shalt  }
0x76: {  	_ =	shalt  }
0x77: {  	_ =	shalt  }
0x78: {  	_ =	shalt  }
0x79: {  	_ =	shalt  }
0x7a: {  	_ =	shalt  }
0x7b: {  	_ =	shalt  }
0x7c: {  	_ =	shalt  }
0x7d: {  	_ =	shalt  }
0x7e: {  	_ =	shalt  }
0x7f: {  	_ =	shalt  }
0x80: {  	_ =	shalt  }
0x81: {  	_ =	shalt  }
0x82: {  	_ =	shalt  }
0x83: {  	_ =	shalt  }
0x84: {  	_ =	shalt  }
0x85: {  	_ =	shalt  }
0x86: {  	_ =	shalt  }
0x87: {  	_ =	shalt  }
.Lfunc_end0:
.L_simem_size_0:
called_computation.2_lowered:
.L_overlay_start_0:
0x88: {  	s2 =	sld [smem:$0x3FD9]  }
0x89: {  	s3 =	sld [smem:$0x3FFE];
	_ =	sdelay $0x1  }
0x8a: {  	s1 =	srdreg.scid  }
0x8b: {  	s0 =	sand.u32 $0x1, s1  }
0x8c: {  	s16 =	sshll.u32 s0, $0xA;
	s2 =	sadd.s32 s3, s2  }
0x8d: {  	s2 =	sadd.s32 s2, s16  }
0x8e: {  	[smem:$0x3FC0] =	sst s2  }
0x8f: {  	_ = 	snop  }
0x90: {  	(tm) =	ssettm $0x1  }
0x91: {  	s17 =	sld [smem:$0x3FFB];
	_ =	sdelay $0x3  }
0x92: {  	_ =	strace s17  }
0x93: {  	s2 =	sld [smem:$0x3FFC];
	_ =	sdelay $0x3  }
0x94: {  	_ =	strace s2  }
0x95: {  	s2 =	sld [smem:$0x3FFD];
	_ =	sdelay $0x3  }
0x96: {  	_ =	strace s2  }
0x97: {  	_ =	strace $0x8FFFFFFF  }
0x98: {  	s18 =	sld [smem:$0x3FDB];
	_ =	sdelay $0x1  }
0x99: {  	s19 =	simm.s32 $_scs_section_size  }
0x9a: {  	s4 =	simm.s32 $_size__tile_overlayer_lowered;
	s5 =	simm.s32 $_tile_overlayer_lowered  }
0x9b: {  	s22 =	simm.s32 $0x1BFF;
	s21 =	sshll.u32 s5, $0x1;
	s2 =	sadd.s32 s19, s18  }
0x9c: {  	s6 =	simm.s32 $0x0;
	s20 =	sshll.u32 s4, $0x1;
	s4 =	sadd.s32 s21, s2  }
0x9d: {  	[timem:s6], [sflag:s22] =	dma.local [hbm:s4], s20  }
0x9e: {  	_ =	swait.ge [sflag:s22], s20  }
0x9f: {  	s3 =	ssub.s32 $0x0, s20;
	[sflag:s22] =	ssyncset.done $0x0  }
0xa0: {  	[sflag:s22] =	ssyncadd.s32 s3;
	_ =	sdelay $0x1  }
0xa1: {  	s23 =	simm.s32 $0x1B8B  }
0xa2: {  	_ =	swait.ge [sflag:s23], $0x1  }
0xa3: {  	[sflag:s23] =	ssyncset.done $0x0  }
0xa4: {  	s25 =	simm.s32 $0x1B8E;
	s24 =	sld [smem:$0x3FFE];
	[sflag:s23] =	ssyncadd.s32 $0xFFFFFFFF  }
0xa5: {  	s26 =	simm.s32 $execute0_lowered;
	[smem:$0x3FD2] =	sst s25  }
0xa6: {  	s4 =	sshll.u32 s26, $0x1;
	_ =	strace $0x8000004C;
	[dreg:$0x1] =	wrdreg $0xFFFFFFFF  }
0xa7: {  	s28 =	simm.s32 $_size_execute0_lowered;
	s2 =	sadd.s32 s2, s4;
	[dreg:$0x0] =	wrdreg $0x0  }
0xa8: {  	s4 =	sshll.u32 s28, $0x1;
	[dreg:$0x2] =	wrdreg s2  }
0xa9: {  	[dreg:$0x3] =	wrdreg s4  }
0xaa: {  	[dreg:$0x4] =	wrdreg $0xC0  }
0xab: {  	_ =	task [dreg:s6], $0x5FFFF  }
0xac: {  	[dreg:$0x1] =	wrdreg $0xFFFFFFFF  }
0xad: {  	[dreg:$0x0] =	wrdreg $0x60  }
0xae: {  	[dreg:$0x2] =	wrdreg s24  }
0xaf: {  	[dreg:$0x3] =	wrdreg $0x50000  }
0xb0: {  	[dreg:$0x4] =	wrdreg $0x0  }
0xb1: {  	[dreg:$0x5] =	wrdreg $0x9  }
0xb2: {  	_ =	task.clear_ibuf [dreg:s6], $0x6FFFF;
	_ =	strace $0x9000004C  }
0xb3: {  	s29 =	simm.s32 $0x9;
	_ =	strace $0x8000004E  }
0xb4: {  	_ =	swait.ge [sflag:s29], $0x1  }
0xb5: {  	[sflag:s29] =	ssyncadd.s32 $0xFFFFFFFF  }
0xb6: {  	_ =	strace $0x9000004E  }
0xb7: {  	_ =	sfence  }
0xb8: {  	s30 =	sld [smem:$0x0];
	_ =	sdelay $0x2  }
0xb9: {  	s31 =	sshll.u32 s1, $0xD;
	s1 =	sshrl.u32 s1, $0x2  }
0xba: {  	s3 =	sand.u32 $0x4000, s31;
	s1 =	sadd.s32 s1, s30  }
0xbb: {  	s0 =	sor.u32 s3, s0;
	s1 =	sshll.u32 s1, $0x11  }
0xbc: {  	s0 =	sor.u32 s1, s0  }
0xbd: {  	s0 =	sadd.s32 $0x8F2B, s0  }
0xbe: {  	[sflag:s0] =	ssyncadd.remote.s32 $0x1  }
0xbf: {  	_ =	sfence.sel $0xFFFF  }
0xc0: {  	[dreg:$0x0] =	wrdreg $0xFFFFFFFF;
	(pc) =	sbr.abs _section_cstart, $3  }
0xc1: {  	[dreg:$0x1] =	wrdreg $0xFFFFFFFF  }
0xc2: {  	_ =	task.clear_ibuf [dreg:s6], $0x2FFFF;
	_ =	strace $0x9FFFFFFF  }
0xc3: {  	(tm) =	ssettm $0x7FFFFFFF  }
tec
execute0_lowered:
.L_overlay_start_1:
0x0: {  	(tag) =	ssettag $0x1  }
0x1: {  	s0 =	rddreg [dreg:$0x0]  }
0x2: {  	s2 =	rddreg [dreg:$0x1]  }
0x3: {  	s3 =	rddreg [dreg:$0x2];
	s4 =	simm.s32 $0x0;
	s13 =	stileid.u32  }
0x4: {  	s1 =	srdreg.scid;
	s28 =	simm.s32 $0x5;
	s29 =	simm.s32 $0x2  }
0x5: {  	s30 =	simm.s32 $0x6;
	s31 =	simm.s32 $0x3;
	[smem:$0x7FF] =	sst s4  }
0x6: {  	s5 =	smul.u32 $0x5000, s13;
	s1 =	sand.u32 $0x1, s1;
	s9 =	sadd.s32 $0x2800, s0  }
0x7: {  	s12 =	smul.u32 $0x2710, s13;
	s25 =	sshll.u32 s13, $0x6;
	_ =	strace $0x8000004D  }
0x8: {  	s6 =	sshll.u32 s1, $0x4;
	s8 =	smul.u32 $0x50000, s1;
	s10 =	ssub.s32 $0x2, s1  }
0x9: {  	s1 =	smul.u32 $0x27100, s1;
	s7 =	sshrl.u32 s5, $0x3;
	s6 =	sor.u32 s13, s6  }
0xa: {  	s11 =	sshrl.u32 s10, $0x1;
	s15 =	sadd.s32 s5, s2;
	s13 =	simm.s32 $0xD  }
0xb: {  	s7 =	sadd.s32 s7, s0;
	s6 =	smul.u32 $0x2710, s6;
	s8 =	sadd.s32 s5, s8  }
0xc: {  	s26 =	ssub.s32 s10, s11;
	s1 =	sadd.s32 s12, s1;
	s5 =	sadd.s32 s5, s3  }
0xd: {  	s11 =	sor.u32 $0x1C0D, s25;
	s25 =	simm.s32 $0xFB30;
	s12 =	simm.s32 $0x8  }
0xe: {  	s8 =	sshrl.u32 s8, $0x3;
	s7 =	sadd.s32 $0x16200, s7;
	s16 =	sadd.s32 $0x4E200, s1  }
0xf: {  	s19 =	sadd.s32 $0x4E300, s1;
	s21 =	sadd.s32 $0x4E280, s1;
	s1 =	sadd.s32 $0x4E380, s1  }
0x10: {  	s24 =	smax.u32 s26, $0x1;
	s26 =	sshrl.u32 s15, $0x3;
	[dreg:$0xf] =	wrdreg s11  }
0x11: {  	s0 =	sadd.s32 s8, s0;
	s6 =	sshrl.u32 s6, $0x3;
	[dreg:$0x9] =	wrdreg s7  }
0x12: {  	s7 =	sshrl.u32 s16, $0x3;
	s20 =	sshrl.u32 s19, $0x3;
	[dreg:$0xe] =	wrdreg s24  }
0x13: {  	s1 =	sshrl.u32 s1, $0x3;
	[dreg:$0x10] =	wrdreg s26;
	s19 =	simm.s32 $0xCB30  }
0x14: {  	s24 =	simm.s32 $0xCAB0;
	s26 =	simm.s32 $0x1;
	s14 =	sadd.s32 s9, s6  }
0x15: {  	s8 =	simm.s32 $0xA;
	s7 =	sadd.s32 s7, s9;
	[dreg:$0x8] =	wrdreg s14  }
0x16: {  	s0 =	sadd.s32 $0x20200, s0;
	s23 =	sadd.s32 s1, s9;
	[dreg:$0x4] =	wrdreg s7  }
0x17: {  	s1 =	simm.s32 $0x4;
	s6 =	simm.s32 $0x0;
	[dreg:$0xd] =	wrdreg s0  }
0x18: {  	s17 =	sadd.s32 $0xA100, s14;
	s18 =	sadd.s32 $0xA110, s14;
	[dreg:$0x7] =	wrdreg s23  }
0x19: {  	s10 =	sadd.s32 $0xA120, s14;
	s7 =	sadd.s32 s20, s9;
	[dreg:$0xa] =	wrdreg s17  }
0x1a: {  	s14 =	sshrl.u32 s5, $0x3;
	s20 =	simm.s32 $0xC9B0;
	[dreg:$0xb] =	wrdreg s18  }
0x1b: {  	s23 =	simm.s32 $0xEB30;
	s0 =	simm.s32 $0x7;
	[dreg:$0xc] =	wrdreg s10  }
0x1c: {  	s10 =	sshrl.u32 s21, $0x3;
	[dreg:$0x5] =	wrdreg s7;
	s17 =	simm.s32 $0xC930  }
0x1d: {  	s18 =	simm.s32 $0x80;
	s21 =	simm.s32 $0xDB30;
	s7 =	simm.s32 $0x9  }
0x1e: {  	[dreg:$0x11] =	wrdreg s14;
	s22 =	sadd.s32 s10, s9;
	s9 =	simm.s32 $0xB  }
0x1f: {  	s10 =	simm.s32 $0xC;
	[dreg:$0x6] =	wrdreg s22;
	s22 =	simm.s32 $0xCA30  }
.LBB2_1:
0x20: {  	[dreg:$0x12] =	wrdreg s6  }
0x21: {  	s5 =	rddreg [dreg:$0x8];
	s16 =	simm.s32 $0xA000  }
0x22: {  	[tilespmem:s16], [sflag:$0xD] =	stream.linear.gather [hbm4b:s5+s4], $0x2710, $0x38;
	[tilespmem:$0x10B30] =	vst v63  }
0x23: {  	_ =	swait.ge [sflag:s13], $0x2710  }
0x24: {  	[sflag:s13] =	ssyncset.done $0x0;
	s15 =	rddreg [dreg:$0x9]  }
0x25: {  	s16 =	rddreg [dreg:$0x10];
	[sflag:s13] =	ssyncadd.s32 $0xFFFFD8F0  }
0x26: {  	[spmem:s16], [sflag:s11] =	dma.local [hbm:s15], $0xA00  }
0x27: {  	_ =	swait.ge [sflag:s13], $0xA00  }
0x28: {  	[sflag:s13] =	ssyncset.done $0x0  }
0x29: {  	[sflag:s13] =	ssyncadd.s32 $0xFFFFF600  }
0x2a: {  	[spmem:s14], [sflag:s11] =	dma.local [hbm:s15], $0xA00  }
0x2b: {  	_ =	swait.ge [sflag:s13], $0xA00  }
0x2c: {  	[sflag:s13] =	ssyncset.done $0x0  }
0x2d: {  	[sflag:s13] =	ssyncadd.s32 $0xFFFFF600  }
0x2e: {  	[bflag:$0x0] =	sbarrier.arrive $0xFFFF  }
0x2f: {  	s15 =	rddreg [dreg:$0x4]  }
0x30: {  	s5 =	sadd.s32 $0x0, s15  }
0x31: {  	[tilespmem:s17], [sflag:$0x1] =	stream.linear.gather [hbm4b:s5+s4], $0x80, $0x38;
	[tilespmem:$0x10B30] =	vst v63  }
0x32: {  	s11 =	simm.s32 $0xA000;
	s16 =	rddreg [dreg:$0x6]  }
0x33: {  	[tilespmem:s19], [sflag:$0x5] =	stream.indirect.gather [spmem:s2], $0x20, s11, s18, $0xb8;
	[tilespmem:$0x10B30] =	vst v63  }
0x34: {  	s14 =	sadd.s32 $0x0, s16  }
0x35: {  	[tilespmem:s20], [sflag:$0x2] =	stream.linear.gather [hbm4b:s14+s4], $0x80, $0x38;
	[tilespmem:$0x10B30] =	vst v63  }
0x36: {  	s15 =	rddreg [dreg:$0x5];
	s16 =	simm.s32 $0xA080  }
0x37: {  	[tilespmem:s21], [sflag:$0x6] =	stream.indirect.gather [spmem:s2], $0x20, s16, s18, $0xb8;
	[tilespmem:$0x10B30] =	vst v63  }
0x38: {  	s6 =	sadd.s32 $0x0, s15  }
0x39: {  	[tilespmem:s22], [sflag:$0x3] =	stream.linear.gather [hbm4b:s6+s4], $0x80, $0x38;
	[tilespmem:$0x10B30] =	vst v63  }
0x3a: {  	s15 =	simm.s32 $0xA100;
	s11 =	rddreg [dreg:$0x7]  }
0x3b: {  	[tilespmem:s23], [sflag:$0x7] =	stream.indirect.gather [spmem:s2], $0x20, s15, s18, $0xb8;
	[tilespmem:$0x10B30] =	vst v63  }
0x3c: {  	s14 =	sadd.s32 $0x0, s11  }
0x3d: {  	[tilespmem:s24], [sflag:$0x4] =	stream.linear.gather [hbm4b:s14+s4], $0x80, $0x38;
	[tilespmem:$0x10B30] =	vst v63  }
0x3e: {  	s16 =	simm.s32 $0xA180  }
0x3f: {  	[tilespmem:s25], [sflag:$0x8] =	stream.indirect.gather [spmem:s2], $0x20, s16, s18, $0xb8;
	[tilespmem:$0x10B30] =	vst v63  }
0x40: {  	_ =	swait.ge [sflag:s26], $0x80  }
0x41: {  	[sflag:s26] =	ssyncset.done $0x0  }
0x42: {  	[sflag:s26] =	ssyncadd.s32 $0xFFFFFF80  }
0x43: {  	_ =	swait.ge [sflag:s28], $0x1000  }
0x44: {  	[sflag:s28] =	ssyncset.done $0x0  }
0x45: {  	[sflag:s28] =	ssyncadd.s32 $0xFFFFF000  }
0x46: {  	[spmem:s3] =	stream.indirect.scatter.add.f32 [tilespmem:s19], [sflag:$0x9], $0x20, s17, s18, $0xb8;
	[tilespmem:$0x10B30] =	vst v63  }
0x47: {  	_ =	swait.ge [sflag:s29], $0x80  }
0x48: {  	[sflag:s29] =	ssyncset.done $0x0  }
0x49: {  	[sflag:s29] =	ssyncadd.s32 $0xFFFFFF80  }
0x4a: {  	_ =	swait.ge [sflag:s30], $0x1000  }
0x4b: {  	[sflag:s30] =	ssyncset.done $0x0  }
0x4c: {  	[sflag:s30] =	ssyncadd.s32 $0xFFFFF000  }
0x4d: {  	[spmem:s3] =	stream.indirect.scatter.add.f32 [tilespmem:s21], [sflag:$0xA], $0x20, s20, s18, $0xb8;
	[tilespmem:$0x10B30] =	vst v63  }
0x4e: {  	_ =	swait.ge [sflag:s31], $0x80  }
0x4f: {  	[sflag:s31] =	ssyncset.done $0x0  }
0x50: {  	[sflag:s31] =	ssyncadd.s32 $0xFFFFFF80  }
0x51: {  	_ =	swait.ge [sflag:s0], $0x1000  }
0x52: {  	[sflag:s0] =	ssyncset.done $0x0  }
0x53: {  	[sflag:s0] =	ssyncadd.s32 $0xFFFFF000  }
0x54: {  	[spmem:s3] =	stream.indirect.scatter.add.f32 [tilespmem:s23], [sflag:$0xB], $0x20, s22, s18, $0xb8;
	[tilespmem:$0x10B30] =	vst v63  }
0x55: {  	_ =	swait.ge [sflag:s1], $0x80  }
0x56: {  	[sflag:s1] =	ssyncset.done $0x0  }
0x57: {  	[sflag:s1] =	ssyncadd.s32 $0xFFFFFF80  }
0x58: {  	_ =	swait.ge [sflag:s12], $0x1000  }
0x59: {  	[sflag:s12] =	ssyncset.done $0x0  }
0x5a: {  	[sflag:s12] =	ssyncadd.s32 $0xFFFFF000  }
0x5b: {  	[spmem:s3] =	stream.indirect.scatter.add.f32 [tilespmem:s25], [sflag:$0xC], $0x20, s24, s18, $0xb8;
	[tilespmem:$0x10B30] =	vst v63  }
0x5c: {  	_ =	swait.ge [sflag:s7], $0x1000  }
0x5d: {  	[sflag:s7] =	ssyncset.done $0x0  }
0x5e: {  	[sflag:s7] =	ssyncadd.s32 $0xFFFFF000  }
0x5f: {  	_ =	swait.ge [sflag:s8], $0x1000  }
0x60: {  	[sflag:s8] =	ssyncset.done $0x0  }
0x61: {  	[sflag:s8] =	ssyncadd.s32 $0xFFFFF000  }
0x62: {  	_ =	swait.ge [sflag:s9], $0x1000  }
0x63: {  	[sflag:s9] =	ssyncset.done $0x0  }
0x64: {  	[sflag:s9] =	ssyncadd.s32 $0xFFFFF000  }
0x65: {  	s5 =	simm.s32 $0x40;
	_ =	swait.ge [sflag:s10], $0x1000  }
0x66: {  	s6 =	simm.s32 $0x80;
	s16 =	rddreg [dreg:$0x4];
	[sflag:s10] =	ssyncset.done $0x0  }
.LBB2_2:
0x67: {  	[sflag:s10] =	ssyncadd.s32 $0xFFFFF000;
	s15 =	sadd.s32 $0x200, s15;
	s16 =	sadd.s32 s5, s16  }
0x68: {  	[tilespmem:s17], [sflag:$0x1] =	stream.linear.gather [hbm4b:s16+s4], $0x80, $0x38;
	[tilespmem:$0x10B30] =	vst v63  }
0x69: {  	s11 =	rddreg [dreg:$0x6];
	s16 =	sadd.s32 $0xFFFFFF00, s15  }
0x6a: {  	[tilespmem:s19], [sflag:$0x5] =	stream.indirect.gather [spmem:s2], $0x20, s16, s18, $0xb8;
	[tilespmem:$0x10B30] =	vst v63  }
0x6b: {  	s11 =	sadd.s32 s5, s11  }
0x6c: {  	[tilespmem:s20], [sflag:$0x2] =	stream.linear.gather [hbm4b:s11+s4], $0x80, $0x38;
	[tilespmem:$0x10B30] =	vst v63  }
0x6d: {  	s16 =	rddreg [dreg:$0x5];
	s11 =	sadd.s32 $0xFFFFFF80, s15  }
0x6e: {  	[tilespmem:s21], [sflag:$0x6] =	stream.indirect.gather [spmem:s2], $0x20, s11, s18, $0xb8;
	[tilespmem:$0x10B30] =	vst v63  }
0x6f: {  	s11 =	sadd.s32 s5, s16  }
0x70: {  	[tilespmem:s22], [sflag:$0x3] =	stream.linear.gather [hbm4b:s11+s4], $0x80, $0x38;
	[tilespmem:$0x10B30] =	vst v63  }
0x71: {  	s16 =	rddreg [dreg:$0x7]  }
0x72: {  	[tilespmem:s23], [sflag:$0x7] =	stream.indirect.gather [spmem:s2], $0x20, s15, s18, $0xb8;
	[tilespmem:$0x10B30] =	vst v63  }
0x73: {  	s16 =	sadd.s32 s5, s16  }
0x74: {  	[tilespmem:s24], [sflag:$0x4] =	stream.linear.gather [hbm4b:s16+s4], $0x80, $0x38;
	[tilespmem:$0x10B30] =	vst v63  }
0x75: {  	s16 =	sadd.s32 $0x80, s15  }
0x76: {  	[tilespmem:s25], [sflag:$0x8] =	stream.indirect.gather [spmem:s2], $0x20, s16, s18, $0xb8;
	[tilespmem:$0x10B30] =	vst v63  }
0x77: {  	_ =	swait.ge [sflag:s26], $0x80  }
0x78: {  	[sflag:s26] =	ssyncset.done $0x0  }
0x79: {  	[sflag:s26] =	ssyncadd.s32 $0xFFFFFF80  }
0x7a: {  	_ =	swait.ge [sflag:s28], $0x1000  }
0x7b: {  	[sflag:s28] =	ssyncset.done $0x0  }
0x7c: {  	[sflag:s28] =	ssyncadd.s32 $0xFFFFF000  }
0x7d: {  	[spmem:s3] =	stream.indirect.scatter.add.f32 [tilespmem:s19], [sflag:$0x9], $0x20, s17, s18, $0xb8;
	[tilespmem:$0x10B30] =	vst v63  }
0x7e: {  	_ =	swait.ge [sflag:s29], $0x80  }
0x7f: {  	[sflag:s29] =	ssyncset.done $0x0  }
0x80: {  	[sflag:s29] =	ssyncadd.s32 $0xFFFFFF80  }
0x81: {  	_ =	swait.ge [sflag:s30], $0x1000  }
0x82: {  	[sflag:s30] =	ssyncset.done $0x0  }
0x83: {  	[sflag:s30] =	ssyncadd.s32 $0xFFFFF000  }
0x84: {  	[spmem:s3] =	stream.indirect.scatter.add.f32 [tilespmem:s21], [sflag:$0xA], $0x20, s20, s18, $0xb8;
	[tilespmem:$0x10B30] =	vst v63  }
0x85: {  	_ =	swait.ge [sflag:s31], $0x80  }
0x86: {  	[sflag:s31] =	ssyncset.done $0x0  }
0x87: {  	[sflag:s31] =	ssyncadd.s32 $0xFFFFFF80  }
0x88: {  	_ =	swait.ge [sflag:s0], $0x1000  }
0x89: {  	[sflag:s0] =	ssyncset.done $0x0  }
0x8a: {  	[sflag:s0] =	ssyncadd.s32 $0xFFFFF000  }
0x8b: {  	[spmem:s3] =	stream.indirect.scatter.add.f32 [tilespmem:s23], [sflag:$0xB], $0x20, s22, s18, $0xb8;
	[tilespmem:$0x10B30] =	vst v63  }
0x8c: {  	_ =	swait.ge [sflag:s1], $0x80  }
0x8d: {  	[sflag:s1] =	ssyncset.done $0x0  }
0x8e: {  	[sflag:s1] =	ssyncadd.s32 $0xFFFFFF80  }
0x8f: {  	_ =	swait.ge [sflag:s12], $0x1000  }
0x90: {  	[sflag:s12] =	ssyncset.done $0x0  }
0x91: {  	[sflag:s12] =	ssyncadd.s32 $0xFFFFF000  }
0x92: {  	[spmem:s3] =	stream.indirect.scatter.add.f32 [tilespmem:s25], [sflag:$0xC], $0x20, s24, s18, $0xb8;
	[tilespmem:$0x10B30] =	vst v63  }
0x93: {  	_ =	swait.ge [sflag:s7], $0x1000  }
0x94: {  	[sflag:s7] =	ssyncset.done $0x0  }
0x95: {  	[sflag:s7] =	ssyncadd.s32 $0xFFFFF000  }
0x96: {  	_ =	swait.ge [sflag:s8], $0x1000  }
0x97: {  	[sflag:s8] =	ssyncset.done $0x0  }
0x98: {  	p0 =	sne.s32 s6, $0x480;
	[sflag:s8] =	ssyncadd.s32 $0xFFFFF000  }
.Ltmp0:
0x99: {  	_ =	swait.ge [sflag:s9], $0x1000;
	(pc) =	sbr.rel @p0 .LBB2_2-.Ltmp0, $4  }
0x9a: {  	[sflag:s9] =	ssyncset.done $0x0  }
0x9b: {  	[sflag:s9] =	ssyncadd.s32 $0xFFFFF000  }
0x9c: {  	s14 =	smov.u32 s6;
	s6 =	sadd.s32 $0x40, s6;
	_ =	swait.ge [sflag:s10], $0x1000  }
0x9d: {  	s5 =	smov.u32 s14;
	s16 =	rddreg [dreg:$0x4];
	[sflag:s10] =	ssyncset.done $0x0  }
0x9e: {  	[sflag:s10] =	ssyncadd.s32 $0xFFFFF000;
	s6 =	sadd.s32 $0x200, s15;
	s11 =	sadd.s32 s5, s16  }
0x9f: {  	[tilespmem:s17], [sflag:$0x1] =	stream.linear.gather [hbm4b:s11+s4], $0x80, $0x38;
	[tilespmem:$0x10B30] =	vst v63  }
0xa0: {  	s14 =	rddreg [dreg:$0x6];
	s16 =	sadd.s32 $0xFFFFFF00, s6  }
0xa1: {  	[tilespmem:s19], [sflag:$0x5] =	stream.indirect.gather [spmem:s2], $0x20, s16, s18, $0xb8;
	[tilespmem:$0x10B30] =	vst v63  }
0xa2: {  	s14 =	sadd.s32 s5, s14  }
0xa3: {  	[tilespmem:s20], [sflag:$0x2] =	stream.linear.gather [hbm4b:s14+s4], $0x80, $0x38;
	[tilespmem:$0x10B30] =	vst v63  }
0xa4: {  	s15 =	rddreg [dreg:$0x5];
	s16 =	sadd.s32 $0xFFFFFF80, s6  }
0xa5: {  	[tilespmem:s21], [sflag:$0x6] =	stream.indirect.gather [spmem:s2], $0x20, s16, s18, $0xb8;
	[tilespmem:$0x10B30] =	vst v63  }
0xa6: {  	s14 =	sadd.s32 s5, s15  }
0xa7: {  	[tilespmem:s22], [sflag:$0x3] =	stream.linear.gather [hbm4b:s14+s4], $0x80, $0x38;
	[tilespmem:$0x10B30] =	vst v63  }
0xa8: {  	s15 =	rddreg [dreg:$0x7]  }
0xa9: {  	[tilespmem:s23], [sflag:$0x7] =	stream.indirect.gather [spmem:s2], $0x20, s6, s18, $0xb8;
	[tilespmem:$0x10B30] =	vst v63  }
0xaa: {  	s16 =	sadd.s32 s5, s15  }
0xab: {  	[tilespmem:s24], [sflag:$0x4] =	stream.linear.gather [hbm4b:s16+s4], $0x80, $0x38;
	[tilespmem:$0x10B30] =	vst v63  }
0xac: {  	s11 =	sadd.s32 $0x80, s6  }
0xad: {  	[tilespmem:s25], [sflag:$0x8] =	stream.indirect.gather [spmem:s2], $0x20, s11, s18, $0xb8;
	[tilespmem:$0x10B30] =	vst v63  }
0xae: {  	_ =	swait.ge [sflag:s26], $0x80  }
0xaf: {  	[sflag:s26] =	ssyncset.done $0x0  }
0xb0: {  	[sflag:s26] =	ssyncadd.s32 $0xFFFFFF80  }
0xb1: {  	_ =	swait.ge [sflag:s28], $0x1000  }
0xb2: {  	[sflag:s28] =	ssyncset.done $0x0  }
0xb3: {  	[sflag:s28] =	ssyncadd.s32 $0xFFFFF000  }
0xb4: {  	[spmem:s3] =	stream.indirect.scatter.add.f32 [tilespmem:s19], [sflag:$0x9], $0x20, s17, s18, $0xb8;
	[tilespmem:$0x10B30] =	vst v63  }
0xb5: {  	_ =	swait.ge [sflag:s29], $0x80  }
0xb6: {  	[sflag:s29] =	ssyncset.done $0x0  }
0xb7: {  	[sflag:s29] =	ssyncadd.s32 $0xFFFFFF80  }
0xb8: {  	_ =	swait.ge [sflag:s30], $0x1000  }
0xb9: {  	[sflag:s30] =	ssyncset.done $0x0  }
0xba: {  	[sflag:s30] =	ssyncadd.s32 $0xFFFFF000  }
0xbb: {  	[spmem:s3] =	stream.indirect.scatter.add.f32 [tilespmem:s21], [sflag:$0xA], $0x20, s20, s18, $0xb8;
	[tilespmem:$0x10B30] =	vst v63  }
0xbc: {  	_ =	swait.ge [sflag:s31], $0x80  }
0xbd: {  	[sflag:s31] =	ssyncset.done $0x0  }
0xbe: {  	[sflag:s31] =	ssyncadd.s32 $0xFFFFFF80  }
0xbf: {  	_ =	swait.ge [sflag:s0], $0x1000  }
0xc0: {  	[sflag:s0] =	ssyncset.done $0x0  }
0xc1: {  	[sflag:s0] =	ssyncadd.s32 $0xFFFFF000  }
0xc2: {  	[spmem:s3] =	stream.indirect.scatter.add.f32 [tilespmem:s23], [sflag:$0xB], $0x20, s22, s18, $0xb8;
	[tilespmem:$0x10B30] =	vst v63  }
0xc3: {  	_ =	swait.ge [sflag:s1], $0x80  }
0xc4: {  	[sflag:s1] =	ssyncset.done $0x0  }
0xc5: {  	[sflag:s1] =	ssyncadd.s32 $0xFFFFFF80  }
0xc6: {  	_ =	swait.ge [sflag:s12], $0x1000  }
0xc7: {  	[sflag:s12] =	ssyncset.done $0x0  }
0xc8: {  	[sflag:s12] =	ssyncadd.s32 $0xFFFFF000  }
0xc9: {  	[spmem:s3] =	stream.indirect.scatter.add.f32 [tilespmem:s25], [sflag:$0xC], $0x20, s24, s18, $0xb8;
	[tilespmem:$0x10B30] =	vst v63  }
0xca: {  	_ =	swait.ge [sflag:s7], $0x1000  }
0xcb: {  	[sflag:s7] =	ssyncset.done $0x0  }
0xcc: {  	[sflag:s7] =	ssyncadd.s32 $0xFFFFF000  }
0xcd: {  	_ =	swait.ge [sflag:s8], $0x1000  }
0xce: {  	[sflag:s8] =	ssyncset.done $0x0  }
0xcf: {  	[sflag:s8] =	ssyncadd.s32 $0xFFFFF000  }
0xd0: {  	_ =	swait.ge [sflag:s9], $0x1000  }
0xd1: {  	[sflag:s9] =	ssyncset.done $0x0  }
0xd2: {  	[sflag:s9] =	ssyncadd.s32 $0xFFFFF000  }
0xd3: {  	_ =	swait.ge [sflag:s10], $0x1000  }
0xd4: {  	[sflag:s10] =	ssyncset.done $0x0  }
0xd5: {  	s14 =	rddreg [dreg:$0xa];
	[sflag:s10] =	ssyncadd.s32 $0xFFFFF000  }
0xd6: {  	[tilespmem:s17], [sflag:$0x1] =	stream.linear.gather [hbm4b:s14+s4], $0x80, $0x38;
	[tilespmem:$0x10B30] =	vst v63  }
0xd7: {  	s15 =	simm.s32 $0xC600  }
0xd8: {  	[tilespmem:s19], [sflag:$0x5] =	stream.indirect.gather [spmem:s2], $0x20, s15, s18, $0xb8;
	[tilespmem:$0x10B30] =	vst v63  }
0xd9: {  	s16 =	rddreg [dreg:$0xb]  }
0xda: {  	[tilespmem:s20], [sflag:$0x2] =	stream.linear.gather [hbm4b:s16+s4], $0x80, $0x38;
	[tilespmem:$0x10B30] =	vst v63  }
0xdb: {  	s6 =	simm.s32 $0xC680  }
0xdc: {  	[tilespmem:s21], [sflag:$0x6] =	stream.indirect.gather [spmem:s2], $0x20, s6, s18, $0xb8;
	[tilespmem:$0x10B30] =	vst v63  }
0xdd: {  	_ =	swait.ge [sflag:s26], $0x80  }
0xde: {  	[sflag:s26] =	ssyncset.done $0x0  }
0xdf: {  	[sflag:s26] =	ssyncadd.s32 $0xFFFFFF80  }
0xe0: {  	_ =	swait.ge [sflag:s28], $0x1000  }
0xe1: {  	[sflag:s28] =	ssyncset.done $0x0  }
0xe2: {  	[sflag:s28] =	ssyncadd.s32 $0xFFFFF000  }
0xe3: {  	[spmem:s3] =	stream.indirect.scatter.add.f32 [tilespmem:s19], [sflag:$0x9], $0x20, s17, s18, $0xb8;
	[tilespmem:$0x10B30] =	vst v63  }
0xe4: {  	_ =	swait.ge [sflag:s29], $0x80  }
0xe5: {  	[sflag:s29] =	ssyncset.done $0x0  }
0xe6: {  	[sflag:s29] =	ssyncadd.s32 $0xFFFFFF80  }
0xe7: {  	_ =	swait.ge [sflag:s30], $0x1000  }
0xe8: {  	[sflag:s30] =	ssyncset.done $0x0  }
0xe9: {  	[sflag:s30] =	ssyncadd.s32 $0xFFFFF000  }
0xea: {  	[spmem:s3] =	stream.indirect.scatter.add.f32 [tilespmem:s21], [sflag:$0xA], $0x20, s20, s18, $0xb8;
	[tilespmem:$0x10B30] =	vst v63  }
0xeb: {  	_ =	swait.ge [sflag:s7], $0x1000  }
0xec: {  	[sflag:s7] =	ssyncset.done $0x0  }
0xed: {  	[sflag:s7] =	ssyncadd.s32 $0xFFFFF000  }
0xee: {  	_ =	swait.ge [sflag:s8], $0x1000  }
0xef: {  	[sflag:s8] =	ssyncset.done $0x0  }
0xf0: {  	s6 =	simm.s32 $0xC720;
	s11 =	rddreg [dreg:$0xc];
	[sflag:s8] =	ssyncadd.s32 $0xFFFFF000  }
0xf1: {  	[tilespmem:s6], [sflag:$0xD] =	stream.linear.gather [hbm4b:s11+s4], $0x10, $0x38;
	[tilespmem:$0x10B30] =	vst v63  }
0xf2: {  	_ =	swait.ge [sflag:s13], $0x10  }
0xf3: {  	s14 =	simm.s32 $0x10;
	[sflag:s13] =	ssyncset.done $0x0  }
0xf4: {  	s15 =	simm.s32 $0xC700;
	s16 =	simm.s32 $0xC730;
	[sflag:s13] =	ssyncadd.s32 $0xFFFFFFF0  }
0xf5: {  	[tilespmem:s16], [sflag:$0xD] =	stream.indirect.gather [spmem:s2], $0x20, s15, s14, $0xb8;
	[tilespmem:$0x10B30] =	vst v63  }
0xf6: {  	_ =	swait.ge [sflag:s13], $0x200  }
0xf7: {  	[sflag:s13] =	ssyncset.done $0x0  }
0xf8: {  	[sflag:s13] =	ssyncadd.s32 $0xFFFFFE00  }
0xf9: {  	[spmem:s3] =	stream.indirect.scatter.add.f32 [tilespmem:s16], [sflag:$0xD], $0x20, s6, s14, $0xb8;
	[tilespmem:$0x10B30] =	vst v63  }
0xfa: {  	_ =	swait.ge [sflag:s13], $0x200  }
0xfb: {  	[sflag:s13] =	ssyncset.done $0x0  }
0xfc: {  	[sflag:s13] =	ssyncadd.s32 $0xFFFFFE00  }
0xfd: {  	[bflag:$0x0] =	sbarrier.arrive $0xFFFF  }
0xfe: {  	s6 =	rddreg [dreg:$0xd]  }
0xff: {  	s11 =	rddreg [dreg:$0xf]  }
0x100: {  	s14 =	rddreg [dreg:$0x11]  }
0x101: {  	[hbm:s6], [sflag:s11] =	dma.local [spmem:s14], $0xA00  }
0x102: {  	_ =	swait.ge [sflag:s13], $0xA00  }
0x103: {  	s15 =	rddreg [dreg:$0x12]  }
0x104: {  	s16 =	rddreg [dreg:$0xe];
	s6 =	sadd.s32 $0x1, s15  }
0x105: {  	p0 =	sne.s32 s6, s16  }
.Ltmp1:
0x106: {  	_ = 	snop;
	(pc) =	sbr.rel @p0 .LBB2_1-.Ltmp1, $3  }
0x107: {  	_ =	sdelay $0x1  }
0x108: {  	[sflag:s13] =	ssyncset.done $0x0  }
0x109: {  	[sflag:s13] =	ssyncadd.s32 $0xFFFFF600  }
0x10a: {  	_ =	sfence.sel $0x180000  }
0x10b: {  	[bflag:$0x0] =	sbarrier.arrive $0xFFFF  }
0x10c: {  	_ =	strace $0x9000004D  }
0x10d: {  	s0 =	stileid.u32;
	[bflag:$0x2] =	sbarrier.arrive $0xFFFF  }
0x10e: {  	p0 =	sne.s32 s0, $0x0;
	s0 =	rddreg [dreg:$0x3]  }
0x10f: {  	s0 =	sadd.s32 @!p0 $0x100000, s0  }
0x110: {  	[sflag:s0] =	ssyncadd.tile.s32 @!p0 $0x1;
	_ =	shalt  }
.Lfunc_end2:
_tile_overlayer_lowered:
.L_overlay_start_2:
0x111: {  	(tag) =	ssettag $0x2  }
0x112: {  	s0 =	rddreg [dreg:$0x0];
	s2 =	stileid.u32  }
0x113: {  	s1 =	rddreg [dreg:$0x1];
	p0 =	sne.s32 s2, $0x0  }
0x114: {  	s3 =	rddreg [dreg:$0x2];
	[bflag:$0x3] =	sbarrier.arrive $0xFFFF;
	s2 =	simm.s32 @!p0 $0x1C0D  }
0x115: {  	[timem:s3], [sflag:s2] =	dma.local @!p0 [hbm:s0], s1  }
0x116: {  	s0 =	simm.s32 @!p0 $0xD  }
0x117: {  	_ =	swait.ge @!p0 [sflag:s0], s1  }
0x118: {  	s1 =	ssub.s32 @!p0 $0x0, s1;
	[sflag:s0] =	ssyncset.done @!p0 $0x0  }
0x119: {  	[sflag:s0] =	ssyncadd.s32 @!p0 s1  }
0x11a: {  	[bflag:$0x3] =	sbarrier.arrive $0xFFFF  }
0x11b: {  	_ =	shalt  }

// kernel: _impl.9.cloned.1.call-start
scs
__scs_entry_jumppad:
0x0: {  	(pc) =	sbr.rel $0x88, $3  }
0x1: {  	(tag) =	ssettag $0x0;
	lr =	simm.s32 $0x1  }
0x2: {  	[smem:$0x3F99] =	sst lr;
	_ =	strace $0xD0000000  }
0x3: {  	_ = 	snop  }
0x4: {  	_ = 	snop  }
0x5: {  	_ = 	snop  }
0x6: {  	_ = 	snop  }
0x7: {  	_ = 	snop  }
__scs_overlays_trampoline_lowered:
0x8: {  	[smem:$0x3FA8] =	sst s0  }
0x9: {  	[smem:$0x3FA9] =	sst s1  }
0xa: {  	[smem:$0x3FAA] =	sst s2  }
0xb: {  	[smem:$0x3FAB] =	sst s3  }
0xc: {  	[smem:$0x3FAC] =	sst s4  }
0xd: {  	[smem:$0x3FAD] =	sst s5  }
0xe: {  	[smem:$0x3FAE] =	sst s6  }
0xf: {  	[smem:$0x3FAF] =	sst s7  }
0x10: {  	[smem:$0x3FB0] =	sst s8  }
0x11: {  	[smem:$0x3FB1] =	sst s9;
	s0 =	simm.s32 @!p0 $0x0  }
0x12: {  	s1 =	sld [smem:$0x3F97];
	s0 =	simm.s32 @p0 $0x1  }
0x13: {  	[smem:$0x3FB2] =	sst s0;
	s0 =	simm.s32 @!p1 $0x0  }
0x14: {  	s2 =	sld [smem:$0x3F96];
	s0 =	simm.s32 @p1 $0x1  }
0x15: {  	[smem:$0x3FB3] =	sst s0;
	s0 =	simm.s32 @!p2 $0x0  }
0x16: {  	s3 =	sld [smem:$0x3FDB];
	s0 =	simm.s32 @p2 $0x1  }
0x17: {  	s4 =	simm.s32 $0x1BF5;
	[smem:$0x3FB5] =	sst s0  }
0x18: {  	s0 =	sld [smem:$0x3F98];
	_ =	swait.ge [sflag:s4], $0x0  }
0x19: {  	s7 =	sld [smem:$0x3F99]  }
0x1a: {  	s8 =	sadd.s32 $0xFFFFE003, lr  }
0x1b: {  	s9 =	sadd.s32 $0xFFFFFEF7, lr;
	s5 =	simm.s32 $0xFFFFFFFF;
	p2 =	slt.u32 s8, $0xFFFFF086  }
0x1c: {  	p1 =	slt.u32 s9, $0xF7A;
	s5 =	simm.s32 @!p2 $0x0  }
0x1d: {  	s5 =	simm.s32 @p1 $0x1;
	p0 =	seq.s32 s7, s2  }
0x1e: {  	s7 =	smul.u32 @!p0 $0xF7A, s2;
	p2 =	seq.s32 @!p0 s5, $0x0  }
0x1f: {  	s9 =	smul.u32 $0xF7A, s1;
	s8 =	simm.s32 @!p0 $0x1BF5;
	p2 =	por !p2, p0  }
0x20: {  	[sflag:s8] =	ssyncset.s32 @!p0 $0xFFFFF086;
	s6 =	sadd.s32 @!p0 s3, s7;
	s7 =	simm.s32 @!p0 $0x108  }
0x21: {  	s3 =	sadd.s32 s3, s9;
	s6 =	sadd.s32 @!p0 $0x88, s6;
	s7 =	simm.s32 @p2 $0x1082  }
0x22: {  	[simem:s7], [sflag:s8] =	dma.local @!p0 [hbm:s6], $0xF7A  }
0x23: {  	s9 =	sor.u32 $0xD0000000, s2;
	s6 =	simm.s32 $0x108;
	_ =	swait.ge @!p0 [sflag:s8], $0x0  }
0x24: {  	s3 =	sadd.s32 $0x88, s3;
	s6 =	simm.s32 @!p1 $0x1082;
	[sflag:s4] =	ssyncset.s32 $0xFFFFF086  }
0x25: {  	[simem:s6], [sflag:s4] =	dma.local [hbm:s3], $0xF7A  }
0x26: {  	[smem:$0x3F99] =	sst s1;
	(tag) =	ssettag s2;
	_ =	strace s9  }
0x27: {  	s1 =	sld [smem:$0x3FA9]  }
0x28: {  	s2 =	sld [smem:$0x3FAA]  }
0x29: {  	s4 =	sld [smem:$0x3FAC]  }
0x2a: {  	p0 =	seq.s32 s5, $0x0;
	s5 =	sld [smem:$0x3FAD]  }
0x2b: {  	s6 =	sld [smem:$0x3FAE]  }
0x2c: {  	s7 =	sld [smem:$0x3FAF]  }
0x2d: {  	s3 =	simm.s32 $0x108;
	s8 =	sld [smem:$0x3FB0]  }
0x2e: {  	s3 =	simm.s32 @!p0 $0x1082;
	s9 =	sld [smem:$0x3FB1]  }
0x2f: {  	lr =	sadd.s32 s0, s3;
	s0 =	sld [smem:$0x3FA8]  }
0x30: {  	s3 =	sld [smem:$0x3FAB]  }
0x31: {  	[smem:$0x3FB4] =	sst s10  }
0x32: {  	s10 =	sld [smem:$0x3FB2];
	_ =	sdelay $0x3  }
0x33: {  	p0 =	seq.s32 s10, $0x1;
	s10 =	sld [smem:$0x3FB4];
	_ =	sdelay $0x3  }
0x34: {  	[smem:$0x3FB4] =	sst s10  }
0x35: {  	s10 =	sld [smem:$0x3FB3];
	_ =	sdelay $0x3  }
0x36: {  	p1 =	seq.s32 s10, $0x1;
	s10 =	sld [smem:$0x3FB4];
	_ =	sdelay $0x3  }
0x37: {  	[smem:$0x3FB4] =	sst s10  }
0x38: {  	s10 =	sld [smem:$0x3FB5]  }
0x39: {  	_ = 	snop;
	(pc) =	sbr.ind lr, $3  }
0x3a: {  	_ = 	snop  }
0x3b: {  	_ = 	snop  }
0x3c: {  	p2 =	seq.s32 s10, $0x1;
	s10 =	sld [smem:$0x3FB4]  }
0x3d: {  	_ =	shalt  }
0x3e: {  	_ =	shalt  }
0x3f: {  	_ =	shalt  }
0x40: {  	_ =	shalt  }
0x41: {  	_ =	shalt  }
0x42: {  	_ =	shalt  }
0x43: {  	_ =	shalt  }
0x44: {  	_ =	shalt  }
0x45: {  	_ =	shalt  }
0x46: {  	_ =	shalt  }
0x47: {  	_ =	shalt  }
0x48: {  	_ =	shalt  }
0x49: {  	_ =	shalt  }
0x4a: {  	_ =	shalt  }
0x4b: {  	_ =	shalt  }
0x4c: {  	_ =	shalt  }
0x4d: {  	_ =	shalt  }
0x4e: {  	_ =	shalt  }
0x4f: {  	_ =	shalt  }
0x50: {  	_ =	shalt  }
0x51: {  	_ =	shalt  }
0x52: {  	_ =	shalt  }
0x53: {  	_ =	shalt  }
0x54: {  	_ =	shalt  }
0x55: {  	_ =	shalt  }
0x56: {  	_ =	shalt  }
0x57: {  	_ =	shalt  }
0x58: {  	_ =	shalt  }
0x59: {  	_ =	shalt  }
0x5a: {  	_ =	shalt  }
0x5b: {  	_ =	shalt  }
0x5c: {  	_ =	shalt  }
0x5d: {  	_ =	shalt  }
0x5e: {  	_ =	shalt  }
0x5f: {  	_ =	shalt  }
0x60: {  	_ =	shalt  }
0x61: {  	_ =	shalt  }
0x62: {  	_ =	shalt  }
0x63: {  	_ =	shalt  }
0x64: {  	_ =	shalt  }
0x65: {  	_ =	shalt  }
0x66: {  	_ =	shalt  }
0x67: {  	_ =	shalt  }
0x68: {  	_ =	shalt  }
0x69: {  	_ =	shalt  }
0x6a: {  	_ =	shalt  }
0x6b: {  	_ =	shalt  }
0x6c: {  	_ =	shalt  }
0x6d: {  	_ =	shalt  }
0x6e: {  	_ =	shalt  }
0x6f: {  	_ =	shalt  }
0x70: {  	_ =	shalt  }
0x71: {  	_ =	shalt  }
0x72: {  	_ =	shalt  }
0x73: {  	_ =	shalt  }
0x74: {  	_ =	shalt  }
0x75: {  	_ =	shalt  }
0x76: {  	_ =	shalt  }
0x77: {  	_ =	shalt  }
0x78: {  	_ =	shalt  }
0x79: {  	_ =	shalt  }
0x7a: {  	_ =	shalt  }
0x7b: {  	_ =	shalt  }
0x7c: {  	_ =	shalt  }
0x7d: {  	_ =	shalt  }
0x7e: {  	_ =	shalt  }
0x7f: {  	_ =	shalt  }
0x80: {  	_ =	shalt  }
0x81: {  	_ =	shalt  }
0x82: {  	_ =	shalt  }
0x83: {  	_ =	shalt  }
0x84: {  	_ =	shalt  }
0x85: {  	_ =	shalt  }
0x86: {  	_ =	shalt  }
0x87: {  	_ =	shalt  }
.Lfunc_end0:
.L_simem_size_0:
called_computation_lowered:
.L_overlay_start_0:
0x88: {  	s2 =	sld [smem:$0x3FD9]  }
0x89: {  	s3 =	sld [smem:$0x3FFE];
	_ =	sdelay $0x1  }
0x8a: {  	s1 =	srdreg.scid  }
0x8b: {  	s0 =	sand.u32 $0x1, s1  }
0x8c: {  	s17 =	sshll.u32 s0, $0xA;
	s2 =	sadd.s32 s3, s2  }
0x8d: {  	s2 =	sadd.s32 s2, s17  }
0x8e: {  	[smem:$0x3FC0] =	sst s2  }
0x8f: {  	_ = 	snop  }
0x90: {  	s2 =	sld [smem:$0x3FD0];
	(tm) =	ssettm $0x1  }
0x91: {  	s18 =	sld [smem:$0x3FFB];
	_ =	sdelay $0x3  }
0x92: {  	_ =	strace s18  }
0x93: {  	s3 =	sld [smem:$0x3FFC];
	_ =	sdelay $0x3  }
0x94: {  	_ =	strace s3  }
0x95: {  	s3 =	sld [smem:$0x3FFD];
	_ =	sdelay $0x3  }
0x96: {  	_ =	strace s3  }
0x97: {  	_ =	strace $0x8FFFFFFF  }
0x98: {  	s19 =	sld [smem:$0x3FDB];
	_ =	sdelay $0x1  }
0x99: {  	s4 =	simm.s32 $_scs_section_size  }
0x9a: {  	s5 =	simm.s32 $_size__tile_overlayer_lowered;
	s6 =	simm.s32 $_tile_overlayer_lowered  }
0x9b: {  	s22 =	simm.s32 $0x1BFF;
	s21 =	sshll.u32 s6, $0x1;
	s3 =	sadd.s32 s4, s19  }
0x9c: {  	s7 =	simm.s32 $0x0;
	s20 =	sshll.u32 s5, $0x1;
	s5 =	sadd.s32 s21, s3  }
0x9d: {  	[timem:s7], [sflag:s22] =	dma.local [hbm:s5], s20  }
0x9e: {  	_ =	swait.ge [sflag:s22], s20  }
0x9f: {  	s4 =	ssub.s32 $0x0, s20;
	[sflag:s22] =	ssyncset.done $0x0  }
0xa0: {  	[sflag:s22] =	ssyncadd.s32 s4;
	_ =	sdelay $0x1  }
0xa1: {  	s23 =	simm.s32 $0x1B8B  }
0xa2: {  	_ =	swait.ge [sflag:s23], $0x1  }
0xa3: {  	[sflag:s23] =	ssyncset.done $0x0  }
0xa4: {  	s25 =	simm.s32 $0x1B8E;
	s24 =	sld [smem:$0x3FFE];
	[sflag:s23] =	ssyncadd.s32 $0xFFFFFFFF  }
0xa5: {  	s26 =	simm.s32 $execute0_lowered;
	[smem:$0x3FD2] =	sst s25  }
0xa6: {  	s5 =	sshll.u32 s26, $0x1;
	_ =	strace $0x80000046;
	[dreg:$0x1] =	wrdreg $0xFFFFFFFF  }
0xa7: {  	s28 =	simm.s32 $_size_execute0_lowered;
	s3 =	sadd.s32 s3, s5;
	[dreg:$0x0] =	wrdreg $0x0  }
0xa8: {  	s5 =	sshll.u32 s28, $0x1;
	[dreg:$0x2] =	wrdreg s3  }
0xa9: {  	[dreg:$0x3] =	wrdreg s5  }
0xaa: {  	[dreg:$0x4] =	wrdreg $0xC0  }
0xab: {  	_ =	task [dreg:s7], $0x5FFFF  }
0xac: {  	[dreg:$0x1] =	wrdreg $0xFFFFFFFF  }
0xad: {  	[dreg:$0x0] =	wrdreg $0x60  }
0xae: {  	[dreg:$0x2] =	wrdreg s24  }
0xaf: {  	[dreg:$0x3] =	wrdreg s2  }
0xb0: {  	[dreg:$0x4] =	wrdreg $0x0  }
0xb1: {  	[dreg:$0x5] =	wrdreg $0x9  }
0xb2: {  	_ =	task.clear_ibuf [dreg:s7], $0x6FFFF;
	_ =	strace $0x90000046  }
0xb3: {  	s29 =	simm.s32 $0x9;
	_ =	strace $0x80000048  }
0xb4: {  	_ =	swait.ge [sflag:s29], $0x1  }
0xb5: {  	[sflag:s29] =	ssyncadd.s32 $0xFFFFFFFF  }
0xb6: {  	_ =	strace $0x90000048  }
0xb7: {  	_ =	sfence  }
0xb8: {  	s30 =	sld [smem:$0x0];
	_ =	sdelay $0x2  }
0xb9: {  	s31 =	sshll.u32 s1, $0xD;
	s1 =	sshrl.u32 s1, $0x2  }
0xba: {  	s3 =	sand.u32 $0x4000, s31;
	s1 =	sadd.s32 s1, s30  }
0xbb: {  	s0 =	sor.u32 s3, s0;
	s1 =	sshll.u32 s1, $0x11  }
0xbc: {  	s0 =	sor.u32 s1, s0  }
0xbd: {  	s0 =	sadd.s32 $0x8F2B, s0  }
0xbe: {  	[sflag:s0] =	ssyncadd.remote.s32 $0x1  }
0xbf: {  	_ =	sfence.sel $0xFFFF  }
0xc0: {  	[dreg:$0x0] =	wrdreg $0xFFFFFFFF;
	(pc) =	sbr.abs _section_cstart, $3  }
0xc1: {  	[dreg:$0x1] =	wrdreg $0xFFFFFFFF  }
0xc2: {  	_ =	task.clear_ibuf [dreg:s7], $0x2FFFF;
	_ =	strace $0x9FFFFFFF  }
0xc3: {  	(tm) =	ssettm $0x7FFFFFFF  }
tec
execute0_lowered:
.L_overlay_start_1:
0x0: {  	(tag) =	ssettag $0x1  }
0x1: {  	s0 =	rddreg [dreg:$0x0]  }
0x2: {  	s3 =	rddreg [dreg:$0x1]  }
0x3: {  	s1 =	rddreg [dreg:$0x2]  }
0x4: {  	s2 =	simm.s32 $0x0;
	s4 =	srdreg.scid;
	s12 =	stileid.u32  }
0x5: {  	s28 =	simm.s32 $0x80;
	s29 =	simm.s32 $0x2;
	s30 =	simm.s32 $0x3  }
0x6: {  	s31 =	simm.s32 $0x4;
	[smem:$0x7FF] =	sst s2;
	s8 =	smul.u32 $0x5000, s12  }
0x7: {  	s6 =	sand.u32 $0x1, s4;
	s7 =	sadd.s32 $0x2800, s0;
	s10 =	smul.u32 $0x1400, s12  }
0x8: {  	_ =	strace $0x80000047;
	s4 =	sshll.u32 s6, $0x4;
	s11 =	smul.u32 $0x14000, s6  }
0x9: {  	s14 =	ssub.s32 $0x2, s6;
	s6 =	smul.u32 $0x27100, s6;
	s5 =	sor.u32 s12, s4  }
0xa: {  	s4 =	sadd.s32 $0x16200, s0;
	s8 =	sshrl.u32 s8, $0x2;
	s12 =	smul.u32 $0x2710, s12  }
0xb: {  	s15 =	sshrl.u32 s14, $0x1;
	s9 =	smul.u32 $0x2710, s5;
	s8 =	sadd.s32 s8, s1  }
0xc: {  	s0 =	ssub.s32 s14, s15;
	s5 =	sadd.s32 s10, s1;
	s13 =	sadd.s32 $0x400, s8  }
0xd: {  	s19 =	sadd.s32 s10, s11;
	s16 =	sadd.s32 $0x800, s8;
	[dreg:$0x4] =	wrdreg s13  }
0xe: {  	s17 =	sadd.s32 $0xC00, s8;
	s8 =	sadd.s32 $0x1000, s8;
	[dreg:$0x5] =	wrdreg s16  }
0xf: {  	s6 =	sadd.s32 s12, s6;
	s0 =	smax.u32 s0, $0x1;
	[dreg:$0x6] =	wrdreg s17  }
0x10: {  	s9 =	sshrl.u32 s9, $0x3;
	[dreg:$0x7] =	wrdreg s8;
	s21 =	sadd.s32 $0x4E380, s6  }
0x11: {  	[dreg:$0xc] =	wrdreg s0;
	s23 =	sadd.s32 $0x4E300, s6;
	s24 =	sadd.s32 $0x4E280, s6  }
0x12: {  	s6 =	sadd.s32 $0x4E200, s6;
	s18 =	sadd.s32 s7, s9;
	s22 =	sshrl.u32 s21, $0x3  }
0x13: {  	s0 =	sshrl.u32 s23, $0x3;
	s25 =	sshrl.u32 s24, $0x3;
	s26 =	sshrl.u32 s6, $0x3  }
0x14: {  	s21 =	simm.s32 $0x690;
	s23 =	simm.s32 $0x790;
	s24 =	simm.s32 $0x810  }
0x15: {  	s6 =	simm.s32 $0x7;
	s9 =	sadd.s32 $0xA100, s18;
	s20 =	sadd.s32 $0xA110, s18  }
0x16: {  	s8 =	sadd.s32 $0xA120, s18;
	s15 =	sadd.s32 s22, s7;
	s16 =	sadd.s32 s0, s7  }
0x17: {  	s17 =	sadd.s32 s25, s7;
	s18 =	sadd.s32 s26, s7;
	s22 =	simm.s32 $0x710  }
0x18: {  	s25 =	simm.s32 $0x890;
	s26 =	simm.s32 $0x1;
	[dreg:$0x8] =	wrdreg s9  }
0x19: {  	s0 =	simm.s32 $0x5;
	s7 =	simm.s32 $0x8;
	[dreg:$0x9] =	wrdreg s20  }
0x1a: {  	s9 =	sshrl.u32 s19, $0x3;
	[dreg:$0xa] =	wrdreg s8;
	s19 =	simm.s32 $0x290  }
0x1b: {  	s20 =	simm.s32 $0x9;
	s8 =	simm.s32 $0x280;
	s3 =	sadd.s32 s3, s9  }
0x1c: {  	s9 =	simm.s32 $0x0;
	[dreg:$0xb] =	wrdreg s3;
	s3 =	simm.s32 $0x6  }
.LBB2_1:
0x1d: {  	[tilespmem:s19], [sflag:$0x9] =	stream.linear.gather [hbm4b:s4+s2], $0x400, $0x38;
	[tilespmem:$0x910] =	vst v63  }
0x1e: {  	_ =	swait.ge [sflag:s20], $0x400  }
0x1f: {  	[sflag:s20] =	ssyncset.done $0x0  }
0x20: {  	[sflag:s20] =	ssyncadd.s32 $0xFFFFFC00  }
0x21: {  	[tilespmem:s21], [sflag:$0x9] =	stream.linear.gather [hbm4b:s4+s2], $0x80, $0x38;
	[tilespmem:$0x910] =	vst v63  }
0x22: {  	_ =	swait.ge [sflag:s20], $0x80  }
0x23: {  	[sflag:s20] =	ssyncset.done $0x0  }
0x24: {  	[sflag:s20] =	ssyncadd.s32 $0xFFFFFF80  }
0x25: {  	[spmem:s5] =	stream.linear.scatter [tilespmem:s19], [sflag:$0x9], $0x400, $0x38;
	[tilespmem:$0x910] =	vst v63  }
0x26: {  	_ =	swait.ge [sflag:s20], $0x400  }
0x27: {  	[sflag:s20] =	ssyncset.done $0x0  }
0x28: {  	s10 =	rddreg [dreg:$0x4];
	[sflag:s20] =	ssyncadd.s32 $0xFFFFFC00  }
0x29: {  	[spmem:s10] =	stream.linear.scatter [tilespmem:s19], [sflag:$0x9], $0x400, $0x38;
	[tilespmem:$0x910] =	vst v63  }
0x2a: {  	_ =	swait.ge [sflag:s20], $0x400  }
0x2b: {  	[sflag:s20] =	ssyncset.done $0x0  }
0x2c: {  	s12 =	rddreg [dreg:$0x5];
	[sflag:s20] =	ssyncadd.s32 $0xFFFFFC00  }
0x2d: {  	[spmem:s12] =	stream.linear.scatter [tilespmem:s19], [sflag:$0x9], $0x400, $0x38;
	[tilespmem:$0x910] =	vst v63  }
0x2e: {  	_ =	swait.ge [sflag:s20], $0x400  }
0x2f: {  	[sflag:s20] =	ssyncset.done $0x0  }
0x30: {  	s13 =	rddreg [dreg:$0x6];
	[sflag:s20] =	ssyncadd.s32 $0xFFFFFC00  }
0x31: {  	[spmem:s13] =	stream.linear.scatter [tilespmem:s19], [sflag:$0x9], $0x400, $0x38;
	[tilespmem:$0x910] =	vst v63  }
0x32: {  	_ =	swait.ge [sflag:s20], $0x400  }
0x33: {  	[sflag:s20] =	ssyncset.done $0x0  }
0x34: {  	s14 =	rddreg [dreg:$0x7];
	[sflag:s20] =	ssyncadd.s32 $0xFFFFFC00  }
0x35: {  	[spmem:s14] =	stream.linear.scatter [tilespmem:s19], [sflag:$0x9], $0x400, $0x38;
	[tilespmem:$0x910] =	vst v63  }
0x36: {  	_ =	swait.ge [sflag:s20], $0x400  }
0x37: {  	[sflag:s20] =	ssyncset.done $0x0  }
0x38: {  	[sflag:s20] =	ssyncadd.s32 $0xFFFFFC00  }
0x39: {  	s11 =	sadd.s32 $0x0, s18;
	[bflag:$0x0] =	sbarrier.arrive $0xFFFF  }
0x3a: {  	[tilespmem:s22], [sflag:$0x1] =	stream.linear.gather [hbm4b:s11+s2], $0x80, $0x38;
	[tilespmem:$0x910] =	vst v63  }
0x3b: {  	s12 =	sadd.s32 $0x0, s17  }
0x3c: {  	[tilespmem:s23], [sflag:$0x2] =	stream.linear.gather [hbm4b:s12+s2], $0x80, $0x38;
	[tilespmem:$0x910] =	vst v63  }
0x3d: {  	s13 =	sadd.s32 $0x0, s16  }
0x3e: {  	[tilespmem:s24], [sflag:$0x3] =	stream.linear.gather [hbm4b:s13+s2], $0x80, $0x38;
	[tilespmem:$0x910] =	vst v63  }
0x3f: {  	s14 =	sadd.s32 $0x0, s15  }
0x40: {  	[tilespmem:s25], [sflag:$0x4] =	stream.linear.gather [hbm4b:s14+s2], $0x80, $0x38;
	[tilespmem:$0x910] =	vst v63  }
0x41: {  	_ =	swait.ge [sflag:s26], $0x80  }
0x42: {  	[sflag:s26] =	ssyncset.done $0x0  }
0x43: {  	[sflag:s26] =	ssyncadd.s32 $0xFFFFFF80  }
0x44: {  	[spmem:s1] =	stream.indirect.scatter.add.f32 [tilespmem:s19], [sflag:$0x5], $0x1, s22, s28, $0xb8;
	[tilespmem:$0x910] =	vst v63  }
0x45: {  	_ =	swait.ge [sflag:s29], $0x80  }
0x46: {  	[sflag:s29] =	ssyncset.done $0x0  }
0x47: {  	[sflag:s29] =	ssyncadd.s32 $0xFFFFFF80  }
0x48: {  	[spmem:s1] =	stream.indirect.scatter.add.f32 [tilespmem:s19], [sflag:$0x6], $0x1, s23, s28, $0xb8;
	[tilespmem:$0x910] =	vst v63  }
0x49: {  	_ =	swait.ge [sflag:s30], $0x80  }
0x4a: {  	[sflag:s30] =	ssyncset.done $0x0  }
0x4b: {  	[sflag:s30] =	ssyncadd.s32 $0xFFFFFF80  }
0x4c: {  	[spmem:s1] =	stream.indirect.scatter.add.f32 [tilespmem:s19], [sflag:$0x7], $0x1, s24, s28, $0xb8;
	[tilespmem:$0x910] =	vst v63  }
0x4d: {  	_ =	swait.ge [sflag:s31], $0x80  }
0x4e: {  	[sflag:s31] =	ssyncset.done $0x0  }
0x4f: {  	[sflag:s31] =	ssyncadd.s32 $0xFFFFFF80  }
0x50: {  	[spmem:s1] =	stream.indirect.scatter.add.f32 [tilespmem:s19], [sflag:$0x8], $0x1, s25, s28, $0xb8;
	[tilespmem:$0x910] =	vst v63  }
0x51: {  	_ =	swait.ge [sflag:s0], $0x80  }
0x52: {  	[sflag:s0] =	ssyncset.done $0x0  }
0x53: {  	[sflag:s0] =	ssyncadd.s32 $0xFFFFFF80  }
0x54: {  	_ =	swait.ge [sflag:s3], $0x80  }
0x55: {  	[sflag:s3] =	ssyncset.done $0x0  }
0x56: {  	[sflag:s3] =	ssyncadd.s32 $0xFFFFFF80  }
0x57: {  	_ =	swait.ge [sflag:s6], $0x80  }
0x58: {  	[sflag:s6] =	ssyncset.done $0x0  }
0x59: {  	[sflag:s6] =	ssyncadd.s32 $0xFFFFFF80  }
0x5a: {  	_ =	swait.ge [sflag:s7], $0x80  }
0x5b: {  	s10 =	simm.s32 $0x40;
	s11 =	simm.s32 $0x80;
	[sflag:s7] =	ssyncset.done $0x0  }
.LBB2_2:
0x5c: {  	s13 =	sadd.s32 s10, s18  }
0x5d: {  	[sflag:s7] =	ssyncadd.s32 $0xFFFFFF80;
	s14 =	smov.u32 s11;
	s12 =	sadd.s32 $0x40, s11  }
0x5e: {  	[tilespmem:s22], [sflag:$0x1] =	stream.linear.gather [hbm4b:s13+s2], $0x80, $0x38;
	[tilespmem:$0x910] =	vst v63  }
0x5f: {  	p0 =	sne.s32 s11, $0x480;
	s11 =	sadd.s32 s10, s17  }
0x60: {  	[tilespmem:s23], [sflag:$0x2] =	stream.linear.gather [hbm4b:s11+s2], $0x80, $0x38;
	[tilespmem:$0x910] =	vst v63  }
0x61: {  	s11 =	sadd.s32 s10, s16  }
0x62: {  	[tilespmem:s24], [sflag:$0x3] =	stream.linear.gather [hbm4b:s11+s2], $0x80, $0x38;
	[tilespmem:$0x910] =	vst v63  }
0x63: {  	s11 =	sadd.s32 s10, s15;
	s10 =	smov.u32 s14  }
0x64: {  	[tilespmem:s25], [sflag:$0x4] =	stream.linear.gather [hbm4b:s11+s2], $0x80, $0x38;
	[tilespmem:$0x910] =	vst v63  }
0x65: {  	_ =	swait.ge [sflag:s26], $0x80  }
0x66: {  	[sflag:s26] =	ssyncset.done $0x0  }
0x67: {  	[sflag:s26] =	ssyncadd.s32 $0xFFFFFF80  }
0x68: {  	[spmem:s1] =	stream.indirect.scatter.add.f32 [tilespmem:s19], [sflag:$0x5], $0x1, s22, s28, $0xb8;
	[tilespmem:$0x910] =	vst v63  }
0x69: {  	_ =	swait.ge [sflag:s29], $0x80  }
0x6a: {  	[sflag:s29] =	ssyncset.done $0x0  }
0x6b: {  	[sflag:s29] =	ssyncadd.s32 $0xFFFFFF80  }
0x6c: {  	[spmem:s1] =	stream.indirect.scatter.add.f32 [tilespmem:s19], [sflag:$0x6], $0x1, s23, s28, $0xb8;
	[tilespmem:$0x910] =	vst v63  }
0x6d: {  	_ =	swait.ge [sflag:s30], $0x80  }
0x6e: {  	[sflag:s30] =	ssyncset.done $0x0  }
0x6f: {  	[sflag:s30] =	ssyncadd.s32 $0xFFFFFF80  }
0x70: {  	[spmem:s1] =	stream.indirect.scatter.add.f32 [tilespmem:s19], [sflag:$0x7], $0x1, s24, s28, $0xb8;
	[tilespmem:$0x910] =	vst v63  }
0x71: {  	_ =	swait.ge [sflag:s31], $0x80  }
0x72: {  	[sflag:s31] =	ssyncset.done $0x0  }
0x73: {  	[sflag:s31] =	ssyncadd.s32 $0xFFFFFF80  }
0x74: {  	[spmem:s1] =	stream.indirect.scatter.add.f32 [tilespmem:s19], [sflag:$0x8], $0x1, s25, s28, $0xb8;
	[tilespmem:$0x910] =	vst v63  }
0x75: {  	_ =	swait.ge [sflag:s0], $0x80  }
0x76: {  	[sflag:s0] =	ssyncset.done $0x0  }
0x77: {  	[sflag:s0] =	ssyncadd.s32 $0xFFFFFF80  }
0x78: {  	_ =	swait.ge [sflag:s3], $0x80  }
0x79: {  	[sflag:s3] =	ssyncset.done $0x0  }
0x7a: {  	[sflag:s3] =	ssyncadd.s32 $0xFFFFFF80  }
.Ltmp0:
0x7b: {  	_ =	swait.ge [sflag:s6], $0x80;
	(pc) =	sbr.rel @p0 .LBB2_2-.Ltmp0, $4  }
0x7c: {  	[sflag:s6] =	ssyncset.done $0x0  }
0x7d: {  	[sflag:s6] =	ssyncadd.s32 $0xFFFFFF80  }
0x7e: {  	_ =	swait.ge [sflag:s7], $0x80  }
0x7f: {  	s11 =	smov.u32 s12;
	[sflag:s7] =	ssyncset.done $0x0  }
0x80: {  	s11 =	sadd.s32 s10, s18;
	[sflag:s7] =	ssyncadd.s32 $0xFFFFFF80  }
0x81: {  	[tilespmem:s22], [sflag:$0x1] =	stream.linear.gather [hbm4b:s11+s2], $0x80, $0x38;
	[tilespmem:$0x910] =	vst v63  }
0x82: {  	s13 =	sadd.s32 s10, s17  }
0x83: {  	[tilespmem:s23], [sflag:$0x2] =	stream.linear.gather [hbm4b:s13+s2], $0x80, $0x38;
	[tilespmem:$0x910] =	vst v63  }
0x84: {  	s14 =	sadd.s32 s10, s16  }
0x85: {  	[tilespmem:s24], [sflag:$0x3] =	stream.linear.gather [hbm4b:s14+s2], $0x80, $0x38;
	[tilespmem:$0x910] =	vst v63  }
0x86: {  	s11 =	sadd.s32 s10, s15  }
0x87: {  	[tilespmem:s25], [sflag:$0x4] =	stream.linear.gather [hbm4b:s11+s2], $0x80, $0x38;
	[tilespmem:$0x910] =	vst v63  }
0x88: {  	_ =	swait.ge [sflag:s26], $0x80  }
0x89: {  	[sflag:s26] =	ssyncset.done $0x0  }
0x8a: {  	[sflag:s26] =	ssyncadd.s32 $0xFFFFFF80  }
0x8b: {  	[spmem:s1] =	stream.indirect.scatter.add.f32 [tilespmem:s19], [sflag:$0x5], $0x1, s22, s28, $0xb8;
	[tilespmem:$0x910] =	vst v63  }
0x8c: {  	_ =	swait.ge [sflag:s29], $0x80  }
0x8d: {  	[sflag:s29] =	ssyncset.done $0x0  }
0x8e: {  	[sflag:s29] =	ssyncadd.s32 $0xFFFFFF80  }
0x8f: {  	[spmem:s1] =	stream.indirect.scatter.add.f32 [tilespmem:s19], [sflag:$0x6], $0x1, s23, s28, $0xb8;
	[tilespmem:$0x910] =	vst v63  }
0x90: {  	_ =	swait.ge [sflag:s30], $0x80  }
0x91: {  	[sflag:s30] =	ssyncset.done $0x0  }
0x92: {  	[sflag:s30] =	ssyncadd.s32 $0xFFFFFF80  }
0x93: {  	[spmem:s1] =	stream.indirect.scatter.add.f32 [tilespmem:s19], [sflag:$0x7], $0x1, s24, s28, $0xb8;
	[tilespmem:$0x910] =	vst v63  }
0x94: {  	_ =	swait.ge [sflag:s31], $0x80  }
0x95: {  	[sflag:s31] =	ssyncset.done $0x0  }
0x96: {  	[sflag:s31] =	ssyncadd.s32 $0xFFFFFF80  }
0x97: {  	[spmem:s1] =	stream.indirect.scatter.add.f32 [tilespmem:s19], [sflag:$0x8], $0x1, s25, s28, $0xb8;
	[tilespmem:$0x910] =	vst v63  }
0x98: {  	_ =	swait.ge [sflag:s0], $0x80  }
0x99: {  	[sflag:s0] =	ssyncset.done $0x0  }
0x9a: {  	[sflag:s0] =	ssyncadd.s32 $0xFFFFFF80  }
0x9b: {  	_ =	swait.ge [sflag:s3], $0x80  }
0x9c: {  	[sflag:s3] =	ssyncset.done $0x0  }
0x9d: {  	[sflag:s3] =	ssyncadd.s32 $0xFFFFFF80  }
0x9e: {  	_ =	swait.ge [sflag:s6], $0x80  }
0x9f: {  	[sflag:s6] =	ssyncset.done $0x0  }
0xa0: {  	[sflag:s6] =	ssyncadd.s32 $0xFFFFFF80  }
0xa1: {  	_ =	swait.ge [sflag:s7], $0x80  }
0xa2: {  	[sflag:s7] =	ssyncset.done $0x0  }
0xa3: {  	s12 =	rddreg [dreg:$0x8];
	[sflag:s7] =	ssyncadd.s32 $0xFFFFFF80  }
0xa4: {  	[tilespmem:s22], [sflag:$0x1] =	stream.linear.gather [hbm4b:s12+s2], $0x80, $0x38;
	[tilespmem:$0x910] =	vst v63  }
0xa5: {  	s13 =	rddreg [dreg:$0x9]  }
0xa6: {  	[tilespmem:s23], [sflag:$0x2] =	stream.linear.gather [hbm4b:s13+s2], $0x80, $0x38;
	[tilespmem:$0x910] =	vst v63  }
0xa7: {  	_ =	swait.ge [sflag:s26], $0x80  }
0xa8: {  	[sflag:s26] =	ssyncset.done $0x0  }
0xa9: {  	[sflag:s26] =	ssyncadd.s32 $0xFFFFFF80  }
0xaa: {  	[spmem:s1] =	stream.indirect.scatter.add.f32 [tilespmem:s19], [sflag:$0x5], $0x1, s22, s28, $0xb8;
	[tilespmem:$0x910] =	vst v63  }
0xab: {  	_ =	swait.ge [sflag:s29], $0x80  }
0xac: {  	[sflag:s29] =	ssyncset.done $0x0  }
0xad: {  	[sflag:s29] =	ssyncadd.s32 $0xFFFFFF80  }
0xae: {  	[spmem:s1] =	stream.indirect.scatter.add.f32 [tilespmem:s19], [sflag:$0x6], $0x1, s23, s28, $0xb8;
	[tilespmem:$0x910] =	vst v63  }
0xaf: {  	_ =	swait.ge [sflag:s0], $0x80  }
0xb0: {  	[sflag:s0] =	ssyncset.done $0x0  }
0xb1: {  	[sflag:s0] =	ssyncadd.s32 $0xFFFFFF80  }
0xb2: {  	_ =	swait.ge [sflag:s3], $0x80  }
0xb3: {  	[sflag:s3] =	ssyncset.done $0x0  }
0xb4: {  	s14 =	rddreg [dreg:$0xa];
	[sflag:s3] =	ssyncadd.s32 $0xFFFFFF80  }
0xb5: {  	[tilespmem:s8], [sflag:$0x9] =	stream.linear.gather [hbm4b:s14+s2], $0x10, $0x38;
	[tilespmem:$0x910] =	vst v63  }
0xb6: {  	_ =	swait.ge [sflag:s20], $0x10  }
0xb7: {  	[sflag:s20] =	ssyncset.done $0x0  }
0xb8: {  	s11 =	simm.s32 $0x10;
	[sflag:s20] =	ssyncadd.s32 $0xFFFFFFF0  }
0xb9: {  	[spmem:s1] =	stream.indirect.scatter.add.f32 [tilespmem:s21], [sflag:$0x9], $0x1, s8, s11, $0xb8;
	[tilespmem:$0x910] =	vst v63  }
0xba: {  	_ =	swait.ge [sflag:s20], $0x10  }
0xbb: {  	[sflag:s20] =	ssyncset.done $0x0  }
0xbc: {  	s12 =	stileid.u32;
	[sflag:s20] =	ssyncadd.s32 $0xFFFFFFF0  }
0xbd: {  	s10 =	sshll.u32 s12, $0x6;
	[bflag:$0x0] =	sbarrier.arrive $0xFFFF  }
0xbe: {  	s10 =	sor.u32 $0x1C09, s10;
	s13 =	sshrl.u32 s5, $0x3;
	s12 =	rddreg [dreg:$0xb]  }
0xbf: {  	[hbm:s12], [sflag:s10] =	dma.local [spmem:s13], $0x280  }
0xc0: {  	_ =	swait.ge [sflag:s20], $0x280  }
0xc1: {  	s9 =	sadd.s32 $0x1, s9;
	s14 =	rddreg [dreg:$0xc]  }
0xc2: {  	p0 =	sne.s32 s9, s14  }
.Ltmp1:
0xc3: {  	_ = 	snop;
	(pc) =	sbr.rel @p0 .LBB2_1-.Ltmp1, $3  }
0xc4: {  	_ =	sdelay $0x1  }
0xc5: {  	[sflag:s20] =	ssyncset.done $0x0  }
0xc6: {  	[sflag:s20] =	ssyncadd.s32 $0xFFFFFD80  }
0xc7: {  	_ =	sfence.sel $0x180000  }
0xc8: {  	[bflag:$0x0] =	sbarrier.arrive $0xFFFF  }
0xc9: {  	_ =	strace $0x90000047  }
0xca: {  	s0 =	stileid.u32;
	[bflag:$0x2] =	sbarrier.arrive $0xFFFF  }
0xcb: {  	p0 =	sne.s32 s0, $0x0;
	s0 =	rddreg [dreg:$0x3]  }
0xcc: {  	s0 =	sadd.s32 @!p0 $0x100000, s0  }
0xcd: {  	[sflag:s0] =	ssyncadd.tile.s32 @!p0 $0x1;
	_ =	shalt  }
.Lfunc_end2:
_tile_overlayer_lowered:
.L_overlay_start_2:
0xce: {  	(tag) =	ssettag $0x2  }
0xcf: {  	s0 =	rddreg [dreg:$0x0];
	s2 =	stileid.u32  }
0xd0: {  	s1 =	rddreg [dreg:$0x1];
	p0 =	sne.s32 s2, $0x0  }
0xd1: {  	s3 =	rddreg [dreg:$0x2];
	[bflag:$0x3] =	sbarrier.arrive $0xFFFF;
	s2 =	simm.s32 @!p0 $0x1C09  }
0xd2: {  	[timem:s3], [sflag:s2] =	dma.local @!p0 [hbm:s0], s1  }
0xd3: {  	s0 =	simm.s32 @!p0 $0x9  }
0xd4: {  	_ =	swait.ge @!p0 [sflag:s0], s1  }
0xd5: {  	s1 =	ssub.s32 @!p0 $0x0, s1;
	[sflag:s0] =	ssyncset.done @!p0 $0x0  }
0xd6: {  	[sflag:s0] =	ssyncadd.s32 @!p0 s1  }
0xd7: {  	[bflag:$0x3] =	sbarrier.arrive $0xFFFF  }
0xd8: {  	_ =	shalt  }

</sc_bundles>
